<compile_context>
chip_gen: v7x
topology: tpu7x:2x2x1
jax: 0.10.2.dev20260603
libtpu: 0.0.44.dev20260713+nightly
codegen_flags: <defaults>
</compile_context>

<pallas_src>
import functools

import jax
import jax.numpy as jnp
from jax import lax
from jax.experimental import pallas as pl
from jax.experimental.pallas import tpu as pltpu
from jax.experimental.pallas import tpu_sc as plsc

N0 = 50000
E0 = 800000
D0 = 84
H0 = 840
G0 = 512

RBLK = 2048
NP = 51200
EBLK = 4096
EP = 802816
DP = 128
HP = 896
GP = 520
NRB = NP // RBLK
NEB = EP // EBLK


NSC = 50176
ESC = 802816
TPW = 196
EPW = TPW * 128
NCH = 4
CREAL = 12544
CROWS = 12672
ZPS = CROWS // 16
CPS = CREAL // 16


def _segsum_sc_body(x_hbm, src_hbm, dst_hbm, zrows_hbm, out_hbm,
                    src_v, dst_v, idx_v, rows_v, acc_sh, sem):
    cid = lax.axis_index("c")
    sid = lax.axis_index("s")
    wid = sid * 2 + cid
    ebase = wid * EPW
    for ch in range(NCH):
        base = ch * CREAL
        pltpu.sync_copy(zrows_hbm, acc_sh.at[pl.ds(sid * ZPS, ZPS)])
        plsc.subcore_barrier()

        def tile(t, carry):
            off = ebase + t * 128
            pltpu.sync_copy(src_hbm.at[pl.ds(off, 128)], src_v)
            pltpu.sync_copy(dst_hbm.at[pl.ds(off, 128)], dst_v)
            for j in range(8):
                v = dst_v[pl.ds(j * 16, 16)]
                t16 = v - jnp.full((16,), base, jnp.int32)
                ok = (t16 >= jnp.zeros((16,), jnp.int32)) & (
                    t16 < jnp.full((16,), CREAL, jnp.int32))
                idx_v[pl.ds(j * 16, 16)] = jnp.where(
                    ok, t16, jnp.full((16,), CREAL, jnp.int32))
            pltpu.async_copy(x_hbm.at[src_v], rows_v, sem).wait()
            pltpu.sync_copy(rows_v, acc_sh.at[idx_v], add=True)
            return carry

        lax.fori_loop(0, TPW, tile, 0)
        plsc.subcore_barrier()
        pltpu.sync_copy(
            acc_sh.at[pl.ds(sid * CPS, CPS)],
            out_hbm.at[cid, pl.ds(base + sid * CPS, CPS)])
        plsc.subcore_barrier()


def _segment_sum_sc(x128, src, dst, zrows):
    mesh = plsc.VectorSubcoreMesh(core_axis_name="c", subcore_axis_name="s")
    fn = functools.partial(
        pl.kernel,
        mesh=mesh,
        out_type=jax.ShapeDtypeStruct((2, NSC, DP), jnp.float32),
        scratch_types=[
            pltpu.VMEM((128,), jnp.int32),
            pltpu.VMEM((128,), jnp.int32),
            pltpu.VMEM((128,), jnp.int32),
            pltpu.VMEM((128, DP), jnp.float32),
            pltpu.VMEM_SHARED((CROWS, DP), jnp.float32),
            pltpu.SemaphoreType.DMA,
        ],
    )(_segsum_sc_body)
    return fn(x128, src, dst, zrows)


def _mlp_body(x_ref, a_ref, b2_ref, w_ref, b_ref, o_ref):
    z = jnp.dot(x_ref[...] + a_ref[...] + b2_ref[...], w_ref[...],
                preferred_element_type=jnp.float32)
    o_ref[...] = jnp.maximum(z + b_ref[0:1, :], 0.0)


def _mlp(xp, agg_a, agg_b, wt, b, dout):
    return pl.pallas_call(
        _mlp_body,
        grid=(NRB,),
        in_specs=[
            pl.BlockSpec((RBLK, DP), lambda r: (r, 0)),
            pl.BlockSpec((RBLK, DP), lambda r: (r, 0)),
            pl.BlockSpec((RBLK, DP), lambda r: (r, 0)),
            pl.BlockSpec((DP, dout), lambda r: (0, 0)),
            pl.BlockSpec((8, dout), lambda r: (0, 0)),
        ],
        out_specs=pl.BlockSpec((RBLK, dout), lambda r: (r, 0)),
        out_shape=jax.ShapeDtypeStruct((NP, dout), jnp.float32),
    )(xp, agg_a, agg_b, wt, b)


def _pool_body(bv_ref, bs_ref, h_ref, mx_ref, sm_ref, ct_ref):
    @pl.when(pl.program_id(0) == 0)
    def _init():
        mx_ref[...] = jnp.full_like(mx_ref, -jnp.inf)
        sm_ref[...] = jnp.zeros_like(sm_ref)
        ct_ref[...] = jnp.zeros_like(ct_ref)

    seg = bv_ref[0, 0, :]
    iota = jax.lax.broadcasted_iota(jnp.int32, (RBLK, GP), 1)
    p = (seg[:, None] == iota).astype(jnp.float32)
    h = h_ref[...]
    sm_ref[...] += jnp.dot(p.T, h, preferred_element_type=jnp.float32)
    ct_ref[...] += jnp.dot(p.T, jnp.ones((RBLK, 128), jnp.float32),
                           preferred_element_type=jnp.float32)

    def body(i, carry):
        s = bs_ref[0, 0, i]
        mx_ref[pl.ds(s, 1), :] = jnp.maximum(mx_ref[pl.ds(s, 1), :],
                                             h_ref[pl.ds(i, 1), :])
        return carry

    jax.lax.fori_loop(0, RBLK, body, 0, unroll=8)


def _pool(bp3, h2):
    return pl.pallas_call(
        _pool_body,
        grid=(NRB,),
        in_specs=[
            pl.BlockSpec((1, 1, RBLK), lambda r: (r, 0, 0)),
            pl.BlockSpec((1, 1, RBLK), lambda r: (r, 0, 0),
                         memory_space=pltpu.SMEM),
            pl.BlockSpec((RBLK, HP), lambda r: (r, 0)),
        ],
        out_specs=[
            pl.BlockSpec((GP, HP), lambda r: (0, 0)),
            pl.BlockSpec((GP, HP), lambda r: (0, 0)),
            pl.BlockSpec((GP, 128), lambda r: (0, 0)),
        ],
        out_shape=[
            jax.ShapeDtypeStruct((GP, HP), jnp.float32),
            jax.ShapeDtypeStruct((GP, HP), jnp.float32),
            jax.ShapeDtypeStruct((GP, 128), jnp.float32),
        ],
    )(bp3, bp3, h2)


def _fc_body(mx_ref, sm_ref, ct_ref, w1_ref, b1_ref, w2_ref, b2_ref, o_ref):
    mx = mx_ref[0:G0, :]
    mx = jnp.where(mx > -1e30, mx, 0.0)
    cnt = jnp.maximum(ct_ref[0:G0, 0:1], 1.0)
    mean = sm_ref[0:G0, :] / cnt
    pooled = jnp.concatenate([mx, mean], axis=1)
    hfc = jnp.maximum(
        jnp.dot(pooled, w1_ref[...], preferred_element_type=jnp.float32)
        + b1_ref[0:1, :], 0.0)
    o_ref[...] = (jnp.dot(hfc, w2_ref[...], preferred_element_type=jnp.float32)
                  + b2_ref[0:1, :])


def _fc(mx, sm, ct, wg1t, bg1p, wg2t, bg2p):
    return pl.pallas_call(
        _fc_body,
        out_shape=jax.ShapeDtypeStruct((G0, 384), jnp.float32),
    )(mx, sm, ct, wg1t, bg1p, wg2t, bg2p)


def _join(o, c):
    return jnp.zeros((NP, DP), jnp.float32).at[:NSC].set(o[c])


def kernel(x, edge_index, batch, W1, b1, W2, b2, Wg1, bg1, Wg2, bg2):
    f32 = jnp.float32
    xp = jnp.zeros((NP, DP), f32).at[:N0, :D0].set(x)
    src = jnp.full((ESC,), N0, jnp.int32).at[:E0].set(edge_index[0])
    dst = jnp.full((ESC,), N0, jnp.int32).at[:E0].set(edge_index[1])
    zrows = jnp.zeros((ZPS, DP), f32)
    bp = jnp.full((NP,), G0, jnp.int32).at[:N0].set(batch)
    bp3 = bp.reshape(NRB, 1, RBLK)

    w1t = jnp.zeros((DP, DP), f32).at[:D0, :D0].set(W1.T)
    b1p = jnp.zeros((8, DP), f32).at[:, :D0].set(b1[None, :])
    w2t = jnp.zeros((DP, HP), f32).at[:D0, :H0].set(W2.T)
    b2p = jnp.zeros((8, HP), f32).at[:, :H0].set(b2[None, :])

    wg1t = jnp.zeros((2 * HP, 1024), f32)
    wg1t = wg1t.at[:H0, :].set(Wg1[:, :H0].T)
    wg1t = wg1t.at[HP:HP + H0, :].set(Wg1[:, H0:].T)
    bg1p = jnp.broadcast_to(bg1[None, :], (8, 1024))
    wg2t = Wg2.T
    bg2p = jnp.broadcast_to(bg2[None, :], (8, 384))

    o1 = _segment_sum_sc(xp[:NSC], src, dst, zrows)
    h = _mlp(xp, _join(o1, 0), _join(o1, 1), w1t, b1p, DP)
    o2 = _segment_sum_sc(h[:NSC], src, dst, zrows)
    h2 = _mlp(h, _join(o2, 0), _join(o2, 1), w2t, b2p, HP)
    mx, sm, ct = _pool(bp3, h2)
    return _fc(mx, sm, ct, wg1t, bg1p, wg2t, bg2p)

# --- scband reference (transcript-rebuilt; emitter-appended) ---
"""Pipeline reference for scband-gnnmodule-33054068310342 (READ-ONLY COPY).

The authoritative reference and input builder live on the scoring server;
editing this copy changes nothing except your own understanding.
"""

import jax, jax.numpy as jnp
import numpy as np

N = 50000
E = 800000
D = 84
H = 840
G = 512


def setup_inputs(seed: int = 0) -> dict:
    key = jax.random.key(seed)
    ks = jax.random.split(key, 12)
    x = jax.random.normal(ks[0], (N, D), dtype=jnp.float32)
    edge_index = jax.random.randint(ks[1], (2, E), 0, N, dtype=jnp.int32)
    batch = jnp.sort(jax.random.randint(ks[2], (N,), 0, G, dtype=jnp.int32))
    # GINConv nn weights (nn.Linear(84,84) and nn.Linear(84,840))
    W1 = jax.random.normal(ks[3], (D, D), dtype=jnp.float32) * (1.0 / np.sqrt(D))
    b1 = jnp.zeros((D,), dtype=jnp.float32)
    W2 = jax.random.normal(ks[4], (H, D), dtype=jnp.float32) * (1.0 / np.sqrt(D))
    b2 = jnp.zeros((H,), dtype=jnp.float32)
    # fc_g: Linear(1680,1024) -> ReLU -> Dropout(eval=id) -> Linear(1024,384)
    Wg1 = jax.random.normal(ks[5], (1024, 2 * H), dtype=jnp.float32) * (1.0 / np.sqrt(2 * H))
    bg1 = jnp.zeros((1024,), dtype=jnp.float32)
    Wg2 = jax.random.normal(ks[6], (384, 1024), dtype=jnp.float32) * (1.0 / np.sqrt(1024))
    bg2 = jnp.zeros((384,), dtype=jnp.float32)
    return {"x": x, "edge_index": edge_index, "batch": batch,
            "W1": W1, "b1": b1, "W2": W2, "b2": b2,
            "Wg1": Wg1, "bg1": bg1, "Wg2": Wg2, "bg2": bg2}


def reference(x, edge_index, batch, W1, b1, W2, b2, Wg1, bg1, Wg2, bg2):
    src = edge_index[0]
    dst = edge_index[1]

    def gin_conv(h, W, b):
        # GINConv with eps=0: nn((1+eps)*x + sum_{j in N(i)} x_j)
        agg = jax.ops.segment_sum(h[src], dst, num_segments=N)
        return (h + agg) @ W.T + b

    h = jax.nn.relu(gin_conv(x, W1, b1))
    h2 = jax.nn.relu(gin_conv(h, W2, b2))
    # global max pool (gmp) and global mean pool (gap) over batch segments
    mx = jax.ops.segment_max(h2, batch, num_segments=G)
    mx = jnp.where(jnp.isfinite(mx), mx, 0.0)
    cnt = jax.ops.segment_sum(jnp.ones((N, 1), dtype=jnp.float32), batch, num_segments=G)
    mean = jax.ops.segment_sum(h2, batch, num_segments=G) / jnp.maximum(cnt, 1.0)
    pooled = jnp.concatenate([mx, mean], axis=1)  # [G, 1680]
    hfc = jax.nn.relu(pooled @ Wg1.T + bg1)
    out = hfc @ Wg2.T + bg2  # [G, 384]
    return out

if __name__ == "__main__":
    import jax
    _d = setup_inputs()
    print(jax.jit(kernel)(*tuple(_d.values())))

</pallas_src>

<mosaic_0001>
#map = affine_map<(d0, d1) -> (0, 0)>
#map1 = affine_map<(d0, d1) -> (0)>
#map2 = affine_map<(d0, d1) -> (0, 0, 0)>
module attributes {stable_mosaic.version = 14 : i64} {
  func.func @_segsum_sc_body(%arg0: i32, %arg1: i32, %arg2: memref<50176x128xf32, #tpu.memory_space<hbm>>, %arg3: memref<802816xi32, #tpu.memory_space<hbm>>, %arg4: memref<802816xi32, #tpu.memory_space<hbm>>, %arg5: memref<792x128xf32, #tpu.memory_space<hbm>>, %arg6: memref<2x50176x128xf32, #tpu.memory_space<hbm>>, %arg7: memref<128xi32, #tpu.memory_space<vmem>>, %arg8: memref<128xi32, #tpu.memory_space<vmem>>, %arg9: memref<128xi32, #tpu.memory_space<vmem>>, %arg10: memref<128x128xf32, #tpu.memory_space<vmem>>, %arg11: memref<12672x128xf32, #tpu.memory_space<vmem_shared>>, %arg12: memref<!tpu.dma_semaphore, #tpu.memory_space<semaphore_mem>>) attributes {dimension_semantics = [#tpu.dimension_semantics<core_parallel>, #tpu.dimension_semantics<subcore_parallel>], iteration_bounds = array<i64: 2, 16>, scalar_prefetch = 0 : i64, scratch_operands = 6 : i64, tpu.core_type = #tpu.core_type<sc_vector_subcore>, window_params = [{transform_indices = #map}, {transform_indices = #map1}, {transform_indices = #map1}, {transform_indices = #map}, {transform_indices = #map2}]} {
    %mul3A = arith.constant 2 : i32
    %mul3A_0 = arith.muli %arg1, %mul3A : i32
    %add3A = arith.addi %mul3A_0, %arg0 : i32
    %mul3A_1 = arith.constant 25088 : i32
    %mul3A_2 = arith.muli %add3A, %mul3A_1 : i32
    %mul3A_3 = arith.constant 792 : i32
    %mul3A_4 = arith.muli %arg1, %mul3A_3 : i32
    "tpu.region"() ({
      %run_scoped3A = tpu.sem_alloc : memref<!tpu.dma_semaphore, #tpu.memory_space<semaphore_mem>>
      %dma_start3A = arith.constant 0 : i32
      %dma_start3A_69 = tpu.memref_slice %arg11[%mul3A_4, %dma_start3A] : memref<12672x128xf32, #tpu.memory_space<vmem_shared>> -> memref<792x128xf32, #tpu.memory_space<vmem_shared>>
      tpu.enqueue_dma source(%arg5 : memref<792x128xf32, #tpu.memory_space<hbm>>) target(%dma_start3A_69 : memref<792x128xf32, #tpu.memory_space<vmem_shared>>) target_semaphore(%run_scoped3A : memref<!tpu.dma_semaphore, #tpu.memory_space<semaphore_mem>>)
      %dma_wait3A = arith.constant 0 : i32
      %dma_wait3A_70 = tpu.memref_slice %arg11[%mul3A_4, %dma_wait3A] : memref<12672x128xf32, #tpu.memory_space<vmem_shared>> -> memref<792x128xf32, #tpu.memory_space<vmem_shared>>
      tpu.wait_dma2 semaphore(%run_scoped3A : memref<!tpu.dma_semaphore, #tpu.memory_space<semaphore_mem>>) src(%arg5 : memref<792x128xf32, #tpu.memory_space<hbm>>) dst(%dma_wait3A_70 : memref<792x128xf32, #tpu.memory_space<vmem_shared>>)
      tpu.yield
    }) : () -> ()
    %barrier3A = arith.constant 0 : index
    tpu.barrier barrier_id(%barrier3A)
    %scan3A = arith.constant 0 : i32
    %scan3A_5 = arith.constant 0 : i32
    %scan3A_6 = arith.constant 196 : i32
    %scan3A_7 = arith.addi %scan3A_5, %scan3A_6 : i32
    %scan3A_8 = arith.constant 1 : i32
    scf.for %scan3A_69 = %scan3A_5 to %scan3A_7 step %scan3A_8  : i32 {
      %mul3A_70 = arith.constant 128 : i32
      %mul3A_71 = arith.muli %scan3A_69, %mul3A_70 : i32
      %add3A_72 = arith.addi %mul3A_2, %mul3A_71 : i32
      "tpu.region"() ({
        %run_scoped3A = tpu.sem_alloc : memref<!tpu.dma_semaphore, #tpu.memory_space<semaphore_mem>>
        %dma_start3A_229 = tpu.memref_slice %arg3[%add3A_72] : memref<802816xi32, #tpu.memory_space<hbm>> -> memref<128xi32, #tpu.memory_space<hbm>>
        %dma_start3A_230 = tpu.memref_slice %arg3[%add3A_72] : memref<802816xi32, #tpu.memory_space<hbm>> -> memref<128xi32, #tpu.memory_space<hbm>>
        tpu.enqueue_dma source(%dma_start3A_230 : memref<128xi32, #tpu.memory_space<hbm>>) target(%arg7 : memref<128xi32, #tpu.memory_space<vmem>>) target_semaphore(%run_scoped3A : memref<!tpu.dma_semaphore, #tpu.memory_space<semaphore_mem>>)
        %dma_wait3A_231 = tpu.memref_slice %arg3[%add3A_72] : memref<802816xi32, #tpu.memory_space<hbm>> -> memref<128xi32, #tpu.memory_space<hbm>>
        %dma_wait3A_232 = tpu.memref_slice %arg3[%add3A_72] : memref<802816xi32, #tpu.memory_space<hbm>> -> memref<128xi32, #tpu.memory_space<hbm>>
        tpu.wait_dma2 semaphore(%run_scoped3A : memref<!tpu.dma_semaphore, #tpu.memory_space<semaphore_mem>>) src(%dma_wait3A_232 : memref<128xi32, #tpu.memory_space<hbm>>) dst(%arg7 : memref<128xi32, #tpu.memory_space<vmem>>)
        tpu.yield
      }) : () -> ()
      "tpu.region"() ({
        %run_scoped3A = tpu.sem_alloc : memref<!tpu.dma_semaphore, #tpu.memory_space<semaphore_mem>>
        %dma_start3A_229 = tpu.memref_slice %arg4[%add3A_72] : memref<802816xi32, #tpu.memory_space<hbm>> -> memref<128xi32, #tpu.memory_space<hbm>>
        %dma_start3A_230 = tpu.memref_slice %arg4[%add3A_72] : memref<802816xi32, #tpu.memory_space<hbm>> -> memref<128xi32, #tpu.memory_space<hbm>>
        tpu.enqueue_dma source(%dma_start3A_230 : memref<128xi32, #tpu.memory_space<hbm>>) target(%arg8 : memref<128xi32, #tpu.memory_space<vmem>>) target_semaphore(%run_scoped3A : memref<!tpu.dma_semaphore, #tpu.memory_space<semaphore_mem>>)
        %dma_wait3A_231 = tpu.memref_slice %arg4[%add3A_72] : memref<802816xi32, #tpu.memory_space<hbm>> -> memref<128xi32, #tpu.memory_space<hbm>>
        %dma_wait3A_232 = tpu.memref_slice %arg4[%add3A_72] : memref<802816xi32, #tpu.memory_space<hbm>> -> memref<128xi32, #tpu.memory_space<hbm>>
        tpu.wait_dma2 semaphore(%run_scoped3A : memref<!tpu.dma_semaphore, #tpu.memory_space<semaphore_mem>>) src(%dma_wait3A_232 : memref<128xi32, #tpu.memory_space<hbm>>) dst(%arg8 : memref<128xi32, #tpu.memory_space<vmem>>)
        tpu.yield
      }) : () -> ()
      %get3A = arith.constant 0 : index
      %get3A_73 = tpu.vector_load %arg8[%get3A] {strides = array<i32>} : memref<128xi32, #tpu.memory_space<vmem>>, vector<16xi32>,
      %get3A_74 = vector.shape_cast %get3A_73 : vector<16xi32> to vector<16xi32>
      %broadcast_in_dim3A = arith.constant 0 : i32
      %broadcast_in_dim3A_75 = vector.broadcast %broadcast_in_dim3A : i32 to vector<16xi32>
      %sub3A = arith.subi %get3A_74, %broadcast_in_dim3A_75 : vector<16xi32>
      %broadcast_in_dim3A_76 = arith.constant 0 : i32
      %broadcast_in_dim3A_77 = vector.broadcast %broadcast_in_dim3A_76 : i32 to vector<16xi32>
      %ge3A = arith.cmpi sge, %sub3A, %broadcast_in_dim3A_77 : vector<16xi32>
      %broadcast_in_dim3A_78 = arith.constant 12544 : i32
      %broadcast_in_dim3A_79 = vector.broadcast %broadcast_in_dim3A_78 : i32 to vector<16xi32>
      %lt3A = arith.cmpi slt, %sub3A, %broadcast_in_dim3A_79 : vector<16xi32>
      %and3A = arith.andi %ge3A, %lt3A : vector<16xi1>
      %broadcast_in_dim3A_80 = arith.constant 12544 : i32
      %broadcast_in_dim3A_81 = vector.broadcast %broadcast_in_dim3A_80 : i32 to vector<16xi32>
      %select_n3A = arith.select %and3A, %sub3A, %broadcast_in_dim3A_81 : vector<16xi1>, vector<16xi32>
      %swap3A = arith.constant 0 : index
      %swap3A_82 = tpu.vector_load %arg9[%swap3A] {strides = array<i32>} : memref<128xi32, #tpu.memory_space<vmem>>, vector<16xi32>,
      %swap3A_83 = vector.shape_cast %swap3A_82 : vector<16xi32> to vector<16xi32>
      %swap3A_84 = vector.shape_cast %select_n3A : vector<16xi32> to vector<16xi32>
      tpu.vector_store %arg9[%swap3A], %swap3A_84 {strides = array<i32>} : memref<128xi32, #tpu.memory_space<vmem>>, vector<16xi32>,
      %get3A_85 = arith.constant 16 : index
      %get3A_86 = tpu.vector_load %arg8[%get3A_85] {strides = array<i32>} : memref<128xi32, #tpu.memory_space<vmem>>, vector<16xi32>,
      %get3A_87 = vector.shape_cast %get3A_86 : vector<16xi32> to vector<16xi32>
      %broadcast_in_dim3A_88 = arith.constant 0 : i32
      %broadcast_in_dim3A_89 = vector.broadcast %broadcast_in_dim3A_88 : i32 to vector<16xi32>
      %sub3A_90 = arith.subi %get3A_87, %broadcast_in_dim3A_89 : vector<16xi32>
      %broadcast_in_dim3A_91 = arith.constant 0 : i32
      %broadcast_in_dim3A_92 = vector.broadcast %broadcast_in_dim3A_91 : i32 to vector<16xi32>
      %ge3A_93 = arith.cmpi sge, %sub3A_90, %broadcast_in_dim3A_92 : vector<16xi32>
      %broadcast_in_dim3A_94 = arith.constant 12544 : i32
      %broadcast_in_dim3A_95 = vector.broadcast %broadcast_in_dim3A_94 : i32 to vector<16xi32>
      %lt3A_96 = arith.cmpi slt, %sub3A_90, %broadcast_in_dim3A_95 : vector<16xi32>
      %and3A_97 = arith.andi %ge3A_93, %lt3A_96 : vector<16xi1>
      %broadcast_in_dim3A_98 = arith.constant 12544 : i32
      %broadcast_in_dim3A_99 = vector.broadcast %broadcast_in_dim3A_98 : i32 to vector<16xi32>
      %select_n3A_100 = arith.select %and3A_97, %sub3A_90, %broadcast_in_dim3A_99 : vector<16xi1>, vector<16xi32>
      %swap3A_101 = arith.constant 16 : index
      %swap3A_102 = tpu.vector_load %arg9[%swap3A_101] {strides = array<i32>} : memref<128xi32, #tpu.memory_space<vmem>>, vector<16xi32>,
      %swap3A_103 = vector.shape_cast %swap3A_102 : vector<16xi32> to vector<16xi32>
      %swap3A_104 = vector.shape_cast %select_n3A_100 : vector<16xi32> to vector<16xi32>
      tpu.vector_store %arg9[%swap3A_101], %swap3A_104 {strides = array<i32>} : memref<128xi32, #tpu.memory_space<vmem>>, vector<16xi32>,
      %get3A_105 = arith.constant 32 : index
      %get3A_106 = tpu.vector_load %arg8[%get3A_105] {strides = array<i32>} : memref<128xi32, #tpu.memory_space<vmem>>, vector<16xi32>,
      %get3A_107 = vector.shape_cast %get3A_106 : vector<16xi32> to vector<16xi32>
      %broadcast_in_dim3A_108 = arith.constant 0 : i32
      %broadcast_in_dim3A_109 = vector.broadcast %broadcast_in_dim3A_108 : i32 to vector<16xi32>
      %sub3A_110 = arith.subi %get3A_107, %broadcast_in_dim3A_109 : vector<16xi32>
      %broadcast_in_dim3A_111 = arith.constant 0 : i32
      %broadcast_in_dim3A_112 = vector.broadcast %broadcast_in_dim3A_111 : i32 to vector<16xi32>
      %ge3A_113 = arith.cmpi sge, %sub3A_110, %broadcast_in_dim3A_112 : vector<16xi32>
      %broadcast_in_dim3A_114 = arith.constant 12544 : i32
      %broadcast_in_dim3A_115 = vector.broadcast %broadcast_in_dim3A_114 : i32 to vector<16xi32>
      %lt3A_116 = arith.cmpi slt, %sub3A_110, %broadcast_in_dim3A_115 : vector<16xi32>
      %and3A_117 = arith.andi %ge3A_113, %lt3A_116 : vector<16xi1>
      %broadcast_in_dim3A_118 = arith.constant 12544 : i32
      %broadcast_in_dim3A_119 = vector.broadcast %broadcast_in_dim3A_118 : i32 to vector<16xi32>
      %select_n3A_120 = arith.select %and3A_117, %sub3A_110, %broadcast_in_dim3A_119 : vector<16xi1>, vector<16xi32>
      %swap3A_121 = arith.constant 32 : index
      %swap3A_122 = tpu.vector_load %arg9[%swap3A_121] {strides = array<i32>} : memref<128xi32, #tpu.memory_space<vmem>>, vector<16xi32>,
      %swap3A_123 = vector.shape_cast %swap3A_122 : vector<16xi32> to vector<16xi32>
      %swap3A_124 = vector.shape_cast %select_n3A_120 : vector<16xi32> to vector<16xi32>
      tpu.vector_store %arg9[%swap3A_121], %swap3A_124 {strides = array<i32>} : memref<128xi32, #tpu.memory_space<vmem>>, vector<16xi32>,
      %get3A_125 = arith.constant 48 : index
      %get3A_126 = tpu.vector_load %arg8[%get3A_125] {strides = array<i32>} : memref<128xi32, #tpu.memory_space<vmem>>, vector<16xi32>,
      %get3A_127 = vector.shape_cast %get3A_126 : vector<16xi32> to vector<16xi32>
      %broadcast_in_dim3A_128 = arith.constant 0 : i32
      %broadcast_in_dim3A_129 = vector.broadcast %broadcast_in_dim3A_128 : i32 to vector<16xi32>
      %sub3A_130 = arith.subi %get3A_127, %broadcast_in_dim3A_129 : vector<16xi32>
      %broadcast_in_dim3A_131 = arith.constant 0 : i32
      %broadcast_in_dim3A_132 = vector.broadcast %broadcast_in_dim3A_131 : i32 to vector<16xi32>
      %ge3A_133 = arith.cmpi sge, %sub3A_130, %broadcast_in_dim3A_132 : vector<16xi32>
      %broadcast_in_dim3A_134 = arith.constant 12544 : i32
      %broadcast_in_dim3A_135 = vector.broadcast %broadcast_in_dim3A_134 : i32 to vector<16xi32>
      %lt3A_136 = arith.cmpi slt, %sub3A_130, %broadcast_in_dim3A_135 : vector<16xi32>
      %and3A_137 = arith.andi %ge3A_133, %lt3A_136 : vector<16xi1>
      %broadcast_in_dim3A_138 = arith.constant 12544 : i32
      %broadcast_in_dim3A_139 = vector.broadcast %broadcast_in_dim3A_138 : i32 to vector<16xi32>
      %select_n3A_140 = arith.select %and3A_137, %sub3A_130, %broadcast_in_dim3A_139 : vector<16xi1>, vector<16xi32>
      %swap3A_141 = arith.constant 48 : index
      %swap3A_142 = tpu.vector_load %arg9[%swap3A_141] {strides = array<i32>} : memref<128xi32, #tpu.memory_space<vmem>>, vector<16xi32>,
      %swap3A_143 = vector.shape_cast %swap3A_142 : vector<16xi32> to vector<16xi32>
      %swap3A_144 = vector.shape_cast %select_n3A_140 : vector<16xi32> to vector<16xi32>
      tpu.vector_store %arg9[%swap3A_141], %swap3A_144 {strides = array<i32>} : memref<128xi32, #tpu.memory_space<vmem>>, vector<16xi32>,
      %get3A_145 = arith.constant 64 : index
      %get3A_146 = tpu.vector_load %arg8[%get3A_145] {strides = array<i32>} : memref<128xi32, #tpu.memory_space<vmem>>, vector<16xi32>,
      %get3A_147 = vector.shape_cast %get3A_146 : vector<16xi32> to vector<16xi32>
      %broadcast_in_dim3A_148 = arith.constant 0 : i32
      %broadcast_in_dim3A_149 = vector.broadcast %broadcast_in_dim3A_148 : i32 to vector<16xi32>
      %sub3A_150 = arith.subi %get3A_147, %broadcast_in_dim3A_149 : vector<16xi32>
      %broadcast_in_dim3A_151 = arith.constant 0 : i32
      %broadcast_in_dim3A_152 = vector.broadcast %broadcast_in_dim3A_151 : i32 to vector<16xi32>
      %ge3A_153 = arith.cmpi sge, %sub3A_150, %broadcast_in_dim3A_152 : vector<16xi32>
      %broadcast_in_dim3A_154 = arith.constant 12544 : i32
      %broadcast_in_dim3A_155 = vector.broadcast %broadcast_in_dim3A_154 : i32 to vector<16xi32>
      %lt3A_156 = arith.cmpi slt, %sub3A_150, %broadcast_in_dim3A_155 : vector<16xi32>
      %and3A_157 = arith.andi %ge3A_153, %lt3A_156 : vector<16xi1>
      %broadcast_in_dim3A_158 = arith.constant 12544 : i32
      %broadcast_in_dim3A_159 = vector.broadcast %broadcast_in_dim3A_158 : i32 to vector<16xi32>
      %select_n3A_160 = arith.select %and3A_157, %sub3A_150, %broadcast_in_dim3A_159 : vector<16xi1>, vector<16xi32>
      %swap3A_161 = arith.constant 64 : index
      %swap3A_162 = tpu.vector_load %arg9[%swap3A_161] {strides = array<i32>} : memref<128xi32, #tpu.memory_space<vmem>>, vector<16xi32>,
      %swap3A_163 = vector.shape_cast %swap3A_162 : vector<16xi32> to vector<16xi32>
      %swap3A_164 = vector.shape_cast %select_n3A_160 : vector<16xi32> to vector<16xi32>
      tpu.vector_store %arg9[%swap3A_161], %swap3A_164 {strides = array<i32>} : memref<128xi32, #tpu.memory_space<vmem>>, vector<16xi32>,
      %get3A_165 = arith.constant 80 : index
      %get3A_166 = tpu.vector_load %arg8[%get3A_165] {strides = array<i32>} : memref<128xi32, #tpu.memory_space<vmem>>, vector<16xi32>,
      %get3A_167 = vector.shape_cast %get3A_166 : vector<16xi32> to vector<16xi32>
      %broadcast_in_dim3A_168 = arith.constant 0 : i32
      %broadcast_in_dim3A_169 = vector.broadcast %broadcast_in_dim3A_168 : i32 to vector<16xi32>
      %sub3A_170 = arith.subi %get3A_167, %broadcast_in_dim3A_169 : vector<16xi32>
      %broadcast_in_dim3A_171 = arith.constant 0 : i32
      %broadcast_in_dim3A_172 = vector.broadcast %broadcast_in_dim3A_171 : i32 to vector<16xi32>
      %ge3A_173 = arith.cmpi sge, %sub3A_170, %broadcast_in_dim3A_172 : vector<16xi32>
      %broadcast_in_dim3A_174 = arith.constant 12544 : i32
      %broadcast_in_dim3A_175 = vector.broadcast %broadcast_in_dim3A_174 : i32 to vector<16xi32>
      %lt3A_176 = arith.cmpi slt, %sub3A_170, %broadcast_in_dim3A_175 : vector<16xi32>
      %and3A_177 = arith.andi %ge3A_173, %lt3A_176 : vector<16xi1>
      %broadcast_in_dim3A_178 = arith.constant 12544 : i32
      %broadcast_in_dim3A_179 = vector.broadcast %broadcast_in_dim3A_178 : i32 to vector<16xi32>
      %select_n3A_180 = arith.select %and3A_177, %sub3A_170, %broadcast_in_dim3A_179 : vector<16xi1>, vector<16xi32>
      %swap3A_181 = arith.constant 80 : index
      %swap3A_182 = tpu.vector_load %arg9[%swap3A_181] {strides = array<i32>} : memref<128xi32, #tpu.memory_space<vmem>>, vector<16xi32>,
      %swap3A_183 = vector.shape_cast %swap3A_182 : vector<16xi32> to vector<16xi32>
      %swap3A_184 = vector.shape_cast %select_n3A_180 : vector<16xi32> to vector<16xi32>
      tpu.vector_store %arg9[%swap3A_181], %swap3A_184 {strides = array<i32>} : memref<128xi32, #tpu.memory_space<vmem>>, vector<16xi32>,
      %get3A_185 = arith.constant 96 : index
      %get3A_186 = tpu.vector_load %arg8[%get3A_185] {strides = array<i32>} : memref<128xi32, #tpu.memory_space<vmem>>, vector<16xi32>,
      %get3A_187 = vector.shape_cast %get3A_186 : vector<16xi32> to vector<16xi32>
      %broadcast_in_dim3A_188 = arith.constant 0 : i32
      %broadcast_in_dim3A_189 = vector.broadcast %broadcast_in_dim3A_188 : i32 to vector<16xi32>
      %sub3A_190 = arith.subi %get3A_187, %broadcast_in_dim3A_189 : vector<16xi32>
      %broadcast_in_dim3A_191 = arith.constant 0 : i32
      %broadcast_in_dim3A_192 = vector.broadcast %broadcast_in_dim3A_191 : i32 to vector<16xi32>
      %ge3A_193 = arith.cmpi sge, %sub3A_190, %broadcast_in_dim3A_192 : vector<16xi32>
      %broadcast_in_dim3A_194 = arith.constant 12544 : i32
      %broadcast_in_dim3A_195 = vector.broadcast %broadcast_in_dim3A_194 : i32 to vector<16xi32>
      %lt3A_196 = arith.cmpi slt, %sub3A_190, %broadcast_in_dim3A_195 : vector<16xi32>
      %and3A_197 = arith.andi %ge3A_193, %lt3A_196 : vector<16xi1>
      %broadcast_in_dim3A_198 = arith.constant 12544 : i32
      %broadcast_in_dim3A_199 = vector.broadcast %broadcast_in_dim3A_198 : i32 to vector<16xi32>
      %select_n3A_200 = arith.select %and3A_197, %sub3A_190, %broadcast_in_dim3A_199 : vector<16xi1>, vector<16xi32>
      %swap3A_201 = arith.constant 96 : index
      %swap3A_202 = tpu.vector_load %arg9[%swap3A_201] {strides = array<i32>} : memref<128xi32, #tpu.memory_space<vmem>>, vector<16xi32>,
      %swap3A_203 = vector.shape_cast %swap3A_202 : vector<16xi32> to vector<16xi32>
      %swap3A_204 = vector.shape_cast %select_n3A_200 : vector<16xi32> to vector<16xi32>
      tpu.vector_store %arg9[%swap3A_201], %swap3A_204 {strides = array<i32>} : memref<128xi32, #tpu.memory_space<vmem>>, vector<16xi32>,
      %get3A_205 = arith.constant 112 : index
      %get3A_206 = tpu.vector_load %arg8[%get3A_205] {strides = array<i32>} : memref<128xi32, #tpu.memory_space<vmem>>, vector<16xi32>,
      %get3A_207 = vector.shape_cast %get3A_206 : vector<16xi32> to vector<16xi32>
      %broadcast_in_dim3A_208 = arith.constant 0 : i32
      %broadcast_in_dim3A_209 = vector.broadcast %broadcast_in_dim3A_208 : i32 to vector<16xi32>
      %sub3A_210 = arith.subi %get3A_207, %broadcast_in_dim3A_209 : vector<16xi32>
      %broadcast_in_dim3A_211 = arith.constant 0 : i32
      %broadcast_in_dim3A_212 = vector.broadcast %broadcast_in_dim3A_211 : i32 to vector<16xi32>
      %ge3A_213 = arith.cmpi sge, %sub3A_210, %broadcast_in_dim3A_212 : vector<16xi32>
      %broadcast_in_dim3A_214 = arith.constant 12544 : i32
      %broadcast_in_dim3A_215 = vector.broadcast %broadcast_in_dim3A_214 : i32 to vector<16xi32>
      %lt3A_216 = arith.cmpi slt, %sub3A_210, %broadcast_in_dim3A_215 : vector<16xi32>
      %and3A_217 = arith.andi %ge3A_213, %lt3A_216 : vector<16xi1>
      %broadcast_in_dim3A_218 = arith.constant 12544 : i32
      %broadcast_in_dim3A_219 = vector.broadcast %broadcast_in_dim3A_218 : i32 to vector<16xi32>
      %select_n3A_220 = arith.select %and3A_217, %sub3A_210, %broadcast_in_dim3A_219 : vector<16xi1>, vector<16xi32>
      %swap3A_221 = arith.constant 112 : index
      %swap3A_222 = tpu.vector_load %arg9[%swap3A_221] {strides = array<i32>} : memref<128xi32, #tpu.memory_space<vmem>>, vector<16xi32>,
      %swap3A_223 = vector.shape_cast %swap3A_222 : vector<16xi32> to vector<16xi32>
      %swap3A_224 = vector.shape_cast %select_n3A_220 : vector<16xi32> to vector<16xi32>
      tpu.vector_store %arg9[%swap3A_221], %swap3A_224 {strides = array<i32>} : memref<128xi32, #tpu.memory_space<vmem>>, vector<16xi32>,
      %dma_start3A = arith.constant 0 : i32
      %dma_start3A_225 = arith.constant 0 : i32
      %dma_start3A_226 = tpu.memref_slice %arg2[%dma_start3A, %dma_start3A_225] : memref<50176x128xf32, #tpu.memory_space<hbm>> -> memref<50176x128xf32, #tpu.memory_space<hbm>>
      tpu.enqueue_indirect_dma source(%dma_start3A_226 : memref<50176x128xf32, #tpu.memory_space<hbm>>) target(%arg10 : memref<128x128xf32, #tpu.memory_space<vmem>>) offsets(%arg7 : memref<128xi32, #tpu.memory_space<vmem>>) semaphore(%arg12 : memref<!tpu.dma_semaphore, #tpu.memory_space<semaphore_mem>>)
      %dma_wait3A = arith.constant 0 : i32
      %dma_wait3A_227 = arith.constant 0 : i32
      %dma_wait3A_228 = tpu.memref_slice %arg2[%dma_wait3A, %dma_wait3A_227] : memref<50176x128xf32, #tpu.memory_space<hbm>> -> memref<50176x128xf32, #tpu.memory_space<hbm>>
      tpu.wait_indirect_dma semaphore(%arg12 : memref<!tpu.dma_semaphore, #tpu.memory_space<semaphore_mem>>) src(%dma_wait3A_228 : memref<50176x128xf32, #tpu.memory_space<hbm>>) dst(%arg10 : memref<128x128xf32, #tpu.memory_space<vmem>>)
      "tpu.region"() ({
        %run_scoped3A = tpu.sem_alloc : memref<!tpu.dma_semaphore, #tpu.memory_space<semaphore_mem>>
        %dma_start3A_229 = arith.constant 0 : i32
        %dma_start3A_230 = arith.constant 0 : i32
        %dma_start3A_231 = tpu.memref_slice %arg11[%dma_start3A_229, %dma_start3A_230] : memref<12672x128xf32, #tpu.memory_space<vmem_shared>> -> memref<12672x128xf32, #tpu.memory_space<vmem_shared>>
        tpu.enqueue_indirect_dma source(%arg10 : memref<128x128xf32, #tpu.memory_space<vmem>>) target(%dma_start3A_231 : memref<12672x128xf32, #tpu.memory_space<vmem_shared>>) offsets(%arg9 : memref<128xi32, #tpu.memory_space<vmem>>) semaphore(%run_scoped3A : memref<!tpu.dma_semaphore, #tpu.memory_space<semaphore_mem>>) {add = true}
        %dma_wait3A_232 = arith.constant 0 : i32
        %dma_wait3A_233 = arith.constant 0 : i32
        %dma_wait3A_234 = tpu.memref_slice %arg11[%dma_wait3A_232, %dma_wait3A_233] : memref<12672x128xf32, #tpu.memory_space<vmem_shared>> -> memref<12672x128xf32, #tpu.memory_space<vmem_shared>>
        tpu.wait_indirect_dma semaphore(%run_scoped3A : memref<!tpu.dma_semaphore, #tpu.memory_space<semaphore_mem>>) src(%arg10 : memref<128x128xf32, #tpu.memory_space<vmem>>) dst(%dma_wait3A_234 : memref<12672x128xf32, #tpu.memory_space<vmem_shared>>)
        tpu.yield
      }) : () -> ()
    }
    %scan3A_9 = arith.constant 196 : i32
    %barrier3A_10 = arith.constant 0 : index
    tpu.barrier barrier_id(%barrier3A_10)
    %mul3A_11 = arith.constant 784 : i32
    %mul3A_12 = arith.muli %arg1, %mul3A_11 : i32
    %mul3A_13 = arith.constant 784 : i32
    %mul3A_14 = arith.muli %arg1, %mul3A_13 : i32
    %add3A_15 = arith.constant 0 : i32
    %add3A_16 = arith.addi %add3A_15, %mul3A_14 : i32
    "tpu.region"() ({
      %run_scoped3A = tpu.sem_alloc : memref<!tpu.dma_semaphore, #tpu.memory_space<semaphore_mem>>
      %dma_start3A = arith.constant 0 : i32
      %dma_start3A_69 = tpu.memref_slice %arg6[%arg0, %add3A_16, %dma_start3A] : memref<2x50176x128xf32, #tpu.memory_space<hbm>> -> memref<1x784x128xf32, #tpu.memory_space<hbm>>
      %dma_start3A_70 = tpu.memref_squeeze %dma_start3A_69 : memref<1x784x128xf32, #tpu.memory_space<hbm>> -> memref<784x128xf32, #tpu.memory_space<hbm>>
      %dma_start3A_71 = arith.constant 0 : i32
      %dma_start3A_72 = tpu.memref_slice %arg11[%mul3A_12, %dma_start3A_71] : memref<12672x128xf32, #tpu.memory_space<vmem_shared>> -> memref<784x128xf32, #tpu.memory_space<vmem_shared>>
      tpu.enqueue_dma source(%dma_start3A_72 : memref<784x128xf32, #tpu.memory_space<vmem_shared>>) target(%dma_start3A_70 : memref<784x128xf32, #tpu.memory_space<hbm>>) target_semaphore(%run_scoped3A : memref<!tpu.dma_semaphore, #tpu.memory_space<semaphore_mem>>)
      %dma_wait3A = arith.constant 0 : i32
      %dma_wait3A_73 = tpu.memref_slice %arg6[%arg0, %add3A_16, %dma_wait3A] : memref<2x50176x128xf32, #tpu.memory_space<hbm>> -> memref<1x784x128xf32, #tpu.memory_space<hbm>>
      %dma_wait3A_74 = tpu.memref_squeeze %dma_wait3A_73 : memref<1x784x128xf32, #tpu.memory_space<hbm>> -> memref<784x128xf32, #tpu.memory_space<hbm>>
      %dma_wait3A_75 = arith.constant 0 : i32
      %dma_wait3A_76 = tpu.memref_slice %arg11[%mul3A_12, %dma_wait3A_75] : memref<12672x128xf32, #tpu.memory_space<vmem_shared>> -> memref<784x128xf32, #tpu.memory_space<vmem_shared>>
      tpu.wait_dma2 semaphore(%run_scoped3A : memref<!tpu.dma_semaphore, #tpu.memory_space<semaphore_mem>>) src(%dma_wait3A_76 : memref<784x128xf32, #tpu.memory_space<vmem_shared>>) dst(%dma_wait3A_74 : memref<784x128xf32, #tpu.memory_space<hbm>>)
      tpu.yield
    }) : () -> ()
    %barrier3A_17 = arith.constant 0 : index
    tpu.barrier barrier_id(%barrier3A_17)
    %mul3A_18 = arith.constant 792 : i32
    %mul3A_19 = arith.muli %arg1, %mul3A_18 : i32
    "tpu.region"() ({
      %run_scoped3A = tpu.sem_alloc : memref<!tpu.dma_semaphore, #tpu.memory_space<semaphore_mem>>
      %dma_start3A = arith.constant 0 : i32
      %dma_start3A_69 = tpu.memref_slice %arg11[%mul3A_19, %dma_start3A] : memref<12672x128xf32, #tpu.memory_space<vmem_shared>> -> memref<792x128xf32, #tpu.memory_space<vmem_shared>>
      tpu.enqueue_dma source(%arg5 : memref<792x128xf32, #tpu.memory_space<hbm>>) target(%dma_start3A_69 : memref<792x128xf32, #tpu.memory_space<vmem_shared>>) target_semaphore(%run_scoped3A : memref<!tpu.dma_semaphore, #tpu.memory_space<semaphore_mem>>)
      %dma_wait3A = arith.constant 0 : i32
      %dma_wait3A_70 = tpu.memref_slice %arg11[%mul3A_19, %dma_wait3A] : memref<12672x128xf32, #tpu.memory_space<vmem_shared>> -> memref<792x128xf32, #tpu.memory_space<vmem_shared>>
      tpu.wait_dma2 semaphore(%run_scoped3A : memref<!tpu.dma_semaphore, #tpu.memory_space<semaphore_mem>>) src(%arg5 : memref<792x128xf32, #tpu.memory_space<hbm>>) dst(%dma_wait3A_70 : memref<792x128xf32, #tpu.memory_space<vmem_shared>>)
      tpu.yield
    }) : () -> ()
    %barrier3A_20 = arith.constant 0 : index
    tpu.barrier barrier_id(%barrier3A_20)
    %scan3A_21 = arith.constant 0 : i32
    %scan3A_22 = arith.constant 0 : i32
    %scan3A_23 = arith.constant 196 : i32
    %scan3A_24 = arith.addi %scan3A_22, %scan3A_23 : i32
    %scan3A_25 = arith.constant 1 : i32
    scf.for %scan3A_69 = %scan3A_22 to %scan3A_24 step %scan3A_25  : i32 {
      %mul3A_70 = arith.constant 128 : i32
      %mul3A_71 = arith.muli %scan3A_69, %mul3A_70 : i32
      %add3A_72 = arith.addi %mul3A_2, %mul3A_71 : i32
      "tpu.region"() ({
        %run_scoped3A = tpu.sem_alloc : memref<!tpu.dma_semaphore, #tpu.memory_space<semaphore_mem>>
        %dma_start3A_229 = tpu.memref_slice %arg3[%add3A_72] : memref<802816xi32, #tpu.memory_space<hbm>> -> memref<128xi32, #tpu.memory_space<hbm>>
        %dma_start3A_230 = tpu.memref_slice %arg3[%add3A_72] : memref<802816xi32, #tpu.memory_space<hbm>> -> memref<128xi32, #tpu.memory_space<hbm>>
        tpu.enqueue_dma source(%dma_start3A_230 : memref<128xi32, #tpu.memory_space<hbm>>) target(%arg7 : memref<128xi32, #tpu.memory_space<vmem>>) target_semaphore(%run_scoped3A : memref<!tpu.dma_semaphore, #tpu.memory_space<semaphore_mem>>)
        %dma_wait3A_231 = tpu.memref_slice %arg3[%add3A_72] : memref<802816xi32, #tpu.memory_space<hbm>> -> memref<128xi32, #tpu.memory_space<hbm>>
        %dma_wait3A_232 = tpu.memref_slice %arg3[%add3A_72] : memref<802816xi32, #tpu.memory_space<hbm>> -> memref<128xi32, #tpu.memory_space<hbm>>
        tpu.wait_dma2 semaphore(%run_scoped3A : memref<!tpu.dma_semaphore, #tpu.memory_space<semaphore_mem>>) src(%dma_wait3A_232 : memref<128xi32, #tpu.memory_space<hbm>>) dst(%arg7 : memref<128xi32, #tpu.memory_space<vmem>>)
        tpu.yield
      }) : () -> ()
      "tpu.region"() ({
        %run_scoped3A = tpu.sem_alloc : memref<!tpu.dma_semaphore, #tpu.memory_space<semaphore_mem>>
        %dma_start3A_229 = tpu.memref_slice %arg4[%add3A_72] : memref<802816xi32, #tpu.memory_space<hbm>> -> memref<128xi32, #tpu.memory_space<hbm>>
        %dma_start3A_230 = tpu.memref_slice %arg4[%add3A_72] : memref<802816xi32, #tpu.memory_space<hbm>> -> memref<128xi32, #tpu.memory_space<hbm>>
        tpu.enqueue_dma source(%dma_start3A_230 : memref<128xi32, #tpu.memory_space<hbm>>) target(%arg8 : memref<128xi32, #tpu.memory_space<vmem>>) target_semaphore(%run_scoped3A : memref<!tpu.dma_semaphore, #tpu.memory_space<semaphore_mem>>)
        %dma_wait3A_231 = tpu.memref_slice %arg4[%add3A_72] : memref<802816xi32, #tpu.memory_space<hbm>> -> memref<128xi32, #tpu.memory_space<hbm>>
        %dma_wait3A_232 = tpu.memref_slice %arg4[%add3A_72] : memref<802816xi32, #tpu.memory_space<hbm>> -> memref<128xi32, #tpu.memory_space<hbm>>
        tpu.wait_dma2 semaphore(%run_scoped3A : memref<!tpu.dma_semaphore, #tpu.memory_space<semaphore_mem>>) src(%dma_wait3A_232 : memref<128xi32, #tpu.memory_space<hbm>>) dst(%arg8 : memref<128xi32, #tpu.memory_space<vmem>>)
        tpu.yield
      }) : () -> ()
      %get3A = arith.constant 0 : index
      %get3A_73 = tpu.vector_load %arg8[%get3A] {strides = array<i32>} : memref<128xi32, #tpu.memory_space<vmem>>, vector<16xi32>,
      %get3A_74 = vector.shape_cast %get3A_73 : vector<16xi32> to vector<16xi32>
      %broadcast_in_dim3A = arith.constant 12544 : i32
      %broadcast_in_dim3A_75 = vector.broadcast %broadcast_in_dim3A : i32 to vector<16xi32>
      %sub3A = arith.subi %get3A_74, %broadcast_in_dim3A_75 : vector<16xi32>
      %broadcast_in_dim3A_76 = arith.constant 0 : i32
      %broadcast_in_dim3A_77 = vector.broadcast %broadcast_in_dim3A_76 : i32 to vector<16xi32>
      %ge3A = arith.cmpi sge, %sub3A, %broadcast_in_dim3A_77 : vector<16xi32>
      %broadcast_in_dim3A_78 = arith.constant 12544 : i32
      %broadcast_in_dim3A_79 = vector.broadcast %broadcast_in_dim3A_78 : i32 to vector<16xi32>
      %lt3A = arith.cmpi slt, %sub3A, %broadcast_in_dim3A_79 : vector<16xi32>
      %and3A = arith.andi %ge3A, %lt3A : vector<16xi1>
      %broadcast_in_dim3A_80 = arith.constant 12544 : i32
      %broadcast_in_dim3A_81 = vector.broadcast %broadcast_in_dim3A_80 : i32 to vector<16xi32>
      %select_n3A = arith.select %and3A, %sub3A, %broadcast_in_dim3A_81 : vector<16xi1>, vector<16xi32>
      %swap3A = arith.constant 0 : index
      %swap3A_82 = tpu.vector_load %arg9[%swap3A] {strides = array<i32>} : memref<128xi32, #tpu.memory_space<vmem>>, vector<16xi32>,
      %swap3A_83 = vector.shape_cast %swap3A_82 : vector<16xi32> to vector<16xi32>
      %swap3A_84 = vector.shape_cast %select_n3A : vector<16xi32> to vector<16xi32>
      tpu.vector_store %arg9[%swap3A], %swap3A_84 {strides = array<i32>} : memref<128xi32, #tpu.memory_space<vmem>>, vector<16xi32>,
      %get3A_85 = arith.constant 16 : index
      %get3A_86 = tpu.vector_load %arg8[%get3A_85] {strides = array<i32>} : memref<128xi32, #tpu.memory_space<vmem>>, vector<16xi32>,
      %get3A_87 = vector.shape_cast %get3A_86 : vector<16xi32> to vector<16xi32>
      %broadcast_in_dim3A_88 = arith.constant 12544 : i32
      %broadcast_in_dim3A_89 = vector.broadcast %broadcast_in_dim3A_88 : i32 to vector<16xi32>
      %sub3A_90 = arith.subi %get3A_87, %broadcast_in_dim3A_89 : vector<16xi32>
      %broadcast_in_dim3A_91 = arith.constant 0 : i32
      %broadcast_in_dim3A_92 = vector.broadcast %broadcast_in_dim3A_91 : i32 to vector<16xi32>
      %ge3A_93 = arith.cmpi sge, %sub3A_90, %broadcast_in_dim3A_92 : vector<16xi32>
      %broadcast_in_dim3A_94 = arith.constant 12544 : i32
      %broadcast_in_dim3A_95 = vector.broadcast %broadcast_in_dim3A_94 : i32 to vector<16xi32>
      %lt3A_96 = arith.cmpi slt, %sub3A_90, %broadcast_in_dim3A_95 : vector<16xi32>
      %and3A_97 = arith.andi %ge3A_93, %lt3A_96 : vector<16xi1>
      %broadcast_in_dim3A_98 = arith.constant 12544 : i32
      %broadcast_in_dim3A_99 = vector.broadcast %broadcast_in_dim3A_98 : i32 to vector<16xi32>
      %select_n3A_100 = arith.select %and3A_97, %sub3A_90, %broadcast_in_dim3A_99 : vector<16xi1>, vector<16xi32>
      %swap3A_101 = arith.constant 16 : index
      %swap3A_102 = tpu.vector_load %arg9[%swap3A_101] {strides = array<i32>} : memref<128xi32, #tpu.memory_space<vmem>>, vector<16xi32>,
      %swap3A_103 = vector.shape_cast %swap3A_102 : vector<16xi32> to vector<16xi32>
      %swap3A_104 = vector.shape_cast %select_n3A_100 : vector<16xi32> to vector<16xi32>
      tpu.vector_store %arg9[%swap3A_101], %swap3A_104 {strides = array<i32>} : memref<128xi32, #tpu.memory_space<vmem>>, vector<16xi32>,
      %get3A_105 = arith.constant 32 : index
      %get3A_106 = tpu.vector_load %arg8[%get3A_105] {strides = array<i32>} : memref<128xi32, #tpu.memory_space<vmem>>, vector<16xi32>,
      %get3A_107 = vector.shape_cast %get3A_106 : vector<16xi32> to vector<16xi32>
      %broadcast_in_dim3A_108 = arith.constant 12544 : i32
      %broadcast_in_dim3A_109 = vector.broadcast %broadcast_in_dim3A_108 : i32 to vector<16xi32>
      %sub3A_110 = arith.subi %get3A_107, %broadcast_in_dim3A_109 : vector<16xi32>
      %broadcast_in_dim3A_111 = arith.constant 0 : i32
      %broadcast_in_dim3A_112 = vector.broadcast %broadcast_in_dim3A_111 : i32 to vector<16xi32>
      %ge3A_113 = arith.cmpi sge, %sub3A_110, %broadcast_in_dim3A_112 : vector<16xi32>
      %broadcast_in_dim3A_114 = arith.constant 12544 : i32
      %broadcast_in_dim3A_115 = vector.broadcast %broadcast_in_dim3A_114 : i32 to vector<16xi32>
      %lt3A_116 = arith.cmpi slt, %sub3A_110, %broadcast_in_dim3A_115 : vector<16xi32>
      %and3A_117 = arith.andi %ge3A_113, %lt3A_116 : vector<16xi1>
      %broadcast_in_dim3A_118 = arith.constant 12544 : i32
      %broadcast_in_dim3A_119 = vector.broadcast %broadcast_in_dim3A_118 : i32 to vector<16xi32>
      %select_n3A_120 = arith.select %and3A_117, %sub3A_110, %broadcast_in_dim3A_119 : vector<16xi1>, vector<16xi32>
      %swap3A_121 = arith.constant 32 : index
      %swap3A_122 = tpu.vector_load %arg9[%swap3A_121] {strides = array<i32>} : memref<128xi32, #tpu.memory_space<vmem>>, vector<16xi32>,
      %swap3A_123 = vector.shape_cast %swap3A_122 : vector<16xi32> to vector<16xi32>
      %swap3A_124 = vector.shape_cast %select_n3A_120 : vector<16xi32> to vector<16xi32>
      tpu.vector_store %arg9[%swap3A_121], %swap3A_124 {strides = array<i32>} : memref<128xi32, #tpu.memory_space<vmem>>, vector<16xi32>,
      %get3A_125 = arith.constant 48 : index
      %get3A_126 = tpu.vector_load %arg8[%get3A_125] {strides = array<i32>} : memref<128xi32, #tpu.memory_space<vmem>>, vector<16xi32>,
      %get3A_127 = vector.shape_cast %get3A_126 : vector<16xi32> to vector<16xi32>
      %broadcast_in_dim3A_128 = arith.constant 12544 : i32
      %broadcast_in_dim3A_129 = vector.broadcast %broadcast_in_dim3A_128 : i32 to vector<16xi32>
      %sub3A_130 = arith.subi %get3A_127, %broadcast_in_dim3A_129 : vector<16xi32>
      %broadcast_in_dim3A_131 = arith.constant 0 : i32
      %broadcast_in_dim3A_132 = vector.broadcast %broadcast_in_dim3A_131 : i32 to vector<16xi32>
      %ge3A_133 = arith.cmpi sge, %sub3A_130, %broadcast_in_dim3A_132 : vector<16xi32>
      %broadcast_in_dim3A_134 = arith.constant 12544 : i32
      %broadcast_in_dim3A_135 = vector.broadcast %broadcast_in_dim3A_134 : i32 to vector<16xi32>
      %lt3A_136 = arith.cmpi slt, %sub3A_130, %broadcast_in_dim3A_135 : vector<16xi32>
      %and3A_137 = arith.andi %ge3A_133, %lt3A_136 : vector<16xi1>
      %broadcast_in_dim3A_138 = arith.constant 12544 : i32
      %broadcast_in_dim3A_139 = vector.broadcast %broadcast_in_dim3A_138 : i32 to vector<16xi32>
      %select_n3A_140 = arith.select %and3A_137, %sub3A_130, %broadcast_in_dim3A_139 : vector<16xi1>, vector<16xi32>
      %swap3A_141 = arith.constant 48 : index
      %swap3A_142 = tpu.vector_load %arg9[%swap3A_141] {strides = array<i32>} : memref<128xi32, #tpu.memory_space<vmem>>, vector<16xi32>,
      %swap3A_143 = vector.shape_cast %swap3A_142 : vector<16xi32> to vector<16xi32>
      %swap3A_144 = vector.shape_cast %select_n3A_140 : vector<16xi32> to vector<16xi32>
      tpu.vector_store %arg9[%swap3A_141], %swap3A_144 {strides = array<i32>} : memref<128xi32, #tpu.memory_space<vmem>>, vector<16xi32>,
      %get3A_145 = arith.constant 64 : index
      %get3A_146 = tpu.vector_load %arg8[%get3A_145] {strides = array<i32>} : memref<128xi32, #tpu.memory_space<vmem>>, vector<16xi32>,
      %get3A_147 = vector.shape_cast %get3A_146 : vector<16xi32> to vector<16xi32>
      %broadcast_in_dim3A_148 = arith.constant 12544 : i32
      %broadcast_in_dim3A_149 = vector.broadcast %broadcast_in_dim3A_148 : i32 to vector<16xi32>
      %sub3A_150 = arith.subi %get3A_147, %broadcast_in_dim3A_149 : vector<16xi32>
      %broadcast_in_dim3A_151 = arith.constant 0 : i32
      %broadcast_in_dim3A_152 = vector.broadcast %broadcast_in_dim3A_151 : i32 to vector<16xi32>
      %ge3A_153 = arith.cmpi sge, %sub3A_150, %broadcast_in_dim3A_152 : vector<16xi32>
      %broadcast_in_dim3A_154 = arith.constant 12544 : i32
      %broadcast_in_dim3A_155 = vector.broadcast %broadcast_in_dim3A_154 : i32 to vector<16xi32>
      %lt3A_156 = arith.cmpi slt, %sub3A_150, %broadcast_in_dim3A_155 : vector<16xi32>
      %and3A_157 = arith.andi %ge3A_153, %lt3A_156 : vector<16xi1>
      %broadcast_in_dim3A_158 = arith.constant 12544 : i32
      %broadcast_in_dim3A_159 = vector.broadcast %broadcast_in_dim3A_158 : i32 to vector<16xi32>
      %select_n3A_160 = arith.select %and3A_157, %sub3A_150, %broadcast_in_dim3A_159 : vector<16xi1>, vector<16xi32>
      %swap3A_161 = arith.constant 64 : index
      %swap3A_162 = tpu.vector_load %arg9[%swap3A_161] {strides = array<i32>} : memref<128xi32, #tpu.memory_space<vmem>>, vector<16xi32>,
      %swap3A_163 = vector.shape_cast %swap3A_162 : vector<16xi32> to vector<16xi32>
      %swap3A_164 = vector.shape_cast %select_n3A_160 : vector<16xi32> to vector<16xi32>
      tpu.vector_store %arg9[%swap3A_161], %swap3A_164 {strides = array<i32>} : memref<128xi32, #tpu.memory_space<vmem>>, vector<16xi32>,
      %get3A_165 = arith.constant 80 : index
      %get3A_166 = tpu.vector_load %arg8[%get3A_165] {strides = array<i32>} : memref<128xi32, #tpu.memory_space<vmem>>, vector<16xi32>,
      %get3A_167 = vector.shape_cast %get3A_166 : vector<16xi32> to vector<16xi32>
      %broadcast_in_dim3A_168 = arith.constant 12544 : i32
      %broadcast_in_dim3A_169 = vector.broadcast %broadcast_in_dim3A_168 : i32 to vector<16xi32>
      %sub3A_170 = arith.subi %get3A_167, %broadcast_in_dim3A_169 : vector<16xi32>
      %broadcast_in_dim3A_171 = arith.constant 0 : i32
      %broadcast_in_dim3A_172 = vector.broadcast %broadcast_in_dim3A_171 : i32 to vector<16xi32>
      %ge3A_173 = arith.cmpi sge, %sub3A_170, %broadcast_in_dim3A_172 : vector<16xi32>
      %broadcast_in_dim3A_174 = arith.constant 12544 : i32
      %broadcast_in_dim3A_175 = vector.broadcast %broadcast_in_dim3A_174 : i32 to vector<16xi32>
      %lt3A_176 = arith.cmpi slt, %sub3A_170, %broadcast_in_dim3A_175 : vector<16xi32>
      %and3A_177 = arith.andi %ge3A_173, %lt3A_176 : vector<16xi1>
      %broadcast_in_dim3A_178 = arith.constant 12544 : i32
      %broadcast_in_dim3A_179 = vector.broadcast %broadcast_in_dim3A_178 : i32 to vector<16xi32>
      %select_n3A_180 = arith.select %and3A_177, %sub3A_170, %broadcast_in_dim3A_179 : vector<16xi1>, vector<16xi32>
      %swap3A_181 = arith.constant 80 : index
      %swap3A_182 = tpu.vector_load %arg9[%swap3A_181] {strides = array<i32>} : memref<128xi32, #tpu.memory_space<vmem>>, vector<16xi32>,
      %swap3A_183 = vector.shape_cast %swap3A_182 : vector<16xi32> to vector<16xi32>
      %swap3A_184 = vector.shape_cast %select_n3A_180 : vector<16xi32> to vector<16xi32>
      tpu.vector_store %arg9[%swap3A_181], %swap3A_184 {strides = array<i32>} : memref<128xi32, #tpu.memory_space<vmem>>, vector<16xi32>,
      %get3A_185 = arith.constant 96 : index
      %get3A_186 = tpu.vector_load %arg8[%get3A_185] {strides = array<i32>} : memref<128xi32, #tpu.memory_space<vmem>>, vector<16xi32>,
      %get3A_187 = vector.shape_cast %get3A_186 : vector<16xi32> to vector<16xi32>
      %broadcast_in_dim3A_188 = arith.constant 12544 : i32
      %broadcast_in_dim3A_189 = vector.broadcast %broadcast_in_dim3A_188 : i32 to vector<16xi32>
      %sub3A_190 = arith.subi %get3A_187, %broadcast_in_dim3A_189 : vector<16xi32>
      %broadcast_in_dim3A_191 = arith.constant 0 : i32
      %broadcast_in_dim3A_192 = vector.broadcast %broadcast_in_dim3A_191 : i32 to vector<16xi32>
      %ge3A_193 = arith.cmpi sge, %sub3A_190, %broadcast_in_dim3A_192 : vector<16xi32>
      %broadcast_in_dim3A_194 = arith.constant 12544 : i32
      %broadcast_in_dim3A_195 = vector.broadcast %broadcast_in_dim3A_194 : i32 to vector<16xi32>
      %lt3A_196 = arith.cmpi slt, %sub3A_190, %broadcast_in_dim3A_195 : vector<16xi32>
      %and3A_197 = arith.andi %ge3A_193, %lt3A_196 : vector<16xi1>
      %broadcast_in_dim3A_198 = arith.constant 12544 : i32
      %broadcast_in_dim3A_199 = vector.broadcast %broadcast_in_dim3A_198 : i32 to vector<16xi32>
      %select_n3A_200 = arith.select %and3A_197, %sub3A_190, %broadcast_in_dim3A_199 : vector<16xi1>, vector<16xi32>
      %swap3A_201 = arith.constant 96 : index
      %swap3A_202 = tpu.vector_load %arg9[%swap3A_201] {strides = array<i32>} : memref<128xi32, #tpu.memory_space<vmem>>, vector<16xi32>,
      %swap3A_203 = vector.shape_cast %swap3A_202 : vector<16xi32> to vector<16xi32>
      %swap3A_204 = vector.shape_cast %select_n3A_200 : vector<16xi32> to vector<16xi32>
      tpu.vector_store %arg9[%swap3A_201], %swap3A_204 {strides = array<i32>} : memref<128xi32, #tpu.memory_space<vmem>>, vector<16xi32>,
      %get3A_205 = arith.constant 112 : index
      %get3A_206 = tpu.vector_load %arg8[%get3A_205] {strides = array<i32>} : memref<128xi32, #tpu.memory_space<vmem>>, vector<16xi32>,
      %get3A_207 = vector.shape_cast %get3A_206 : vector<16xi32> to vector<16xi32>
      %broadcast_in_dim3A_208 = arith.constant 12544 : i32
      %broadcast_in_dim3A_209 = vector.broadcast %broadcast_in_dim3A_208 : i32 to vector<16xi32>
      %sub3A_210 = arith.subi %get3A_207, %broadcast_in_dim3A_209 : vector<16xi32>
      %broadcast_in_dim3A_211 = arith.constant 0 : i32
      %broadcast_in_dim3A_212 = vector.broadcast %broadcast_in_dim3A_211 : i32 to vector<16xi32>
      %ge3A_213 = arith.cmpi sge, %sub3A_210, %broadcast_in_dim3A_212 : vector<16xi32>
      %broadcast_in_dim3A_214 = arith.constant 12544 : i32
      %broadcast_in_dim3A_215 = vector.broadcast %broadcast_in_dim3A_214 : i32 to vector<16xi32>
      %lt3A_216 = arith.cmpi slt, %sub3A_210, %broadcast_in_dim3A_215 : vector<16xi32>
      %and3A_217 = arith.andi %ge3A_213, %lt3A_216 : vector<16xi1>
      %broadcast_in_dim3A_218 = arith.constant 12544 : i32
      %broadcast_in_dim3A_219 = vector.broadcast %broadcast_in_dim3A_218 : i32 to vector<16xi32>
      %select_n3A_220 = arith.select %and3A_217, %sub3A_210, %broadcast_in_dim3A_219 : vector<16xi1>, vector<16xi32>
      %swap3A_221 = arith.constant 112 : index
      %swap3A_222 = tpu.vector_load %arg9[%swap3A_221] {strides = array<i32>} : memref<128xi32, #tpu.memory_space<vmem>>, vector<16xi32>,
      %swap3A_223 = vector.shape_cast %swap3A_222 : vector<16xi32> to vector<16xi32>
      %swap3A_224 = vector.shape_cast %select_n3A_220 : vector<16xi32> to vector<16xi32>
      tpu.vector_store %arg9[%swap3A_221], %swap3A_224 {strides = array<i32>} : memref<128xi32, #tpu.memory_space<vmem>>, vector<16xi32>,
      %dma_start3A = arith.constant 0 : i32
      %dma_start3A_225 = arith.constant 0 : i32
      %dma_start3A_226 = tpu.memref_slice %arg2[%dma_start3A, %dma_start3A_225] : memref<50176x128xf32, #tpu.memory_space<hbm>> -> memref<50176x128xf32, #tpu.memory_space<hbm>>
      tpu.enqueue_indirect_dma source(%dma_start3A_226 : memref<50176x128xf32, #tpu.memory_space<hbm>>) target(%arg10 : memref<128x128xf32, #tpu.memory_space<vmem>>) offsets(%arg7 : memref<128xi32, #tpu.memory_space<vmem>>) semaphore(%arg12 : memref<!tpu.dma_semaphore, #tpu.memory_space<semaphore_mem>>)
      %dma_wait3A = arith.constant 0 : i32
      %dma_wait3A_227 = arith.constant 0 : i32
      %dma_wait3A_228 = tpu.memref_slice %arg2[%dma_wait3A, %dma_wait3A_227] : memref<50176x128xf32, #tpu.memory_space<hbm>> -> memref<50176x128xf32, #tpu.memory_space<hbm>>
      tpu.wait_indirect_dma semaphore(%arg12 : memref<!tpu.dma_semaphore, #tpu.memory_space<semaphore_mem>>) src(%dma_wait3A_228 : memref<50176x128xf32, #tpu.memory_space<hbm>>) dst(%arg10 : memref<128x128xf32, #tpu.memory_space<vmem>>)
      "tpu.region"() ({
        %run_scoped3A = tpu.sem_alloc : memref<!tpu.dma_semaphore, #tpu.memory_space<semaphore_mem>>
        %dma_start3A_229 = arith.constant 0 : i32
        %dma_start3A_230 = arith.constant 0 : i32
        %dma_start3A_231 = tpu.memref_slice %arg11[%dma_start3A_229, %dma_start3A_230] : memref<12672x128xf32, #tpu.memory_space<vmem_shared>> -> memref<12672x128xf32, #tpu.memory_space<vmem_shared>>
        tpu.enqueue_indirect_dma source(%arg10 : memref<128x128xf32, #tpu.memory_space<vmem>>) target(%dma_start3A_231 : memref<12672x128xf32, #tpu.memory_space<vmem_shared>>) offsets(%arg9 : memref<128xi32, #tpu.memory_space<vmem>>) semaphore(%run_scoped3A : memref<!tpu.dma_semaphore, #tpu.memory_space<semaphore_mem>>) {add = true}
        %dma_wait3A_232 = arith.constant 0 : i32
        %dma_wait3A_233 = arith.constant 0 : i32
        %dma_wait3A_234 = tpu.memref_slice %arg11[%dma_wait3A_232, %dma_wait3A_233] : memref<12672x128xf32, #tpu.memory_space<vmem_shared>> -> memref<12672x128xf32, #tpu.memory_space<vmem_shared>>
        tpu.wait_indirect_dma semaphore(%run_scoped3A : memref<!tpu.dma_semaphore, #tpu.memory_space<semaphore_mem>>) src(%arg10 : memref<128x128xf32, #tpu.memory_space<vmem>>) dst(%dma_wait3A_234 : memref<12672x128xf32, #tpu.memory_space<vmem_shared>>)
        tpu.yield
      }) : () -> ()
    }
    %scan3A_26 = arith.constant 196 : i32
    %barrier3A_27 = arith.constant 0 : index
    tpu.barrier barrier_id(%barrier3A_27)
    %mul3A_28 = arith.constant 784 : i32
    %mul3A_29 = arith.muli %arg1, %mul3A_28 : i32
    %mul3A_30 = arith.constant 784 : i32
    %mul3A_31 = arith.muli %arg1, %mul3A_30 : i32
    %add3A_32 = arith.constant 12544 : i32
    %add3A_33 = arith.addi %add3A_32, %mul3A_31 : i32
    "tpu.region"() ({
      %run_scoped3A = tpu.sem_alloc : memref<!tpu.dma_semaphore, #tpu.memory_space<semaphore_mem>>
      %dma_start3A = arith.constant 0 : i32
      %dma_start3A_69 = tpu.memref_slice %arg6[%arg0, %add3A_33, %dma_start3A] : memref<2x50176x128xf32, #tpu.memory_space<hbm>> -> memref<1x784x128xf32, #tpu.memory_space<hbm>>
      %dma_start3A_70 = tpu.memref_squeeze %dma_start3A_69 : memref<1x784x128xf32, #tpu.memory_space<hbm>> -> memref<784x128xf32, #tpu.memory_space<hbm>>
      %dma_start3A_71 = arith.constant 0 : i32
      %dma_start3A_72 = tpu.memref_slice %arg11[%mul3A_29, %dma_start3A_71] : memref<12672x128xf32, #tpu.memory_space<vmem_shared>> -> memref<784x128xf32, #tpu.memory_space<vmem_shared>>
      tpu.enqueue_dma source(%dma_start3A_72 : memref<784x128xf32, #tpu.memory_space<vmem_shared>>) target(%dma_start3A_70 : memref<784x128xf32, #tpu.memory_space<hbm>>) target_semaphore(%run_scoped3A : memref<!tpu.dma_semaphore, #tpu.memory_space<semaphore_mem>>)
      %dma_wait3A = arith.constant 0 : i32
      %dma_wait3A_73 = tpu.memref_slice %arg6[%arg0, %add3A_33, %dma_wait3A] : memref<2x50176x128xf32, #tpu.memory_space<hbm>> -> memref<1x784x128xf32, #tpu.memory_space<hbm>>
      %dma_wait3A_74 = tpu.memref_squeeze %dma_wait3A_73 : memref<1x784x128xf32, #tpu.memory_space<hbm>> -> memref<784x128xf32, #tpu.memory_space<hbm>>
      %dma_wait3A_75 = arith.constant 0 : i32
      %dma_wait3A_76 = tpu.memref_slice %arg11[%mul3A_29, %dma_wait3A_75] : memref<12672x128xf32, #tpu.memory_space<vmem_shared>> -> memref<784x128xf32, #tpu.memory_space<vmem_shared>>
      tpu.wait_dma2 semaphore(%run_scoped3A : memref<!tpu.dma_semaphore, #tpu.memory_space<semaphore_mem>>) src(%dma_wait3A_76 : memref<784x128xf32, #tpu.memory_space<vmem_shared>>) dst(%dma_wait3A_74 : memref<784x128xf32, #tpu.memory_space<hbm>>)
      tpu.yield
    }) : () -> ()
    %barrier3A_34 = arith.constant 0 : index
    tpu.barrier barrier_id(%barrier3A_34)
    %mul3A_35 = arith.constant 792 : i32
    %mul3A_36 = arith.muli %arg1, %mul3A_35 : i32
    "tpu.region"() ({
      %run_scoped3A = tpu.sem_alloc : memref<!tpu.dma_semaphore, #tpu.memory_space<semaphore_mem>>
      %dma_start3A = arith.constant 0 : i32
      %dma_start3A_69 = tpu.memref_slice %arg11[%mul3A_36, %dma_start3A] : memref<12672x128xf32, #tpu.memory_space<vmem_shared>> -> memref<792x128xf32, #tpu.memory_space<vmem_shared>>
      tpu.enqueue_dma source(%arg5 : memref<792x128xf32, #tpu.memory_space<hbm>>) target(%dma_start3A_69 : memref<792x128xf32, #tpu.memory_space<vmem_shared>>) target_semaphore(%run_scoped3A : memref<!tpu.dma_semaphore, #tpu.memory_space<semaphore_mem>>)
      %dma_wait3A = arith.constant 0 : i32
      %dma_wait3A_70 = tpu.memref_slice %arg11[%mul3A_36, %dma_wait3A] : memref<12672x128xf32, #tpu.memory_space<vmem_shared>> -> memref<792x128xf32, #tpu.memory_space<vmem_shared>>
      tpu.wait_dma2 semaphore(%run_scoped3A : memref<!tpu.dma_semaphore, #tpu.memory_space<semaphore_mem>>) src(%arg5 : memref<792x128xf32, #tpu.memory_space<hbm>>) dst(%dma_wait3A_70 : memref<792x128xf32, #tpu.memory_space<vmem_shared>>)
      tpu.yield
    }) : () -> ()
    %barrier3A_37 = arith.constant 0 : index
    tpu.barrier barrier_id(%barrier3A_37)
    %scan3A_38 = arith.constant 0 : i32
    %scan3A_39 = arith.constant 0 : i32
    %scan3A_40 = arith.constant 196 : i32
    %scan3A_41 = arith.addi %scan3A_39, %scan3A_40 : i32
    %scan3A_42 = arith.constant 1 : i32
    scf.for %scan3A_69 = %scan3A_39 to %scan3A_41 step %scan3A_42  : i32 {
      %mul3A_70 = arith.constant 128 : i32
      %mul3A_71 = arith.muli %scan3A_69, %mul3A_70 : i32
      %add3A_72 = arith.addi %mul3A_2, %mul3A_71 : i32
      "tpu.region"() ({
        %run_scoped3A = tpu.sem_alloc : memref<!tpu.dma_semaphore, #tpu.memory_space<semaphore_mem>>
        %dma_start3A_229 = tpu.memref_slice %arg3[%add3A_72] : memref<802816xi32, #tpu.memory_space<hbm>> -> memref<128xi32, #tpu.memory_space<hbm>>
        %dma_start3A_230 = tpu.memref_slice %arg3[%add3A_72] : memref<802816xi32, #tpu.memory_space<hbm>> -> memref<128xi32, #tpu.memory_space<hbm>>
        tpu.enqueue_dma source(%dma_start3A_230 : memref<128xi32, #tpu.memory_space<hbm>>) target(%arg7 : memref<128xi32, #tpu.memory_space<vmem>>) target_semaphore(%run_scoped3A : memref<!tpu.dma_semaphore, #tpu.memory_space<semaphore_mem>>)
        %dma_wait3A_231 = tpu.memref_slice %arg3[%add3A_72] : memref<802816xi32, #tpu.memory_space<hbm>> -> memref<128xi32, #tpu.memory_space<hbm>>
        %dma_wait3A_232 = tpu.memref_slice %arg3[%add3A_72] : memref<802816xi32, #tpu.memory_space<hbm>> -> memref<128xi32, #tpu.memory_space<hbm>>
        tpu.wait_dma2 semaphore(%run_scoped3A : memref<!tpu.dma_semaphore, #tpu.memory_space<semaphore_mem>>) src(%dma_wait3A_232 : memref<128xi32, #tpu.memory_space<hbm>>) dst(%arg7 : memref<128xi32, #tpu.memory_space<vmem>>)
        tpu.yield
      }) : () -> ()
      "tpu.region"() ({
        %run_scoped3A = tpu.sem_alloc : memref<!tpu.dma_semaphore, #tpu.memory_space<semaphore_mem>>
        %dma_start3A_229 = tpu.memref_slice %arg4[%add3A_72] : memref<802816xi32, #tpu.memory_space<hbm>> -> memref<128xi32, #tpu.memory_space<hbm>>
        %dma_start3A_230 = tpu.memref_slice %arg4[%add3A_72] : memref<802816xi32, #tpu.memory_space<hbm>> -> memref<128xi32, #tpu.memory_space<hbm>>
        tpu.enqueue_dma source(%dma_start3A_230 : memref<128xi32, #tpu.memory_space<hbm>>) target(%arg8 : memref<128xi32, #tpu.memory_space<vmem>>) target_semaphore(%run_scoped3A : memref<!tpu.dma_semaphore, #tpu.memory_space<semaphore_mem>>)
        %dma_wait3A_231 = tpu.memref_slice %arg4[%add3A_72] : memref<802816xi32, #tpu.memory_space<hbm>> -> memref<128xi32, #tpu.memory_space<hbm>>
        %dma_wait3A_232 = tpu.memref_slice %arg4[%add3A_72] : memref<802816xi32, #tpu.memory_space<hbm>> -> memref<128xi32, #tpu.memory_space<hbm>>
        tpu.wait_dma2 semaphore(%run_scoped3A : memref<!tpu.dma_semaphore, #tpu.memory_space<semaphore_mem>>) src(%dma_wait3A_232 : memref<128xi32, #tpu.memory_space<hbm>>) dst(%arg8 : memref<128xi32, #tpu.memory_space<vmem>>)
        tpu.yield
      }) : () -> ()
      %get3A = arith.constant 0 : index
      %get3A_73 = tpu.vector_load %arg8[%get3A] {strides = array<i32>} : memref<128xi32, #tpu.memory_space<vmem>>, vector<16xi32>,
      %get3A_74 = vector.shape_cast %get3A_73 : vector<16xi32> to vector<16xi32>
      %broadcast_in_dim3A = arith.constant 25088 : i32
      %broadcast_in_dim3A_75 = vector.broadcast %broadcast_in_dim3A : i32 to vector<16xi32>
      %sub3A = arith.subi %get3A_74, %broadcast_in_dim3A_75 : vector<16xi32>
      %broadcast_in_dim3A_76 = arith.constant 0 : i32
      %broadcast_in_dim3A_77 = vector.broadcast %broadcast_in_dim3A_76 : i32 to vector<16xi32>
      %ge3A = arith.cmpi sge, %sub3A, %broadcast_in_dim3A_77 : vector<16xi32>
      %broadcast_in_dim3A_78 = arith.constant 12544 : i32
      %broadcast_in_dim3A_79 = vector.broadcast %broadcast_in_dim3A_78 : i32 to vector<16xi32>
      %lt3A = arith.cmpi slt, %sub3A, %broadcast_in_dim3A_79 : vector<16xi32>
      %and3A = arith.andi %ge3A, %lt3A : vector<16xi1>
      %broadcast_in_dim3A_80 = arith.constant 12544 : i32
      %broadcast_in_dim3A_81 = vector.broadcast %broadcast_in_dim3A_80 : i32 to vector<16xi32>
      %select_n3A = arith.select %and3A, %sub3A, %broadcast_in_dim3A_81 : vector<16xi1>, vector<16xi32>
      %swap3A = arith.constant 0 : index
      %swap3A_82 = tpu.vector_load %arg9[%swap3A] {strides = array<i32>} : memref<128xi32, #tpu.memory_space<vmem>>, vector<16xi32>,
      %swap3A_83 = vector.shape_cast %swap3A_82 : vector<16xi32> to vector<16xi32>
      %swap3A_84 = vector.shape_cast %select_n3A : vector<16xi32> to vector<16xi32>
      tpu.vector_store %arg9[%swap3A], %swap3A_84 {strides = array<i32>} : memref<128xi32, #tpu.memory_space<vmem>>, vector<16xi32>,
      %get3A_85 = arith.constant 16 : index
      %get3A_86 = tpu.vector_load %arg8[%get3A_85] {strides = array<i32>} : memref<128xi32, #tpu.memory_space<vmem>>, vector<16xi32>,
      %get3A_87 = vector.shape_cast %get3A_86 : vector<16xi32> to vector<16xi32>
      %broadcast_in_dim3A_88 = arith.constant 25088 : i32
      %broadcast_in_dim3A_89 = vector.broadcast %broadcast_in_dim3A_88 : i32 to vector<16xi32>
      %sub3A_90 = arith.subi %get3A_87, %broadcast_in_dim3A_89 : vector<16xi32>
      %broadcast_in_dim3A_91 = arith.constant 0 : i32
      %broadcast_in_dim3A_92 = vector.broadcast %broadcast_in_dim3A_91 : i32 to vector<16xi32>
      %ge3A_93 = arith.cmpi sge, %sub3A_90, %broadcast_in_dim3A_92 : vector<16xi32>
      %broadcast_in_dim3A_94 = arith.constant 12544 : i32
      %broadcast_in_dim3A_95 = vector.broadcast %broadcast_in_dim3A_94 : i32 to vector<16xi32>
      %lt3A_96 = arith.cmpi slt, %sub3A_90, %broadcast_in_dim3A_95 : vector<16xi32>
      %and3A_97 = arith.andi %ge3A_93, %lt3A_96 : vector<16xi1>
      %broadcast_in_dim3A_98 = arith.constant 12544 : i32
      %broadcast_in_dim3A_99 = vector.broadcast %broadcast_in_dim3A_98 : i32 to vector<16xi32>
      %select_n3A_100 = arith.select %and3A_97, %sub3A_90, %broadcast_in_dim3A_99 : vector<16xi1>, vector<16xi32>
      %swap3A_101 = arith.constant 16 : index
      %swap3A_102 = tpu.vector_load %arg9[%swap3A_101] {strides = array<i32>} : memref<128xi32, #tpu.memory_space<vmem>>, vector<16xi32>,
      %swap3A_103 = vector.shape_cast %swap3A_102 : vector<16xi32> to vector<16xi32>
      %swap3A_104 = vector.shape_cast %select_n3A_100 : vector<16xi32> to vector<16xi32>
      tpu.vector_store %arg9[%swap3A_101], %swap3A_104 {strides = array<i32>} : memref<128xi32, #tpu.memory_space<vmem>>, vector<16xi32>,
      %get3A_105 = arith.constant 32 : index
      %get3A_106 = tpu.vector_load %arg8[%get3A_105] {strides = array<i32>} : memref<128xi32, #tpu.memory_space<vmem>>, vector<16xi32>,
      %get3A_107 = vector.shape_cast %get3A_106 : vector<16xi32> to vector<16xi32>
      %broadcast_in_dim3A_108 = arith.constant 25088 : i32
      %broadcast_in_dim3A_109 = vector.broadcast %broadcast_in_dim3A_108 : i32 to vector<16xi32>
      %sub3A_110 = arith.subi %get3A_107, %broadcast_in_dim3A_109 : vector<16xi32>
      %broadcast_in_dim3A_111 = arith.constant 0 : i32
      %broadcast_in_dim3A_112 = vector.broadcast %broadcast_in_dim3A_111 : i32 to vector<16xi32>
      %ge3A_113 = arith.cmpi sge, %sub3A_110, %broadcast_in_dim3A_112 : vector<16xi32>
      %broadcast_in_dim3A_114 = arith.constant 12544 : i32
      %broadcast_in_dim3A_115 = vector.broadcast %broadcast_in_dim3A_114 : i32 to vector<16xi32>
      %lt3A_116 = arith.cmpi slt, %sub3A_110, %broadcast_in_dim3A_115 : vector<16xi32>
      %and3A_117 = arith.andi %ge3A_113, %lt3A_116 : vector<16xi1>
      %broadcast_in_dim3A_118 = arith.constant 12544 : i32
      %broadcast_in_dim3A_119 = vector.broadcast %broadcast_in_dim3A_118 : i32 to vector<16xi32>
      %select_n3A_120 = arith.select %and3A_117, %sub3A_110, %broadcast_in_dim3A_119 : vector<16xi1>, vector<16xi32>
      %swap3A_121 = arith.constant 32 : index
      %swap3A_122 = tpu.vector_load %arg9[%swap3A_121] {strides = array<i32>} : memref<128xi32, #tpu.memory_space<vmem>>, vector<16xi32>,
      %swap3A_123 = vector.shape_cast %swap3A_122 : vector<16xi32> to vector<16xi32>
      %swap3A_124 = vector.shape_cast %select_n3A_120 : vector<16xi32> to vector<16xi32>
      tpu.vector_store %arg9[%swap3A_121], %swap3A_124 {strides = array<i32>} : memref<128xi32, #tpu.memory_space<vmem>>, vector<16xi32>,
      %get3A_125 = arith.constant 48 : index
      %get3A_126 = tpu.vector_load %arg8[%get3A_125] {strides = array<i32>} : memref<128xi32, #tpu.memory_space<vmem>>, vector<16xi32>,
      %get3A_127 = vector.shape_cast %get3A_126 : vector<16xi32> to vector<16xi32>
      %broadcast_in_dim3A_128 = arith.constant 25088 : i32
      %broadcast_in_dim3A_129 = vector.broadcast %broadcast_in_dim3A_128 : i32 to vector<16xi32>
      %sub3A_130 = arith.subi %get3A_127, %broadcast_in_dim3A_129 : vector<16xi32>
      %broadcast_in_dim3A_131 = arith.constant 0 : i32
      %broadcast_in_dim3A_132 = vector.broadcast %broadcast_in_dim3A_131 : i32 to vector<16xi32>
      %ge3A_133 = arith.cmpi sge, %sub3A_130, %broadcast_in_dim3A_132 : vector<16xi32>
      %broadcast_in_dim3A_134 = arith.constant 12544 : i32
      %broadcast_in_dim3A_135 = vector.broadcast %broadcast_in_dim3A_134 : i32 to vector<16xi32>
      %lt3A_136 = arith.cmpi slt, %sub3A_130, %broadcast_in_dim3A_135 : vector<16xi32>
      %and3A_137 = arith.andi %ge3A_133, %lt3A_136 : vector<16xi1>
      %broadcast_in_dim3A_138 = arith.constant 12544 : i32
      %broadcast_in_dim3A_139 = vector.broadcast %broadcast_in_dim3A_138 : i32 to vector<16xi32>
      %select_n3A_140 = arith.select %and3A_137, %sub3A_130, %broadcast_in_dim3A_139 : vector<16xi1>, vector<16xi32>
      %swap3A_141 = arith.constant 48 : index
      %swap3A_142 = tpu.vector_load %arg9[%swap3A_141] {strides = array<i32>} : memref<128xi32, #tpu.memory_space<vmem>>, vector<16xi32>,
      %swap3A_143 = vector.shape_cast %swap3A_142 : vector<16xi32> to vector<16xi32>
      %swap3A_144 = vector.shape_cast %select_n3A_140 : vector<16xi32> to vector<16xi32>
      tpu.vector_store %arg9[%swap3A_141], %swap3A_144 {strides = array<i32>} : memref<128xi32, #tpu.memory_space<vmem>>, vector<16xi32>,
      %get3A_145 = arith.constant 64 : index
      %get3A_146 = tpu.vector_load %arg8[%get3A_145] {strides = array<i32>} : memref<128xi32, #tpu.memory_space<vmem>>, vector<16xi32>,
      %get3A_147 = vector.shape_cast %get3A_146 : vector<16xi32> to vector<16xi32>
      %broadcast_in_dim3A_148 = arith.constant 25088 : i32
      %broadcast_in_dim3A_149 = vector.broadcast %broadcast_in_dim3A_148 : i32 to vector<16xi32>
      %sub3A_150 = arith.subi %get3A_147, %broadcast_in_dim3A_149 : vector<16xi32>
      %broadcast_in_dim3A_151 = arith.constant 0 : i32
      %broadcast_in_dim3A_152 = vector.broadcast %broadcast_in_dim3A_151 : i32 to vector<16xi32>
      %ge3A_153 = arith.cmpi sge, %sub3A_150, %broadcast_in_dim3A_152 : vector<16xi32>
      %broadcast_in_dim3A_154 = arith.constant 12544 : i32
      %broadcast_in_dim3A_155 = vector.broadcast %broadcast_in_dim3A_154 : i32 to vector<16xi32>
      %lt3A_156 = arith.cmpi slt, %sub3A_150, %broadcast_in_dim3A_155 : vector<16xi32>
      %and3A_157 = arith.andi %ge3A_153, %lt3A_156 : vector<16xi1>
      %broadcast_in_dim3A_158 = arith.constant 12544 : i32
      %broadcast_in_dim3A_159 = vector.broadcast %broadcast_in_dim3A_158 : i32 to vector<16xi32>
      %select_n3A_160 = arith.select %and3A_157, %sub3A_150, %broadcast_in_dim3A_159 : vector<16xi1>, vector<16xi32>
      %swap3A_161 = arith.constant 64 : index
      %swap3A_162 = tpu.vector_load %arg9[%swap3A_161] {strides = array<i32>} : memref<128xi32, #tpu.memory_space<vmem>>, vector<16xi32>,
      %swap3A_163 = vector.shape_cast %swap3A_162 : vector<16xi32> to vector<16xi32>
      %swap3A_164 = vector.shape_cast %select_n3A_160 : vector<16xi32> to vector<16xi32>
      tpu.vector_store %arg9[%swap3A_161], %swap3A_164 {strides = array<i32>} : memref<128xi32, #tpu.memory_space<vmem>>, vector<16xi32>,
      %get3A_165 = arith.constant 80 : index
      %get3A_166 = tpu.vector_load %arg8[%get3A_165] {strides = array<i32>} : memref<128xi32, #tpu.memory_space<vmem>>, vector<16xi32>,
      %get3A_167 = vector.shape_cast %get3A_166 : vector<16xi32> to vector<16xi32>
      %broadcast_in_dim3A_168 = arith.constant 25088 : i32
      %broadcast_in_dim3A_169 = vector.broadcast %broadcast_in_dim3A_168 : i32 to vector<16xi32>
      %sub3A_170 = arith.subi %get3A_167, %broadcast_in_dim3A_169 : vector<16xi32>
      %broadcast_in_dim3A_171 = arith.constant 0 : i32
      %broadcast_in_dim3A_172 = vector.broadcast %broadcast_in_dim3A_171 : i32 to vector<16xi32>
      %ge3A_173 = arith.cmpi sge, %sub3A_170, %broadcast_in_dim3A_172 : vector<16xi32>
      %broadcast_in_dim3A_174 = arith.constant 12544 : i32
      %broadcast_in_dim3A_175 = vector.broadcast %broadcast_in_dim3A_174 : i32 to vector<16xi32>
      %lt3A_176 = arith.cmpi slt, %sub3A_170, %broadcast_in_dim3A_175 : vector<16xi32>
      %and3A_177 = arith.andi %ge3A_173, %lt3A_176 : vector<16xi1>
      %broadcast_in_dim3A_178 = arith.constant 12544 : i32
      %broadcast_in_dim3A_179 = vector.broadcast %broadcast_in_dim3A_178 : i32 to vector<16xi32>
      %select_n3A_180 = arith.select %and3A_177, %sub3A_170, %broadcast_in_dim3A_179 : vector<16xi1>, vector<16xi32>
      %swap3A_181 = arith.constant 80 : index
      %swap3A_182 = tpu.vector_load %arg9[%swap3A_181] {strides = array<i32>} : memref<128xi32, #tpu.memory_space<vmem>>, vector<16xi32>,
      %swap3A_183 = vector.shape_cast %swap3A_182 : vector<16xi32> to vector<16xi32>
      %swap3A_184 = vector.shape_cast %select_n3A_180 : vector<16xi32> to vector<16xi32>
      tpu.vector_store %arg9[%swap3A_181], %swap3A_184 {strides = array<i32>} : memref<128xi32, #tpu.memory_space<vmem>>, vector<16xi32>,
      %get3A_185 = arith.constant 96 : index
      %get3A_186 = tpu.vector_load %arg8[%get3A_185] {strides = array<i32>} : memref<128xi32, #tpu.memory_space<vmem>>, vector<16xi32>,
      %get3A_187 = vector.shape_cast %get3A_186 : vector<16xi32> to vector<16xi32>
      %broadcast_in_dim3A_188 = arith.constant 25088 : i32
      %broadcast_in_dim3A_189 = vector.broadcast %broadcast_in_dim3A_188 : i32 to vector<16xi32>
      %sub3A_190 = arith.subi %get3A_187, %broadcast_in_dim3A_189 : vector<16xi32>
      %broadcast_in_dim3A_191 = arith.constant 0 : i32
      %broadcast_in_dim3A_192 = vector.broadcast %broadcast_in_dim3A_191 : i32 to vector<16xi32>
      %ge3A_193 = arith.cmpi sge, %sub3A_190, %broadcast_in_dim3A_192 : vector<16xi32>
      %broadcast_in_dim3A_194 = arith.constant 12544 : i32
      %broadcast_in_dim3A_195 = vector.broadcast %broadcast_in_dim3A_194 : i32 to vector<16xi32>
      %lt3A_196 = arith.cmpi slt, %sub3A_190, %broadcast_in_dim3A_195 : vector<16xi32>
      %and3A_197 = arith.andi %ge3A_193, %lt3A_196 : vector<16xi1>
      %broadcast_in_dim3A_198 = arith.constant 12544 : i32
      %broadcast_in_dim3A_199 = vector.broadcast %broadcast_in_dim3A_198 : i32 to vector<16xi32>
      %select_n3A_200 = arith.select %and3A_197, %sub3A_190, %broadcast_in_dim3A_199 : vector<16xi1>, vector<16xi32>
      %swap3A_201 = arith.constant 96 : index
      %swap3A_202 = tpu.vector_load %arg9[%swap3A_201] {strides = array<i32>} : memref<128xi32, #tpu.memory_space<vmem>>, vector<16xi32>,
      %swap3A_203 = vector.shape_cast %swap3A_202 : vector<16xi32> to vector<16xi32>
      %swap3A_204 = vector.shape_cast %select_n3A_200 : vector<16xi32> to vector<16xi32>
      tpu.vector_store %arg9[%swap3A_201], %swap3A_204 {strides = array<i32>} : memref<128xi32, #tpu.memory_space<vmem>>, vector<16xi32>,
      %get3A_205 = arith.constant 112 : index
      %get3A_206 = tpu.vector_load %arg8[%get3A_205] {strides = array<i32>} : memref<128xi32, #tpu.memory_space<vmem>>, vector<16xi32>,
      %get3A_207 = vector.shape_cast %get3A_206 : vector<16xi32> to vector<16xi32>
      %broadcast_in_dim3A_208 = arith.constant 25088 : i32
      %broadcast_in_dim3A_209 = vector.broadcast %broadcast_in_dim3A_208 : i32 to vector<16xi32>
      %sub3A_210 = arith.subi %get3A_207, %broadcast_in_dim3A_209 : vector<16xi32>
      %broadcast_in_dim3A_211 = arith.constant 0 : i32
      %broadcast_in_dim3A_212 = vector.broadcast %broadcast_in_dim3A_211 : i32 to vector<16xi32>
      %ge3A_213 = arith.cmpi sge, %sub3A_210, %broadcast_in_dim3A_212 : vector<16xi32>
      %broadcast_in_dim3A_214 = arith.constant 12544 : i32
      %broadcast_in_dim3A_215 = vector.broadcast %broadcast_in_dim3A_214 : i32 to vector<16xi32>
      %lt3A_216 = arith.cmpi slt, %sub3A_210, %broadcast_in_dim3A_215 : vector<16xi32>
      %and3A_217 = arith.andi %ge3A_213, %lt3A_216 : vector<16xi1>
      %broadcast_in_dim3A_218 = arith.constant 12544 : i32
      %broadcast_in_dim3A_219 = vector.broadcast %broadcast_in_dim3A_218 : i32 to vector<16xi32>
      %select_n3A_220 = arith.select %and3A_217, %sub3A_210, %broadcast_in_dim3A_219 : vector<16xi1>, vector<16xi32>
      %swap3A_221 = arith.constant 112 : index
      %swap3A_222 = tpu.vector_load %arg9[%swap3A_221] {strides = array<i32>} : memref<128xi32, #tpu.memory_space<vmem>>, vector<16xi32>,
      %swap3A_223 = vector.shape_cast %swap3A_222 : vector<16xi32> to vector<16xi32>
      %swap3A_224 = vector.shape_cast %select_n3A_220 : vector<16xi32> to vector<16xi32>
      tpu.vector_store %arg9[%swap3A_221], %swap3A_224 {strides = array<i32>} : memref<128xi32, #tpu.memory_space<vmem>>, vector<16xi32>,
      %dma_start3A = arith.constant 0 : i32
      %dma_start3A_225 = arith.constant 0 : i32
      %dma_start3A_226 = tpu.memref_slice %arg2[%dma_start3A, %dma_start3A_225] : memref<50176x128xf32, #tpu.memory_space<hbm>> -> memref<50176x128xf32, #tpu.memory_space<hbm>>
      tpu.enqueue_indirect_dma source(%dma_start3A_226 : memref<50176x128xf32, #tpu.memory_space<hbm>>) target(%arg10 : memref<128x128xf32, #tpu.memory_space<vmem>>) offsets(%arg7 : memref<128xi32, #tpu.memory_space<vmem>>) semaphore(%arg12 : memref<!tpu.dma_semaphore, #tpu.memory_space<semaphore_mem>>)
      %dma_wait3A = arith.constant 0 : i32
      %dma_wait3A_227 = arith.constant 0 : i32
      %dma_wait3A_228 = tpu.memref_slice %arg2[%dma_wait3A, %dma_wait3A_227] : memref<50176x128xf32, #tpu.memory_space<hbm>> -> memref<50176x128xf32, #tpu.memory_space<hbm>>
      tpu.wait_indirect_dma semaphore(%arg12 : memref<!tpu.dma_semaphore, #tpu.memory_space<semaphore_mem>>) src(%dma_wait3A_228 : memref<50176x128xf32, #tpu.memory_space<hbm>>) dst(%arg10 : memref<128x128xf32, #tpu.memory_space<vmem>>)
      "tpu.region"() ({
        %run_scoped3A = tpu.sem_alloc : memref<!tpu.dma_semaphore, #tpu.memory_space<semaphore_mem>>
        %dma_start3A_229 = arith.constant 0 : i32
        %dma_start3A_230 = arith.constant 0 : i32
        %dma_start3A_231 = tpu.memref_slice %arg11[%dma_start3A_229, %dma_start3A_230] : memref<12672x128xf32, #tpu.memory_space<vmem_shared>> -> memref<12672x128xf32, #tpu.memory_space<vmem_shared>>
        tpu.enqueue_indirect_dma source(%arg10 : memref<128x128xf32, #tpu.memory_space<vmem>>) target(%dma_start3A_231 : memref<12672x128xf32, #tpu.memory_space<vmem_shared>>) offsets(%arg9 : memref<128xi32, #tpu.memory_space<vmem>>) semaphore(%run_scoped3A : memref<!tpu.dma_semaphore, #tpu.memory_space<semaphore_mem>>) {add = true}
        %dma_wait3A_232 = arith.constant 0 : i32
        %dma_wait3A_233 = arith.constant 0 : i32
        %dma_wait3A_234 = tpu.memref_slice %arg11[%dma_wait3A_232, %dma_wait3A_233] : memref<12672x128xf32, #tpu.memory_space<vmem_shared>> -> memref<12672x128xf32, #tpu.memory_space<vmem_shared>>
        tpu.wait_indirect_dma semaphore(%run_scoped3A : memref<!tpu.dma_semaphore, #tpu.memory_space<semaphore_mem>>) src(%arg10 : memref<128x128xf32, #tpu.memory_space<vmem>>) dst(%dma_wait3A_234 : memref<12672x128xf32, #tpu.memory_space<vmem_shared>>)
        tpu.yield
      }) : () -> ()
    }
    %scan3A_43 = arith.constant 196 : i32
    %barrier3A_44 = arith.constant 0 : index
    tpu.barrier barrier_id(%barrier3A_44)
    %mul3A_45 = arith.constant 784 : i32
    %mul3A_46 = arith.muli %arg1, %mul3A_45 : i32
    %mul3A_47 = arith.constant 784 : i32
    %mul3A_48 = arith.muli %arg1, %mul3A_47 : i32
    %add3A_49 = arith.constant 25088 : i32
    %add3A_50 = arith.addi %add3A_49, %mul3A_48 : i32
    "tpu.region"() ({
      %run_scoped3A = tpu.sem_alloc : memref<!tpu.dma_semaphore, #tpu.memory_space<semaphore_mem>>
      %dma_start3A = arith.constant 0 : i32
      %dma_start3A_69 = tpu.memref_slice %arg6[%arg0, %add3A_50, %dma_start3A] : memref<2x50176x128xf32, #tpu.memory_space<hbm>> -> memref<1x784x128xf32, #tpu.memory_space<hbm>>
      %dma_start3A_70 = tpu.memref_squeeze %dma_start3A_69 : memref<1x784x128xf32, #tpu.memory_space<hbm>> -> memref<784x128xf32, #tpu.memory_space<hbm>>
      %dma_start3A_71 = arith.constant 0 : i32
      %dma_start3A_72 = tpu.memref_slice %arg11[%mul3A_46, %dma_start3A_71] : memref<12672x128xf32, #tpu.memory_space<vmem_shared>> -> memref<784x128xf32, #tpu.memory_space<vmem_shared>>
      tpu.enqueue_dma source(%dma_start3A_72 : memref<784x128xf32, #tpu.memory_space<vmem_shared>>) target(%dma_start3A_70 : memref<784x128xf32, #tpu.memory_space<hbm>>) target_semaphore(%run_scoped3A : memref<!tpu.dma_semaphore, #tpu.memory_space<semaphore_mem>>)
      %dma_wait3A = arith.constant 0 : i32
      %dma_wait3A_73 = tpu.memref_slice %arg6[%arg0, %add3A_50, %dma_wait3A] : memref<2x50176x128xf32, #tpu.memory_space<hbm>> -> memref<1x784x128xf32, #tpu.memory_space<hbm>>
      %dma_wait3A_74 = tpu.memref_squeeze %dma_wait3A_73 : memref<1x784x128xf32, #tpu.memory_space<hbm>> -> memref<784x128xf32, #tpu.memory_space<hbm>>
      %dma_wait3A_75 = arith.constant 0 : i32
      %dma_wait3A_76 = tpu.memref_slice %arg11[%mul3A_46, %dma_wait3A_75] : memref<12672x128xf32, #tpu.memory_space<vmem_shared>> -> memref<784x128xf32, #tpu.memory_space<vmem_shared>>
      tpu.wait_dma2 semaphore(%run_scoped3A : memref<!tpu.dma_semaphore, #tpu.memory_space<semaphore_mem>>) src(%dma_wait3A_76 : memref<784x128xf32, #tpu.memory_space<vmem_shared>>) dst(%dma_wait3A_74 : memref<784x128xf32, #tpu.memory_space<hbm>>)
      tpu.yield
    }) : () -> ()
    %barrier3A_51 = arith.constant 0 : index
    tpu.barrier barrier_id(%barrier3A_51)
    %mul3A_52 = arith.constant 792 : i32
    %mul3A_53 = arith.muli %arg1, %mul3A_52 : i32
    "tpu.region"() ({
      %run_scoped3A = tpu.sem_alloc : memref<!tpu.dma_semaphore, #tpu.memory_space<semaphore_mem>>
      %dma_start3A = arith.constant 0 : i32
      %dma_start3A_69 = tpu.memref_slice %arg11[%mul3A_53, %dma_start3A] : memref<12672x128xf32, #tpu.memory_space<vmem_shared>> -> memref<792x128xf32, #tpu.memory_space<vmem_shared>>
      tpu.enqueue_dma source(%arg5 : memref<792x128xf32, #tpu.memory_space<hbm>>) target(%dma_start3A_69 : memref<792x128xf32, #tpu.memory_space<vmem_shared>>) target_semaphore(%run_scoped3A : memref<!tpu.dma_semaphore, #tpu.memory_space<semaphore_mem>>)
      %dma_wait3A = arith.constant 0 : i32
      %dma_wait3A_70 = tpu.memref_slice %arg11[%mul3A_53, %dma_wait3A] : memref<12672x128xf32, #tpu.memory_space<vmem_shared>> -> memref<792x128xf32, #tpu.memory_space<vmem_shared>>
      tpu.wait_dma2 semaphore(%run_scoped3A : memref<!tpu.dma_semaphore, #tpu.memory_space<semaphore_mem>>) src(%arg5 : memref<792x128xf32, #tpu.memory_space<hbm>>) dst(%dma_wait3A_70 : memref<792x128xf32, #tpu.memory_space<vmem_shared>>)
      tpu.yield
    }) : () -> ()
    %barrier3A_54 = arith.constant 0 : index
    tpu.barrier barrier_id(%barrier3A_54)
    %scan3A_55 = arith.constant 0 : i32
    %scan3A_56 = arith.constant 0 : i32
    %scan3A_57 = arith.constant 196 : i32
    %scan3A_58 = arith.addi %scan3A_56, %scan3A_57 : i32
    %scan3A_59 = arith.constant 1 : i32
    scf.for %scan3A_69 = %scan3A_56 to %scan3A_58 step %scan3A_59  : i32 {
      %mul3A_70 = arith.constant 128 : i32
      %mul3A_71 = arith.muli %scan3A_69, %mul3A_70 : i32
      %add3A_72 = arith.addi %mul3A_2, %mul3A_71 : i32
      "tpu.region"() ({
        %run_scoped3A = tpu.sem_alloc : memref<!tpu.dma_semaphore, #tpu.memory_space<semaphore_mem>>
        %dma_start3A_229 = tpu.memref_slice %arg3[%add3A_72] : memref<802816xi32, #tpu.memory_space<hbm>> -> memref<128xi32, #tpu.memory_space<hbm>>
        %dma_start3A_230 = tpu.memref_slice %arg3[%add3A_72] : memref<802816xi32, #tpu.memory_space<hbm>> -> memref<128xi32, #tpu.memory_space<hbm>>
        tpu.enqueue_dma source(%dma_start3A_230 : memref<128xi32, #tpu.memory_space<hbm>>) target(%arg7 : memref<128xi32, #tpu.memory_space<vmem>>) target_semaphore(%run_scoped3A : memref<!tpu.dma_semaphore, #tpu.memory_space<semaphore_mem>>)
        %dma_wait3A_231 = tpu.memref_slice %arg3[%add3A_72] : memref<802816xi32, #tpu.memory_space<hbm>> -> memref<128xi32, #tpu.memory_space<hbm>>
        %dma_wait3A_232 = tpu.memref_slice %arg3[%add3A_72] : memref<802816xi32, #tpu.memory_space<hbm>> -> memref<128xi32, #tpu.memory_space<hbm>>
        tpu.wait_dma2 semaphore(%run_scoped3A : memref<!tpu.dma_semaphore, #tpu.memory_space<semaphore_mem>>) src(%dma_wait3A_232 : memref<128xi32, #tpu.memory_space<hbm>>) dst(%arg7 : memref<128xi32, #tpu.memory_space<vmem>>)
        tpu.yield
      }) : () -> ()
      "tpu.region"() ({
        %run_scoped3A = tpu.sem_alloc : memref<!tpu.dma_semaphore, #tpu.memory_space<semaphore_mem>>
        %dma_start3A_229 = tpu.memref_slice %arg4[%add3A_72] : memref<802816xi32, #tpu.memory_space<hbm>> -> memref<128xi32, #tpu.memory_space<hbm>>
        %dma_start3A_230 = tpu.memref_slice %arg4[%add3A_72] : memref<802816xi32, #tpu.memory_space<hbm>> -> memref<128xi32, #tpu.memory_space<hbm>>
        tpu.enqueue_dma source(%dma_start3A_230 : memref<128xi32, #tpu.memory_space<hbm>>) target(%arg8 : memref<128xi32, #tpu.memory_space<vmem>>) target_semaphore(%run_scoped3A : memref<!tpu.dma_semaphore, #tpu.memory_space<semaphore_mem>>)
        %dma_wait3A_231 = tpu.memref_slice %arg4[%add3A_72] : memref<802816xi32, #tpu.memory_space<hbm>> -> memref<128xi32, #tpu.memory_space<hbm>>
        %dma_wait3A_232 = tpu.memref_slice %arg4[%add3A_72] : memref<802816xi32, #tpu.memory_space<hbm>> -> memref<128xi32, #tpu.memory_space<hbm>>
        tpu.wait_dma2 semaphore(%run_scoped3A : memref<!tpu.dma_semaphore, #tpu.memory_space<semaphore_mem>>) src(%dma_wait3A_232 : memref<128xi32, #tpu.memory_space<hbm>>) dst(%arg8 : memref<128xi32, #tpu.memory_space<vmem>>)
        tpu.yield
      }) : () -> ()
      %get3A = arith.constant 0 : index
      %get3A_73 = tpu.vector_load %arg8[%get3A] {strides = array<i32>} : memref<128xi32, #tpu.memory_space<vmem>>, vector<16xi32>,
      %get3A_74 = vector.shape_cast %get3A_73 : vector<16xi32> to vector<16xi32>
      %broadcast_in_dim3A = arith.constant 37632 : i32
      %broadcast_in_dim3A_75 = vector.broadcast %broadcast_in_dim3A : i32 to vector<16xi32>
      %sub3A = arith.subi %get3A_74, %broadcast_in_dim3A_75 : vector<16xi32>
      %broadcast_in_dim3A_76 = arith.constant 0 : i32
      %broadcast_in_dim3A_77 = vector.broadcast %broadcast_in_dim3A_76 : i32 to vector<16xi32>
      %ge3A = arith.cmpi sge, %sub3A, %broadcast_in_dim3A_77 : vector<16xi32>
      %broadcast_in_dim3A_78 = arith.constant 12544 : i32
      %broadcast_in_dim3A_79 = vector.broadcast %broadcast_in_dim3A_78 : i32 to vector<16xi32>
      %lt3A = arith.cmpi slt, %sub3A, %broadcast_in_dim3A_79 : vector<16xi32>
      %and3A = arith.andi %ge3A, %lt3A : vector<16xi1>
      %broadcast_in_dim3A_80 = arith.constant 12544 : i32
      %broadcast_in_dim3A_81 = vector.broadcast %broadcast_in_dim3A_80 : i32 to vector<16xi32>
      %select_n3A = arith.select %and3A, %sub3A, %broadcast_in_dim3A_81 : vector<16xi1>, vector<16xi32>
      %swap3A = arith.constant 0 : index
      %swap3A_82 = tpu.vector_load %arg9[%swap3A] {strides = array<i32>} : memref<128xi32, #tpu.memory_space<vmem>>, vector<16xi32>,
      %swap3A_83 = vector.shape_cast %swap3A_82 : vector<16xi32> to vector<16xi32>
      %swap3A_84 = vector.shape_cast %select_n3A : vector<16xi32> to vector<16xi32>
      tpu.vector_store %arg9[%swap3A], %swap3A_84 {strides = array<i32>} : memref<128xi32, #tpu.memory_space<vmem>>, vector<16xi32>,
      %get3A_85 = arith.constant 16 : index
      %get3A_86 = tpu.vector_load %arg8[%get3A_85] {strides = array<i32>} : memref<128xi32, #tpu.memory_space<vmem>>, vector<16xi32>,
      %get3A_87 = vector.shape_cast %get3A_86 : vector<16xi32> to vector<16xi32>
      %broadcast_in_dim3A_88 = arith.constant 37632 : i32
      %broadcast_in_dim3A_89 = vector.broadcast %broadcast_in_dim3A_88 : i32 to vector<16xi32>
      %sub3A_90 = arith.subi %get3A_87, %broadcast_in_dim3A_89 : vector<16xi32>
      %broadcast_in_dim3A_91 = arith.constant 0 : i32
      %broadcast_in_dim3A_92 = vector.broadcast %broadcast_in_dim3A_91 : i32 to vector<16xi32>
      %ge3A_93 = arith.cmpi sge, %sub3A_90, %broadcast_in_dim3A_92 : vector<16xi32>
      %broadcast_in_dim3A_94 = arith.constant 12544 : i32
      %broadcast_in_dim3A_95 = vector.broadcast %broadcast_in_dim3A_94 : i32 to vector<16xi32>
      %lt3A_96 = arith.cmpi slt, %sub3A_90, %broadcast_in_dim3A_95 : vector<16xi32>
      %and3A_97 = arith.andi %ge3A_93, %lt3A_96 : vector<16xi1>
      %broadcast_in_dim3A_98 = arith.constant 12544 : i32
      %broadcast_in_dim3A_99 = vector.broadcast %broadcast_in_dim3A_98 : i32 to vector<16xi32>
      %select_n3A_100 = arith.select %and3A_97, %sub3A_90, %broadcast_in_dim3A_99 : vector<16xi1>, vector<16xi32>
      %swap3A_101 = arith.constant 16 : index
      %swap3A_102 = tpu.vector_load %arg9[%swap3A_101] {strides = array<i32>} : memref<128xi32, #tpu.memory_space<vmem>>, vector<16xi32>,
      %swap3A_103 = vector.shape_cast %swap3A_102 : vector<16xi32> to vector<16xi32>
      %swap3A_104 = vector.shape_cast %select_n3A_100 : vector<16xi32> to vector<16xi32>
      tpu.vector_store %arg9[%swap3A_101], %swap3A_104 {strides = array<i32>} : memref<128xi32, #tpu.memory_space<vmem>>, vector<16xi32>,
      %get3A_105 = arith.constant 32 : index
      %get3A_106 = tpu.vector_load %arg8[%get3A_105] {strides = array<i32>} : memref<128xi32, #tpu.memory_space<vmem>>, vector<16xi32>,
      %get3A_107 = vector.shape_cast %get3A_106 : vector<16xi32> to vector<16xi32>
      %broadcast_in_dim3A_108 = arith.constant 37632 : i32
      %broadcast_in_dim3A_109 = vector.broadcast %broadcast_in_dim3A_108 : i32 to vector<16xi32>
      %sub3A_110 = arith.subi %get3A_107, %broadcast_in_dim3A_109 : vector<16xi32>
      %broadcast_in_dim3A_111 = arith.constant 0 : i32
      %broadcast_in_dim3A_112 = vector.broadcast %broadcast_in_dim3A_111 : i32 to vector<16xi32>
      %ge3A_113 = arith.cmpi sge, %sub3A_110, %broadcast_in_dim3A_112 : vector<16xi32>
      %broadcast_in_dim3A_114 = arith.constant 12544 : i32
      %broadcast_in_dim3A_115 = vector.broadcast %broadcast_in_dim3A_114 : i32 to vector<16xi32>
      %lt3A_116 = arith.cmpi slt, %sub3A_110, %broadcast_in_dim3A_115 : vector<16xi32>
      %and3A_117 = arith.andi %ge3A_113, %lt3A_116 : vector<16xi1>
      %broadcast_in_dim3A_118 = arith.constant 12544 : i32
      %broadcast_in_dim3A_119 = vector.broadcast %broadcast_in_dim3A_118 : i32 to vector<16xi32>
      %select_n3A_120 = arith.select %and3A_117, %sub3A_110, %broadcast_in_dim3A_119 : vector<16xi1>, vector<16xi32>
      %swap3A_121 = arith.constant 32 : index
      %swap3A_122 = tpu.vector_load %arg9[%swap3A_121] {strides = array<i32>} : memref<128xi32, #tpu.memory_space<vmem>>, vector<16xi32>,
      %swap3A_123 = vector.shape_cast %swap3A_122 : vector<16xi32> to vector<16xi32>
      %swap3A_124 = vector.shape_cast %select_n3A_120 : vector<16xi32> to vector<16xi32>
      tpu.vector_store %arg9[%swap3A_121], %swap3A_124 {strides = array<i32>} : memref<128xi32, #tpu.memory_space<vmem>>, vector<16xi32>,
      %get3A_125 = arith.constant 48 : index
      %get3A_126 = tpu.vector_load %arg8[%get3A_125] {strides = array<i32>} : memref<128xi32, #tpu.memory_space<vmem>>, vector<16xi32>,
      %get3A_127 = vector.shape_cast %get3A_126 : vector<16xi32> to vector<16xi32>
      %broadcast_in_dim3A_128 = arith.constant 37632 : i32
      %broadcast_in_dim3A_129 = vector.broadcast %broadcast_in_dim3A_128 : i32 to vector<16xi32>
      %sub3A_130 = arith.subi %get3A_127, %broadcast_in_dim3A_129 : vector<16xi32>
      %broadcast_in_dim3A_131 = arith.constant 0 : i32
      %broadcast_in_dim3A_132 = vector.broadcast %broadcast_in_dim3A_131 : i32 to vector<16xi32>
      %ge3A_133 = arith.cmpi sge, %sub3A_130, %broadcast_in_dim3A_132 : vector<16xi32>
      %broadcast_in_dim3A_134 = arith.constant 12544 : i32
      %broadcast_in_dim3A_135 = vector.broadcast %broadcast_in_dim3A_134 : i32 to vector<16xi32>
      %lt3A_136 = arith.cmpi slt, %sub3A_130, %broadcast_in_dim3A_135 : vector<16xi32>
      %and3A_137 = arith.andi %ge3A_133, %lt3A_136 : vector<16xi1>
      %broadcast_in_dim3A_138 = arith.constant 12544 : i32
      %broadcast_in_dim3A_139 = vector.broadcast %broadcast_in_dim3A_138 : i32 to vector<16xi32>
      %select_n3A_140 = arith.select %and3A_137, %sub3A_130, %broadcast_in_dim3A_139 : vector<16xi1>, vector<16xi32>
      %swap3A_141 = arith.constant 48 : index
      %swap3A_142 = tpu.vector_load %arg9[%swap3A_141] {strides = array<i32>} : memref<128xi32, #tpu.memory_space<vmem>>, vector<16xi32>,
      %swap3A_143 = vector.shape_cast %swap3A_142 : vector<16xi32> to vector<16xi32>
      %swap3A_144 = vector.shape_cast %select_n3A_140 : vector<16xi32> to vector<16xi32>
      tpu.vector_store %arg9[%swap3A_141], %swap3A_144 {strides = array<i32>} : memref<128xi32, #tpu.memory_space<vmem>>, vector<16xi32>,
      %get3A_145 = arith.constant 64 : index
      %get3A_146 = tpu.vector_load %arg8[%get3A_145] {strides = array<i32>} : memref<128xi32, #tpu.memory_space<vmem>>, vector<16xi32>,
      %get3A_147 = vector.shape_cast %get3A_146 : vector<16xi32> to vector<16xi32>
      %broadcast_in_dim3A_148 = arith.constant 37632 : i32
      %broadcast_in_dim3A_149 = vector.broadcast %broadcast_in_dim3A_148 : i32 to vector<16xi32>
      %sub3A_150 = arith.subi %get3A_147, %broadcast_in_dim3A_149 : vector<16xi32>
      %broadcast_in_dim3A_151 = arith.constant 0 : i32
      %broadcast_in_dim3A_152 = vector.broadcast %broadcast_in_dim3A_151 : i32 to vector<16xi32>
      %ge3A_153 = arith.cmpi sge, %sub3A_150, %broadcast_in_dim3A_152 : vector<16xi32>
      %broadcast_in_dim3A_154 = arith.constant 12544 : i32
      %broadcast_in_dim3A_155 = vector.broadcast %broadcast_in_dim3A_154 : i32 to vector<16xi32>
      %lt3A_156 = arith.cmpi slt, %sub3A_150, %broadcast_in_dim3A_155 : vector<16xi32>
      %and3A_157 = arith.andi %ge3A_153, %lt3A_156 : vector<16xi1>
      %broadcast_in_dim3A_158 = arith.constant 12544 : i32
      %broadcast_in_dim3A_159 = vector.broadcast %broadcast_in_dim3A_158 : i32 to vector<16xi32>
      %select_n3A_160 = arith.select %and3A_157, %sub3A_150, %broadcast_in_dim3A_159 : vector<16xi1>, vector<16xi32>
      %swap3A_161 = arith.constant 64 : index
      %swap3A_162 = tpu.vector_load %arg9[%swap3A_161] {strides = array<i32>} : memref<128xi32, #tpu.memory_space<vmem>>, vector<16xi32>,
      %swap3A_163 = vector.shape_cast %swap3A_162 : vector<16xi32> to vector<16xi32>
      %swap3A_164 = vector.shape_cast %select_n3A_160 : vector<16xi32> to vector<16xi32>
      tpu.vector_store %arg9[%swap3A_161], %swap3A_164 {strides = array<i32>} : memref<128xi32, #tpu.memory_space<vmem>>, vector<16xi32>,
      %get3A_165 = arith.constant 80 : index
      %get3A_166 = tpu.vector_load %arg8[%get3A_165] {strides = array<i32>} : memref<128xi32, #tpu.memory_space<vmem>>, vector<16xi32>,
      %get3A_167 = vector.shape_cast %get3A_166 : vector<16xi32> to vector<16xi32>
      %broadcast_in_dim3A_168 = arith.constant 37632 : i32
      %broadcast_in_dim3A_169 = vector.broadcast %broadcast_in_dim3A_168 : i32 to vector<16xi32>
      %sub3A_170 = arith.subi %get3A_167, %broadcast_in_dim3A_169 : vector<16xi32>
      %broadcast_in_dim3A_171 = arith.constant 0 : i32
      %broadcast_in_dim3A_172 = vector.broadcast %broadcast_in_dim3A_171 : i32 to vector<16xi32>
      %ge3A_173 = arith.cmpi sge, %sub3A_170, %broadcast_in_dim3A_172 : vector<16xi32>
      %broadcast_in_dim3A_174 = arith.constant 12544 : i32
      %broadcast_in_dim3A_175 = vector.broadcast %broadcast_in_dim3A_174 : i32 to vector<16xi32>
      %lt3A_176 = arith.cmpi slt, %sub3A_170, %broadcast_in_dim3A_175 : vector<16xi32>
      %and3A_177 = arith.andi %ge3A_173, %lt3A_176 : vector<16xi1>
      %broadcast_in_dim3A_178 = arith.constant 12544 : i32
      %broadcast_in_dim3A_179 = vector.broadcast %broadcast_in_dim3A_178 : i32 to vector<16xi32>
      %select_n3A_180 = arith.select %and3A_177, %sub3A_170, %broadcast_in_dim3A_179 : vector<16xi1>, vector<16xi32>
      %swap3A_181 = arith.constant 80 : index
      %swap3A_182 = tpu.vector_load %arg9[%swap3A_181] {strides = array<i32>} : memref<128xi32, #tpu.memory_space<vmem>>, vector<16xi32>,
      %swap3A_183 = vector.shape_cast %swap3A_182 : vector<16xi32> to vector<16xi32>
      %swap3A_184 = vector.shape_cast %select_n3A_180 : vector<16xi32> to vector<16xi32>
      tpu.vector_store %arg9[%swap3A_181], %swap3A_184 {strides = array<i32>} : memref<128xi32, #tpu.memory_space<vmem>>, vector<16xi32>,
      %get3A_185 = arith.constant 96 : index
      %get3A_186 = tpu.vector_load %arg8[%get3A_185] {strides = array<i32>} : memref<128xi32, #tpu.memory_space<vmem>>, vector<16xi32>,
      %get3A_187 = vector.shape_cast %get3A_186 : vector<16xi32> to vector<16xi32>
      %broadcast_in_dim3A_188 = arith.constant 37632 : i32
      %broadcast_in_dim3A_189 = vector.broadcast %broadcast_in_dim3A_188 : i32 to vector<16xi32>
      %sub3A_190 = arith.subi %get3A_187, %broadcast_in_dim3A_189 : vector<16xi32>
      %broadcast_in_dim3A_191 = arith.constant 0 : i32
      %broadcast_in_dim3A_192 = vector.broadcast %broadcast_in_dim3A_191 : i32 to vector<16xi32>
      %ge3A_193 = arith.cmpi sge, %sub3A_190, %broadcast_in_dim3A_192 : vector<16xi32>
      %broadcast_in_dim3A_194 = arith.constant 12544 : i32
      %broadcast_in_dim3A_195 = vector.broadcast %broadcast_in_dim3A_194 : i32 to vector<16xi32>
      %lt3A_196 = arith.cmpi slt, %sub3A_190, %broadcast_in_dim3A_195 : vector<16xi32>
      %and3A_197 = arith.andi %ge3A_193, %lt3A_196 : vector<16xi1>
      %broadcast_in_dim3A_198 = arith.constant 12544 : i32
      %broadcast_in_dim3A_199 = vector.broadcast %broadcast_in_dim3A_198 : i32 to vector<16xi32>
      %select_n3A_200 = arith.select %and3A_197, %sub3A_190, %broadcast_in_dim3A_199 : vector<16xi1>, vector<16xi32>
      %swap3A_201 = arith.constant 96 : index
      %swap3A_202 = tpu.vector_load %arg9[%swap3A_201] {strides = array<i32>} : memref<128xi32, #tpu.memory_space<vmem>>, vector<16xi32>,
      %swap3A_203 = vector.shape_cast %swap3A_202 : vector<16xi32> to vector<16xi32>
      %swap3A_204 = vector.shape_cast %select_n3A_200 : vector<16xi32> to vector<16xi32>
      tpu.vector_store %arg9[%swap3A_201], %swap3A_204 {strides = array<i32>} : memref<128xi32, #tpu.memory_space<vmem>>, vector<16xi32>,
      %get3A_205 = arith.constant 112 : index
      %get3A_206 = tpu.vector_load %arg8[%get3A_205] {strides = array<i32>} : memref<128xi32, #tpu.memory_space<vmem>>, vector<16xi32>,
      %get3A_207 = vector.shape_cast %get3A_206 : vector<16xi32> to vector<16xi32>
      %broadcast_in_dim3A_208 = arith.constant 37632 : i32
      %broadcast_in_dim3A_209 = vector.broadcast %broadcast_in_dim3A_208 : i32 to vector<16xi32>
      %sub3A_210 = arith.subi %get3A_207, %broadcast_in_dim3A_209 : vector<16xi32>
      %broadcast_in_dim3A_211 = arith.constant 0 : i32
      %broadcast_in_dim3A_212 = vector.broadcast %broadcast_in_dim3A_211 : i32 to vector<16xi32>
      %ge3A_213 = arith.cmpi sge, %sub3A_210, %broadcast_in_dim3A_212 : vector<16xi32>
      %broadcast_in_dim3A_214 = arith.constant 12544 : i32
      %broadcast_in_dim3A_215 = vector.broadcast %broadcast_in_dim3A_214 : i32 to vector<16xi32>
      %lt3A_216 = arith.cmpi slt, %sub3A_210, %broadcast_in_dim3A_215 : vector<16xi32>
      %and3A_217 = arith.andi %ge3A_213, %lt3A_216 : vector<16xi1>
      %broadcast_in_dim3A_218 = arith.constant 12544 : i32
      %broadcast_in_dim3A_219 = vector.broadcast %broadcast_in_dim3A_218 : i32 to vector<16xi32>
      %select_n3A_220 = arith.select %and3A_217, %sub3A_210, %broadcast_in_dim3A_219 : vector<16xi1>, vector<16xi32>
      %swap3A_221 = arith.constant 112 : index
      %swap3A_222 = tpu.vector_load %arg9[%swap3A_221] {strides = array<i32>} : memref<128xi32, #tpu.memory_space<vmem>>, vector<16xi32>,
      %swap3A_223 = vector.shape_cast %swap3A_222 : vector<16xi32> to vector<16xi32>
      %swap3A_224 = vector.shape_cast %select_n3A_220 : vector<16xi32> to vector<16xi32>
      tpu.vector_store %arg9[%swap3A_221], %swap3A_224 {strides = array<i32>} : memref<128xi32, #tpu.memory_space<vmem>>, vector<16xi32>,
      %dma_start3A = arith.constant 0 : i32
      %dma_start3A_225 = arith.constant 0 : i32
      %dma_start3A_226 = tpu.memref_slice %arg2[%dma_start3A, %dma_start3A_225] : memref<50176x128xf32, #tpu.memory_space<hbm>> -> memref<50176x128xf32, #tpu.memory_space<hbm>>
      tpu.enqueue_indirect_dma source(%dma_start3A_226 : memref<50176x128xf32, #tpu.memory_space<hbm>>) target(%arg10 : memref<128x128xf32, #tpu.memory_space<vmem>>) offsets(%arg7 : memref<128xi32, #tpu.memory_space<vmem>>) semaphore(%arg12 : memref<!tpu.dma_semaphore, #tpu.memory_space<semaphore_mem>>)
      %dma_wait3A = arith.constant 0 : i32
      %dma_wait3A_227 = arith.constant 0 : i32
      %dma_wait3A_228 = tpu.memref_slice %arg2[%dma_wait3A, %dma_wait3A_227] : memref<50176x128xf32, #tpu.memory_space<hbm>> -> memref<50176x128xf32, #tpu.memory_space<hbm>>
      tpu.wait_indirect_dma semaphore(%arg12 : memref<!tpu.dma_semaphore, #tpu.memory_space<semaphore_mem>>) src(%dma_wait3A_228 : memref<50176x128xf32, #tpu.memory_space<hbm>>) dst(%arg10 : memref<128x128xf32, #tpu.memory_space<vmem>>)
      "tpu.region"() ({
        %run_scoped3A = tpu.sem_alloc : memref<!tpu.dma_semaphore, #tpu.memory_space<semaphore_mem>>
        %dma_start3A_229 = arith.constant 0 : i32
        %dma_start3A_230 = arith.constant 0 : i32
        %dma_start3A_231 = tpu.memref_slice %arg11[%dma_start3A_229, %dma_start3A_230] : memref<12672x128xf32, #tpu.memory_space<vmem_shared>> -> memref<12672x128xf32, #tpu.memory_space<vmem_shared>>
        tpu.enqueue_indirect_dma source(%arg10 : memref<128x128xf32, #tpu.memory_space<vmem>>) target(%dma_start3A_231 : memref<12672x128xf32, #tpu.memory_space<vmem_shared>>) offsets(%arg9 : memref<128xi32, #tpu.memory_space<vmem>>) semaphore(%run_scoped3A : memref<!tpu.dma_semaphore, #tpu.memory_space<semaphore_mem>>) {add = true}
        %dma_wait3A_232 = arith.constant 0 : i32
        %dma_wait3A_233 = arith.constant 0 : i32
        %dma_wait3A_234 = tpu.memref_slice %arg11[%dma_wait3A_232, %dma_wait3A_233] : memref<12672x128xf32, #tpu.memory_space<vmem_shared>> -> memref<12672x128xf32, #tpu.memory_space<vmem_shared>>
        tpu.wait_indirect_dma semaphore(%run_scoped3A : memref<!tpu.dma_semaphore, #tpu.memory_space<semaphore_mem>>) src(%arg10 : memref<128x128xf32, #tpu.memory_space<vmem>>) dst(%dma_wait3A_234 : memref<12672x128xf32, #tpu.memory_space<vmem_shared>>)
        tpu.yield
      }) : () -> ()
    }
    %scan3A_60 = arith.constant 196 : i32
    %barrier3A_61 = arith.constant 0 : index
    tpu.barrier barrier_id(%barrier3A_61)
    %mul3A_62 = arith.constant 784 : i32
    %mul3A_63 = arith.muli %arg1, %mul3A_62 : i32
    %mul3A_64 = arith.constant 784 : i32
    %mul3A_65 = arith.muli %arg1, %mul3A_64 : i32
    %add3A_66 = arith.constant 37632 : i32
    %add3A_67 = arith.addi %add3A_66, %mul3A_65 : i32
    "tpu.region"() ({
      %run_scoped3A = tpu.sem_alloc : memref<!tpu.dma_semaphore, #tpu.memory_space<semaphore_mem>>
      %dma_start3A = arith.constant 0 : i32
      %dma_start3A_69 = tpu.memref_slice %arg6[%arg0, %add3A_67, %dma_start3A] : memref<2x50176x128xf32, #tpu.memory_space<hbm>> -> memref<1x784x128xf32, #tpu.memory_space<hbm>>
      %dma_start3A_70 = tpu.memref_squeeze %dma_start3A_69 : memref<1x784x128xf32, #tpu.memory_space<hbm>> -> memref<784x128xf32, #tpu.memory_space<hbm>>
      %dma_start3A_71 = arith.constant 0 : i32
      %dma_start3A_72 = tpu.memref_slice %arg11[%mul3A_63, %dma_start3A_71] : memref<12672x128xf32, #tpu.memory_space<vmem_shared>> -> memref<784x128xf32, #tpu.memory_space<vmem_shared>>
      tpu.enqueue_dma source(%dma_start3A_72 : memref<784x128xf32, #tpu.memory_space<vmem_shared>>) target(%dma_start3A_70 : memref<784x128xf32, #tpu.memory_space<hbm>>) target_semaphore(%run_scoped3A : memref<!tpu.dma_semaphore, #tpu.memory_space<semaphore_mem>>)
      %dma_wait3A = arith.constant 0 : i32
      %dma_wait3A_73 = tpu.memref_slice %arg6[%arg0, %add3A_67, %dma_wait3A] : memref<2x50176x128xf32, #tpu.memory_space<hbm>> -> memref<1x784x128xf32, #tpu.memory_space<hbm>>
      %dma_wait3A_74 = tpu.memref_squeeze %dma_wait3A_73 : memref<1x784x128xf32, #tpu.memory_space<hbm>> -> memref<784x128xf32, #tpu.memory_space<hbm>>
      %dma_wait3A_75 = arith.constant 0 : i32
      %dma_wait3A_76 = tpu.memref_slice %arg11[%mul3A_63, %dma_wait3A_75] : memref<12672x128xf32, #tpu.memory_space<vmem_shared>> -> memref<784x128xf32, #tpu.memory_space<vmem_shared>>
      tpu.wait_dma2 semaphore(%run_scoped3A : memref<!tpu.dma_semaphore, #tpu.memory_space<semaphore_mem>>) src(%dma_wait3A_76 : memref<784x128xf32, #tpu.memory_space<vmem_shared>>) dst(%dma_wait3A_74 : memref<784x128xf32, #tpu.memory_space<hbm>>)
      tpu.yield
    }) : () -> ()
    %barrier3A_68 = arith.constant 0 : index
    tpu.barrier barrier_id(%barrier3A_68)
    return
  }
}

#map = affine_map<(d0, d1) -> (0, 0)>
#map1 = affine_map<(d0, d1) -> (0)>
#map2 = affine_map<(d0, d1) -> (0, 0, 0)>
module attributes {stable_mosaic.version = 14 : i64} {
  func.func @_segsum_sc_body(%arg0: i32, %arg1: i32, %arg2: memref<50176x128xf32, #tpu.memory_space<hbm>>, %arg3: memref<802816xi32, #tpu.memory_space<hbm>>, %arg4: memref<802816xi32, #tpu.memory_space<hbm>>, %arg5: memref<792x128xf32, #tpu.memory_space<hbm>>, %arg6: memref<2x50176x128xf32, #tpu.memory_space<hbm>>, %arg7: memref<128xi32, #tpu.memory_space<vmem>>, %arg8: memref<128xi32, #tpu.memory_space<vmem>>, %arg9: memref<128xi32, #tpu.memory_space<vmem>>, %arg10: memref<128x128xf32, #tpu.memory_space<vmem>>, %arg11: memref<12672x128xf32, #tpu.memory_space<vmem_shared>>, %arg12: memref<!tpu.dma_semaphore, #tpu.memory_space<semaphore_mem>>) attributes {dimension_semantics = [#tpu.dimension_semantics<core_parallel>, #tpu.dimension_semantics<subcore_parallel>], iteration_bounds = array<i64: 2, 16>, scalar_prefetch = 0 : i64, scratch_operands = 6 : i64, tpu.core_type = #tpu.core_type<sc_vector_subcore>, window_params = [{transform_indices = #map}, {transform_indices = #map1}, {transform_indices = #map1}, {transform_indices = #map}, {transform_indices = #map2}]} {
    %mul3A = arith.constant 2 : i32
    %mul3A_0 = arith.muli %arg1, %mul3A : i32
    %add3A = arith.addi %mul3A_0, %arg0 : i32
    %mul3A_1 = arith.constant 25088 : i32
    %mul3A_2 = arith.muli %add3A, %mul3A_1 : i32
    %mul3A_3 = arith.constant 792 : i32
    %mul3A_4 = arith.muli %arg1, %mul3A_3 : i32
    "tpu.region"() ({
      %run_scoped3A = tpu.sem_alloc : memref<!tpu.dma_semaphore, #tpu.memory_space<semaphore_mem>>
      %dma_start3A = arith.constant 0 : i32
      %dma_start3A_69 = tpu.memref_slice %arg11[%mul3A_4, %dma_start3A] : memref<12672x128xf32, #tpu.memory_space<vmem_shared>> -> memref<792x128xf32, #tpu.memory_space<vmem_shared>>
      tpu.enqueue_dma source(%arg5 : memref<792x128xf32, #tpu.memory_space<hbm>>) target(%dma_start3A_69 : memref<792x128xf32, #tpu.memory_space<vmem_shared>>) target_semaphore(%run_scoped3A : memref<!tpu.dma_semaphore, #tpu.memory_space<semaphore_mem>>)
      %dma_wait3A = arith.constant 0 : i32
      %dma_wait3A_70 = tpu.memref_slice %arg11[%mul3A_4, %dma_wait3A] : memref<12672x128xf32, #tpu.memory_space<vmem_shared>> -> memref<792x128xf32, #tpu.memory_space<vmem_shared>>
      tpu.wait_dma2 semaphore(%run_scoped3A : memref<!tpu.dma_semaphore, #tpu.memory_space<semaphore_mem>>) src(%arg5 : memref<792x128xf32, #tpu.memory_space<hbm>>) dst(%dma_wait3A_70 : memref<792x128xf32, #tpu.memory_space<vmem_shared>>)
      tpu.yield
    }) : () -> ()
    %barrier3A = arith.constant 0 : index
    tpu.barrier barrier_id(%barrier3A)
    %scan3A = arith.constant 0 : i32
    %scan3A_5 = arith.constant 0 : i32
    %scan3A_6 = arith.constant 196 : i32
    %scan3A_7 = arith.addi %scan3A_5, %scan3A_6 : i32
    %scan3A_8 = arith.constant 1 : i32
    scf.for %scan3A_69 = %scan3A_5 to %scan3A_7 step %scan3A_8  : i32 {
      %mul3A_70 = arith.constant 128 : i32
      %mul3A_71 = arith.muli %scan3A_69, %mul3A_70 : i32
      %add3A_72 = arith.addi %mul3A_2, %mul3A_71 : i32
      "tpu.region"() ({
        %run_scoped3A = tpu.sem_alloc : memref<!tpu.dma_semaphore, #tpu.memory_space<semaphore_mem>>
        %dma_start3A_229 = tpu.memref_slice %arg3[%add3A_72] : memref<802816xi32, #tpu.memory_space<hbm>> -> memref<128xi32, #tpu.memory_space<hbm>>
        %dma_start3A_230 = tpu.memref_slice %arg3[%add3A_72] : memref<802816xi32, #tpu.memory_space<hbm>> -> memref<128xi32, #tpu.memory_space<hbm>>
        tpu.enqueue_dma source(%dma_start3A_230 : memref<128xi32, #tpu.memory_space<hbm>>) target(%arg7 : memref<128xi32, #tpu.memory_space<vmem>>) target_semaphore(%run_scoped3A : memref<!tpu.dma_semaphore, #tpu.memory_space<semaphore_mem>>)
        %dma_wait3A_231 = tpu.memref_slice %arg3[%add3A_72] : memref<802816xi32, #tpu.memory_space<hbm>> -> memref<128xi32, #tpu.memory_space<hbm>>
        %dma_wait3A_232 = tpu.memref_slice %arg3[%add3A_72] : memref<802816xi32, #tpu.memory_space<hbm>> -> memref<128xi32, #tpu.memory_space<hbm>>
        tpu.wait_dma2 semaphore(%run_scoped3A : memref<!tpu.dma_semaphore, #tpu.memory_space<semaphore_mem>>) src(%dma_wait3A_232 : memref<128xi32, #tpu.memory_space<hbm>>) dst(%arg7 : memref<128xi32, #tpu.memory_space<vmem>>)
        tpu.yield
      }) : () -> ()
      "tpu.region"() ({
        %run_scoped3A = tpu.sem_alloc : memref<!tpu.dma_semaphore, #tpu.memory_space<semaphore_mem>>
        %dma_start3A_229 = tpu.memref_slice %arg4[%add3A_72] : memref<802816xi32, #tpu.memory_space<hbm>> -> memref<128xi32, #tpu.memory_space<hbm>>
        %dma_start3A_230 = tpu.memref_slice %arg4[%add3A_72] : memref<802816xi32, #tpu.memory_space<hbm>> -> memref<128xi32, #tpu.memory_space<hbm>>
        tpu.enqueue_dma source(%dma_start3A_230 : memref<128xi32, #tpu.memory_space<hbm>>) target(%arg8 : memref<128xi32, #tpu.memory_space<vmem>>) target_semaphore(%run_scoped3A : memref<!tpu.dma_semaphore, #tpu.memory_space<semaphore_mem>>)
        %dma_wait3A_231 = tpu.memref_slice %arg4[%add3A_72] : memref<802816xi32, #tpu.memory_space<hbm>> -> memref<128xi32, #tpu.memory_space<hbm>>
        %dma_wait3A_232 = tpu.memref_slice %arg4[%add3A_72] : memref<802816xi32, #tpu.memory_space<hbm>> -> memref<128xi32, #tpu.memory_space<hbm>>
        tpu.wait_dma2 semaphore(%run_scoped3A : memref<!tpu.dma_semaphore, #tpu.memory_space<semaphore_mem>>) src(%dma_wait3A_232 : memref<128xi32, #tpu.memory_space<hbm>>) dst(%arg8 : memref<128xi32, #tpu.memory_space<vmem>>)
        tpu.yield
      }) : () -> ()
      %get3A = arith.constant 0 : index
      %get3A_73 = tpu.vector_load %arg8[%get3A] {strides = array<i32>} : memref<128xi32, #tpu.memory_space<vmem>>, vector<16xi32>,
      %get3A_74 = vector.shape_cast %get3A_73 : vector<16xi32> to vector<16xi32>
      %broadcast_in_dim3A = arith.constant 0 : i32
      %broadcast_in_dim3A_75 = vector.broadcast %broadcast_in_dim3A : i32 to vector<16xi32>
      %sub3A = arith.subi %get3A_74, %broadcast_in_dim3A_75 : vector<16xi32>
      %broadcast_in_dim3A_76 = arith.constant 0 : i32
      %broadcast_in_dim3A_77 = vector.broadcast %broadcast_in_dim3A_76 : i32 to vector<16xi32>
      %ge3A = arith.cmpi sge, %sub3A, %broadcast_in_dim3A_77 : vector<16xi32>
      %broadcast_in_dim3A_78 = arith.constant 12544 : i32
      %broadcast_in_dim3A_79 = vector.broadcast %broadcast_in_dim3A_78 : i32 to vector<16xi32>
      %lt3A = arith.cmpi slt, %sub3A, %broadcast_in_dim3A_79 : vector<16xi32>
      %and3A = arith.andi %ge3A, %lt3A : vector<16xi1>
      %broadcast_in_dim3A_80 = arith.constant 12544 : i32
      %broadcast_in_dim3A_81 = vector.broadcast %broadcast_in_dim3A_80 : i32 to vector<16xi32>
      %select_n3A = arith.select %and3A, %sub3A, %broadcast_in_dim3A_81 : vector<16xi1>, vector<16xi32>
      %swap3A = arith.constant 0 : index
      %swap3A_82 = tpu.vector_load %arg9[%swap3A] {strides = array<i32>} : memref<128xi32, #tpu.memory_space<vmem>>, vector<16xi32>,
      %swap3A_83 = vector.shape_cast %swap3A_82 : vector<16xi32> to vector<16xi32>
      %swap3A_84 = vector.shape_cast %select_n3A : vector<16xi32> to vector<16xi32>
      tpu.vector_store %arg9[%swap3A], %swap3A_84 {strides = array<i32>} : memref<128xi32, #tpu.memory_space<vmem>>, vector<16xi32>,
      %get3A_85 = arith.constant 16 : index
      %get3A_86 = tpu.vector_load %arg8[%get3A_85] {strides = array<i32>} : memref<128xi32, #tpu.memory_space<vmem>>, vector<16xi32>,
      %get3A_87 = vector.shape_cast %get3A_86 : vector<16xi32> to vector<16xi32>
      %broadcast_in_dim3A_88 = arith.constant 0 : i32
      %broadcast_in_dim3A_89 = vector.broadcast %broadcast_in_dim3A_88 : i32 to vector<16xi32>
      %sub3A_90 = arith.subi %get3A_87, %broadcast_in_dim3A_89 : vector<16xi32>
      %broadcast_in_dim3A_91 = arith.constant 0 : i32
      %broadcast_in_dim3A_92 = vector.broadcast %broadcast_in_dim3A_91 : i32 to vector<16xi32>
      %ge3A_93 = arith.cmpi sge, %sub3A_90, %broadcast_in_dim3A_92 : vector<16xi32>
      %broadcast_in_dim3A_94 = arith.constant 12544 : i32
      %broadcast_in_dim3A_95 = vector.broadcast %broadcast_in_dim3A_94 : i32 to vector<16xi32>
      %lt3A_96 = arith.cmpi slt, %sub3A_90, %broadcast_in_dim3A_95 : vector<16xi32>
      %and3A_97 = arith.andi %ge3A_93, %lt3A_96 : vector<16xi1>
      %broadcast_in_dim3A_98 = arith.constant 12544 : i32
      %broadcast_in_dim3A_99 = vector.broadcast %broadcast_in_dim3A_98 : i32 to vector<16xi32>
      %select_n3A_100 = arith.select %and3A_97, %sub3A_90, %broadcast_in_dim3A_99 : vector<16xi1>, vector<16xi32>
      %swap3A_101 = arith.constant 16 : index
      %swap3A_102 = tpu.vector_load %arg9[%swap3A_101] {strides = array<i32>} : memref<128xi32, #tpu.memory_space<vmem>>, vector<16xi32>,
      %swap3A_103 = vector.shape_cast %swap3A_102 : vector<16xi32> to vector<16xi32>
      %swap3A_104 = vector.shape_cast %select_n3A_100 : vector<16xi32> to vector<16xi32>
      tpu.vector_store %arg9[%swap3A_101], %swap3A_104 {strides = array<i32>} : memref<128xi32, #tpu.memory_space<vmem>>, vector<16xi32>,
      %get3A_105 = arith.constant 32 : index
      %get3A_106 = tpu.vector_load %arg8[%get3A_105] {strides = array<i32>} : memref<128xi32, #tpu.memory_space<vmem>>, vector<16xi32>,
      %get3A_107 = vector.shape_cast %get3A_106 : vector<16xi32> to vector<16xi32>
      %broadcast_in_dim3A_108 = arith.constant 0 : i32
      %broadcast_in_dim3A_109 = vector.broadcast %broadcast_in_dim3A_108 : i32 to vector<16xi32>
      %sub3A_110 = arith.subi %get3A_107, %broadcast_in_dim3A_109 : vector<16xi32>
      %broadcast_in_dim3A_111 = arith.constant 0 : i32
      %broadcast_in_dim3A_112 = vector.broadcast %broadcast_in_dim3A_111 : i32 to vector<16xi32>
      %ge3A_113 = arith.cmpi sge, %sub3A_110, %broadcast_in_dim3A_112 : vector<16xi32>
      %broadcast_in_dim3A_114 = arith.constant 12544 : i32
      %broadcast_in_dim3A_115 = vector.broadcast %broadcast_in_dim3A_114 : i32 to vector<16xi32>
      %lt3A_116 = arith.cmpi slt, %sub3A_110, %broadcast_in_dim3A_115 : vector<16xi32>
      %and3A_117 = arith.andi %ge3A_113, %lt3A_116 : vector<16xi1>
      %broadcast_in_dim3A_118 = arith.constant 12544 : i32
      %broadcast_in_dim3A_119 = vector.broadcast %broadcast_in_dim3A_118 : i32 to vector<16xi32>
      %select_n3A_120 = arith.select %and3A_117, %sub3A_110, %broadcast_in_dim3A_119 : vector<16xi1>, vector<16xi32>
      %swap3A_121 = arith.constant 32 : index
      %swap3A_122 = tpu.vector_load %arg9[%swap3A_121] {strides = array<i32>} : memref<128xi32, #tpu.memory_space<vmem>>, vector<16xi32>,
      %swap3A_123 = vector.shape_cast %swap3A_122 : vector<16xi32> to vector<16xi32>
      %swap3A_124 = vector.shape_cast %select_n3A_120 : vector<16xi32> to vector<16xi32>
      tpu.vector_store %arg9[%swap3A_121], %swap3A_124 {strides = array<i32>} : memref<128xi32, #tpu.memory_space<vmem>>, vector<16xi32>,
      %get3A_125 = arith.constant 48 : index
      %get3A_126 = tpu.vector_load %arg8[%get3A_125] {strides = array<i32>} : memref<128xi32, #tpu.memory_space<vmem>>, vector<16xi32>,
      %get3A_127 = vector.shape_cast %get3A_126 : vector<16xi32> to vector<16xi32>
      %broadcast_in_dim3A_128 = arith.constant 0 : i32
      %broadcast_in_dim3A_129 = vector.broadcast %broadcast_in_dim3A_128 : i32 to vector<16xi32>
      %sub3A_130 = arith.subi %get3A_127, %broadcast_in_dim3A_129 : vector<16xi32>
      %broadcast_in_dim3A_131 = arith.constant 0 : i32
      %broadcast_in_dim3A_132 = vector.broadcast %broadcast_in_dim3A_131 : i32 to vector<16xi32>
      %ge3A_133 = arith.cmpi sge, %sub3A_130, %broadcast_in_dim3A_132 : vector<16xi32>
      %broadcast_in_dim3A_134 = arith.constant 12544 : i32
      %broadcast_in_dim3A_135 = vector.broadcast %broadcast_in_dim3A_134 : i32 to vector<16xi32>
      %lt3A_136 = arith.cmpi slt, %sub3A_130, %broadcast_in_dim3A_135 : vector<16xi32>
      %and3A_137 = arith.andi %ge3A_133, %lt3A_136 : vector<16xi1>
      %broadcast_in_dim3A_138 = arith.constant 12544 : i32
      %broadcast_in_dim3A_139 = vector.broadcast %broadcast_in_dim3A_138 : i32 to vector<16xi32>
      %select_n3A_140 = arith.select %and3A_137, %sub3A_130, %broadcast_in_dim3A_139 : vector<16xi1>, vector<16xi32>
      %swap3A_141 = arith.constant 48 : index
      %swap3A_142 = tpu.vector_load %arg9[%swap3A_141] {strides = array<i32>} : memref<128xi32, #tpu.memory_space<vmem>>, vector<16xi32>,
      %swap3A_143 = vector.shape_cast %swap3A_142 : vector<16xi32> to vector<16xi32>
      %swap3A_144 = vector.shape_cast %select_n3A_140 : vector<16xi32> to vector<16xi32>
      tpu.vector_store %arg9[%swap3A_141], %swap3A_144 {strides = array<i32>} : memref<128xi32, #tpu.memory_space<vmem>>, vector<16xi32>,
      %get3A_145 = arith.constant 64 : index
      %get3A_146 = tpu.vector_load %arg8[%get3A_145] {strides = array<i32>} : memref<128xi32, #tpu.memory_space<vmem>>, vector<16xi32>,
      %get3A_147 = vector.shape_cast %get3A_146 : vector<16xi32> to vector<16xi32>
      %broadcast_in_dim3A_148 = arith.constant 0 : i32
      %broadcast_in_dim3A_149 = vector.broadcast %broadcast_in_dim3A_148 : i32 to vector<16xi32>
      %sub3A_150 = arith.subi %get3A_147, %broadcast_in_dim3A_149 : vector<16xi32>
      %broadcast_in_dim3A_151 = arith.constant 0 : i32
      %broadcast_in_dim3A_152 = vector.broadcast %broadcast_in_dim3A_151 : i32 to vector<16xi32>
      %ge3A_153 = arith.cmpi sge, %sub3A_150, %broadcast_in_dim3A_152 : vector<16xi32>
      %broadcast_in_dim3A_154 = arith.constant 12544 : i32
      %broadcast_in_dim3A_155 = vector.broadcast %broadcast_in_dim3A_154 : i32 to vector<16xi32>
      %lt3A_156 = arith.cmpi slt, %sub3A_150, %broadcast_in_dim3A_155 : vector<16xi32>
      %and3A_157 = arith.andi %ge3A_153, %lt3A_156 : vector<16xi1>
      %broadcast_in_dim3A_158 = arith.constant 12544 : i32
      %broadcast_in_dim3A_159 = vector.broadcast %broadcast_in_dim3A_158 : i32 to vector<16xi32>
      %select_n3A_160 = arith.select %and3A_157, %sub3A_150, %broadcast_in_dim3A_159 : vector<16xi1>, vector<16xi32>
      %swap3A_161 = arith.constant 64 : index
      %swap3A_162 = tpu.vector_load %arg9[%swap3A_161] {strides = array<i32>} : memref<128xi32, #tpu.memory_space<vmem>>, vector<16xi32>,
      %swap3A_163 = vector.shape_cast %swap3A_162 : vector<16xi32> to vector<16xi32>
      %swap3A_164 = vector.shape_cast %select_n3A_160 : vector<16xi32> to vector<16xi32>
      tpu.vector_store %arg9[%swap3A_161], %swap3A_164 {strides = array<i32>} : memref<128xi32, #tpu.memory_space<vmem>>, vector<16xi32>,
      %get3A_165 = arith.constant 80 : index
      %get3A_166 = tpu.vector_load %arg8[%get3A_165] {strides = array<i32>} : memref<128xi32, #tpu.memory_space<vmem>>, vector<16xi32>,
      %get3A_167 = vector.shape_cast %get3A_166 : vector<16xi32> to vector<16xi32>
      %broadcast_in_dim3A_168 = arith.constant 0 : i32
      %broadcast_in_dim3A_169 = vector.broadcast %broadcast_in_dim3A_168 : i32 to vector<16xi32>
      %sub3A_170 = arith.subi %get3A_167, %broadcast_in_dim3A_169 : vector<16xi32>
      %broadcast_in_dim3A_171 = arith.constant 0 : i32
      %broadcast_in_dim3A_172 = vector.broadcast %broadcast_in_dim3A_171 : i32 to vector<16xi32>
      %ge3A_173 = arith.cmpi sge, %sub3A_170, %broadcast_in_dim3A_172 : vector<16xi32>
      %broadcast_in_dim3A_174 = arith.constant 12544 : i32
      %broadcast_in_dim3A_175 = vector.broadcast %broadcast_in_dim3A_174 : i32 to vector<16xi32>
      %lt3A_176 = arith.cmpi slt, %sub3A_170, %broadcast_in_dim3A_175 : vector<16xi32>
      %and3A_177 = arith.andi %ge3A_173, %lt3A_176 : vector<16xi1>
      %broadcast_in_dim3A_178 = arith.constant 12544 : i32
      %broadcast_in_dim3A_179 = vector.broadcast %broadcast_in_dim3A_178 : i32 to vector<16xi32>
      %select_n3A_180 = arith.select %and3A_177, %sub3A_170, %broadcast_in_dim3A_179 : vector<16xi1>, vector<16xi32>
      %swap3A_181 = arith.constant 80 : index
      %swap3A_182 = tpu.vector_load %arg9[%swap3A_181] {strides = array<i32>} : memref<128xi32, #tpu.memory_space<vmem>>, vector<16xi32>,
      %swap3A_183 = vector.shape_cast %swap3A_182 : vector<16xi32> to vector<16xi32>
      %swap3A_184 = vector.shape_cast %select_n3A_180 : vector<16xi32> to vector<16xi32>
      tpu.vector_store %arg9[%swap3A_181], %swap3A_184 {strides = array<i32>} : memref<128xi32, #tpu.memory_space<vmem>>, vector<16xi32>,
      %get3A_185 = arith.constant 96 : index
      %get3A_186 = tpu.vector_load %arg8[%get3A_185] {strides = array<i32>} : memref<128xi32, #tpu.memory_space<vmem>>, vector<16xi32>,
      %get3A_187 = vector.shape_cast %get3A_186 : vector<16xi32> to vector<16xi32>
      %broadcast_in_dim3A_188 = arith.constant 0 : i32
      %broadcast_in_dim3A_189 = vector.broadcast %broadcast_in_dim3A_188 : i32 to vector<16xi32>
      %sub3A_190 = arith.subi %get3A_187, %broadcast_in_dim3A_189 : vector<16xi32>
      %broadcast_in_dim3A_191 = arith.constant 0 : i32
      %broadcast_in_dim3A_192 = vector.broadcast %broadcast_in_dim3A_191 : i32 to vector<16xi32>
      %ge3A_193 = arith.cmpi sge, %sub3A_190, %broadcast_in_dim3A_192 : vector<16xi32>
      %broadcast_in_dim3A_194 = arith.constant 12544 : i32
      %broadcast_in_dim3A_195 = vector.broadcast %broadcast_in_dim3A_194 : i32 to vector<16xi32>
      %lt3A_196 = arith.cmpi slt, %sub3A_190, %broadcast_in_dim3A_195 : vector<16xi32>
      %and3A_197 = arith.andi %ge3A_193, %lt3A_196 : vector<16xi1>
      %broadcast_in_dim3A_198 = arith.constant 12544 : i32
      %broadcast_in_dim3A_199 = vector.broadcast %broadcast_in_dim3A_198 : i32 to vector<16xi32>
      %select_n3A_200 = arith.select %and3A_197, %sub3A_190, %broadcast_in_dim3A_199 : vector<16xi1>, vector<16xi32>
      %swap3A_201 = arith.constant 96 : index
      %swap3A_202 = tpu.vector_load %arg9[%swap3A_201] {strides = array<i32>} : memref<128xi32, #tpu.memory_space<vmem>>, vector<16xi32>,
      %swap3A_203 = vector.shape_cast %swap3A_202 : vector<16xi32> to vector<16xi32>
      %swap3A_204 = vector.shape_cast %select_n3A_200 : vector<16xi32> to vector<16xi32>
      tpu.vector_store %arg9[%swap3A_201], %swap3A_204 {strides = array<i32>} : memref<128xi32, #tpu.memory_space<vmem>>, vector<16xi32>,
      %get3A_205 = arith.constant 112 : index
      %get3A_206 = tpu.vector_load %arg8[%get3A_205] {strides = array<i32>} : memref<128xi32, #tpu.memory_space<vmem>>, vector<16xi32>,
      %get3A_207 = vector.shape_cast %get3A_206 : vector<16xi32> to vector<16xi32>
      %broadcast_in_dim3A_208 = arith.constant 0 : i32
      %broadcast_in_dim3A_209 = vector.broadcast %broadcast_in_dim3A_208 : i32 to vector<16xi32>
      %sub3A_210 = arith.subi %get3A_207, %broadcast_in_dim3A_209 : vector<16xi32>
      %broadcast_in_dim3A_211 = arith.constant 0 : i32
      %broadcast_in_dim3A_212 = vector.broadcast %broadcast_in_dim3A_211 : i32 to vector<16xi32>
      %ge3A_213 = arith.cmpi sge, %sub3A_210, %broadcast_in_dim3A_212 : vector<16xi32>
      %broadcast_in_dim3A_214 = arith.constant 12544 : i32
      %broadcast_in_dim3A_215 = vector.broadcast %broadcast_in_dim3A_214 : i32 to vector<16xi32>
      %lt3A_216 = arith.cmpi slt, %sub3A_210, %broadcast_in_dim3A_215 : vector<16xi32>
      %and3A_217 = arith.andi %ge3A_213, %lt3A_216 : vector<16xi1>
      %broadcast_in_dim3A_218 = arith.constant 12544 : i32
      %broadcast_in_dim3A_219 = vector.broadcast %broadcast_in_dim3A_218 : i32 to vector<16xi32>
      %select_n3A_220 = arith.select %and3A_217, %sub3A_210, %broadcast_in_dim3A_219 : vector<16xi1>, vector<16xi32>
      %swap3A_221 = arith.constant 112 : index
      %swap3A_222 = tpu.vector_load %arg9[%swap3A_221] {strides = array<i32>} : memref<128xi32, #tpu.memory_space<vmem>>, vector<16xi32>,
      %swap3A_223 = vector.shape_cast %swap3A_222 : vector<16xi32> to vector<16xi32>
      %swap3A_224 = vector.shape_cast %select_n3A_220 : vector<16xi32> to vector<16xi32>
      tpu.vector_store %arg9[%swap3A_221], %swap3A_224 {strides = array<i32>} : memref<128xi32, #tpu.memory_space<vmem>>, vector<16xi32>,
      %dma_start3A = arith.constant 0 : i32
      %dma_start3A_225 = arith.constant 0 : i32
      %dma_start3A_226 = tpu.memref_slice %arg2[%dma_start3A, %dma_start3A_225] : memref<50176x128xf32, #tpu.memory_space<hbm>> -> memref<50176x128xf32, #tpu.memory_space<hbm>>
      tpu.enqueue_indirect_dma source(%dma_start3A_226 : memref<50176x128xf32, #tpu.memory_space<hbm>>) target(%arg10 : memref<128x128xf32, #tpu.memory_space<vmem>>) offsets(%arg7 : memref<128xi32, #tpu.memory_space<vmem>>) semaphore(%arg12 : memref<!tpu.dma_semaphore, #tpu.memory_space<semaphore_mem>>)
      %dma_wait3A = arith.constant 0 : i32
      %dma_wait3A_227 = arith.constant 0 : i32
      %dma_wait3A_228 = tpu.memref_slice %arg2[%dma_wait3A, %dma_wait3A_227] : memref<50176x128xf32, #tpu.memory_space<hbm>> -> memref<50176x128xf32, #tpu.memory_space<hbm>>
      tpu.wait_indirect_dma semaphore(%arg12 : memref<!tpu.dma_semaphore, #tpu.memory_space<semaphore_mem>>) src(%dma_wait3A_228 : memref<50176x128xf32, #tpu.memory_space<hbm>>) dst(%arg10 : memref<128x128xf32, #tpu.memory_space<vmem>>)
      "tpu.region"() ({
        %run_scoped3A = tpu.sem_alloc : memref<!tpu.dma_semaphore, #tpu.memory_space<semaphore_mem>>
        %dma_start3A_229 = arith.constant 0 : i32
        %dma_start3A_230 = arith.constant 0 : i32
        %dma_start3A_231 = tpu.memref_slice %arg11[%dma_start3A_229, %dma_start3A_230] : memref<12672x128xf32, #tpu.memory_space<vmem_shared>> -> memref<12672x128xf32, #tpu.memory_space<vmem_shared>>
        tpu.enqueue_indirect_dma source(%arg10 : memref<128x128xf32, #tpu.memory_space<vmem>>) target(%dma_start3A_231 : memref<12672x128xf32, #tpu.memory_space<vmem_shared>>) offsets(%arg9 : memref<128xi32, #tpu.memory_space<vmem>>) semaphore(%run_scoped3A : memref<!tpu.dma_semaphore, #tpu.memory_space<semaphore_mem>>) {add = true}
        %dma_wait3A_232 = arith.constant 0 : i32
        %dma_wait3A_233 = arith.constant 0 : i32
        %dma_wait3A_234 = tpu.memref_slice %arg11[%dma_wait3A_232, %dma_wait3A_233] : memref<12672x128xf32, #tpu.memory_space<vmem_shared>> -> memref<12672x128xf32, #tpu.memory_space<vmem_shared>>
        tpu.wait_indirect_dma semaphore(%run_scoped3A : memref<!tpu.dma_semaphore, #tpu.memory_space<semaphore_mem>>) src(%arg10 : memref<128x128xf32, #tpu.memory_space<vmem>>) dst(%dma_wait3A_234 : memref<12672x128xf32, #tpu.memory_space<vmem_shared>>)
        tpu.yield
      }) : () -> ()
    }
    %scan3A_9 = arith.constant 196 : i32
    %barrier3A_10 = arith.constant 0 : index
    tpu.barrier barrier_id(%barrier3A_10)
    %mul3A_11 = arith.constant 784 : i32
    %mul3A_12 = arith.muli %arg1, %mul3A_11 : i32
    %mul3A_13 = arith.constant 784 : i32
    %mul3A_14 = arith.muli %arg1, %mul3A_13 : i32
    %add3A_15 = arith.constant 0 : i32
    %add3A_16 = arith.addi %add3A_15, %mul3A_14 : i32
    "tpu.region"() ({
      %run_scoped3A = tpu.sem_alloc : memref<!tpu.dma_semaphore, #tpu.memory_space<semaphore_mem>>
      %dma_start3A = arith.constant 0 : i32
      %dma_start3A_69 = tpu.memref_slice %arg6[%arg0, %add3A_16, %dma_start3A] : memref<2x50176x128xf32, #tpu.memory_space<hbm>> -> memref<1x784x128xf32, #tpu.memory_space<hbm>>
      %dma_start3A_70 = tpu.memref_squeeze %dma_start3A_69 : memref<1x784x128xf32, #tpu.memory_space<hbm>> -> memref<784x128xf32, #tpu.memory_space<hbm>>
      %dma_start3A_71 = arith.constant 0 : i32
      %dma_start3A_72 = tpu.memref_slice %arg11[%mul3A_12, %dma_start3A_71] : memref<12672x128xf32, #tpu.memory_space<vmem_shared>> -> memref<784x128xf32, #tpu.memory_space<vmem_shared>>
      tpu.enqueue_dma source(%dma_start3A_72 : memref<784x128xf32, #tpu.memory_space<vmem_shared>>) target(%dma_start3A_70 : memref<784x128xf32, #tpu.memory_space<hbm>>) target_semaphore(%run_scoped3A : memref<!tpu.dma_semaphore, #tpu.memory_space<semaphore_mem>>)
      %dma_wait3A = arith.constant 0 : i32
      %dma_wait3A_73 = tpu.memref_slice %arg6[%arg0, %add3A_16, %dma_wait3A] : memref<2x50176x128xf32, #tpu.memory_space<hbm>> -> memref<1x784x128xf32, #tpu.memory_space<hbm>>
      %dma_wait3A_74 = tpu.memref_squeeze %dma_wait3A_73 : memref<1x784x128xf32, #tpu.memory_space<hbm>> -> memref<784x128xf32, #tpu.memory_space<hbm>>
      %dma_wait3A_75 = arith.constant 0 : i32
      %dma_wait3A_76 = tpu.memref_slice %arg11[%mul3A_12, %dma_wait3A_75] : memref<12672x128xf32, #tpu.memory_space<vmem_shared>> -> memref<784x128xf32, #tpu.memory_space<vmem_shared>>
      tpu.wait_dma2 semaphore(%run_scoped3A : memref<!tpu.dma_semaphore, #tpu.memory_space<semaphore_mem>>) src(%dma_wait3A_76 : memref<784x128xf32, #tpu.memory_space<vmem_shared>>) dst(%dma_wait3A_74 : memref<784x128xf32, #tpu.memory_space<hbm>>)
      tpu.yield
    }) : () -> ()
    %barrier3A_17 = arith.constant 0 : index
    tpu.barrier barrier_id(%barrier3A_17)
    %mul3A_18 = arith.constant 792 : i32
    %mul3A_19 = arith.muli %arg1, %mul3A_18 : i32
    "tpu.region"() ({
      %run_scoped3A = tpu.sem_alloc : memref<!tpu.dma_semaphore, #tpu.memory_space<semaphore_mem>>
      %dma_start3A = arith.constant 0 : i32
      %dma_start3A_69 = tpu.memref_slice %arg11[%mul3A_19, %dma_start3A] : memref<12672x128xf32, #tpu.memory_space<vmem_shared>> -> memref<792x128xf32, #tpu.memory_space<vmem_shared>>
      tpu.enqueue_dma source(%arg5 : memref<792x128xf32, #tpu.memory_space<hbm>>) target(%dma_start3A_69 : memref<792x128xf32, #tpu.memory_space<vmem_shared>>) target_semaphore(%run_scoped3A : memref<!tpu.dma_semaphore, #tpu.memory_space<semaphore_mem>>)
      %dma_wait3A = arith.constant 0 : i32
      %dma_wait3A_70 = tpu.memref_slice %arg11[%mul3A_19, %dma_wait3A] : memref<12672x128xf32, #tpu.memory_space<vmem_shared>> -> memref<792x128xf32, #tpu.memory_space<vmem_shared>>
      tpu.wait_dma2 semaphore(%run_scoped3A : memref<!tpu.dma_semaphore, #tpu.memory_space<semaphore_mem>>) src(%arg5 : memref<792x128xf32, #tpu.memory_space<hbm>>) dst(%dma_wait3A_70 : memref<792x128xf32, #tpu.memory_space<vmem_shared>>)
      tpu.yield
    }) : () -> ()
    %barrier3A_20 = arith.constant 0 : index
    tpu.barrier barrier_id(%barrier3A_20)
    %scan3A_21 = arith.constant 0 : i32
    %scan3A_22 = arith.constant 0 : i32
    %scan3A_23 = arith.constant 196 : i32
    %scan3A_24 = arith.addi %scan3A_22, %scan3A_23 : i32
    %scan3A_25 = arith.constant 1 : i32
    scf.for %scan3A_69 = %scan3A_22 to %scan3A_24 step %scan3A_25  : i32 {
      %mul3A_70 = arith.constant 128 : i32
      %mul3A_71 = arith.muli %scan3A_69, %mul3A_70 : i32
      %add3A_72 = arith.addi %mul3A_2, %mul3A_71 : i32
      "tpu.region"() ({
        %run_scoped3A = tpu.sem_alloc : memref<!tpu.dma_semaphore, #tpu.memory_space<semaphore_mem>>
        %dma_start3A_229 = tpu.memref_slice %arg3[%add3A_72] : memref<802816xi32, #tpu.memory_space<hbm>> -> memref<128xi32, #tpu.memory_space<hbm>>
        %dma_start3A_230 = tpu.memref_slice %arg3[%add3A_72] : memref<802816xi32, #tpu.memory_space<hbm>> -> memref<128xi32, #tpu.memory_space<hbm>>
        tpu.enqueue_dma source(%dma_start3A_230 : memref<128xi32, #tpu.memory_space<hbm>>) target(%arg7 : memref<128xi32, #tpu.memory_space<vmem>>) target_semaphore(%run_scoped3A : memref<!tpu.dma_semaphore, #tpu.memory_space<semaphore_mem>>)
        %dma_wait3A_231 = tpu.memref_slice %arg3[%add3A_72] : memref<802816xi32, #tpu.memory_space<hbm>> -> memref<128xi32, #tpu.memory_space<hbm>>
        %dma_wait3A_232 = tpu.memref_slice %arg3[%add3A_72] : memref<802816xi32, #tpu.memory_space<hbm>> -> memref<128xi32, #tpu.memory_space<hbm>>
        tpu.wait_dma2 semaphore(%run_scoped3A : memref<!tpu.dma_semaphore, #tpu.memory_space<semaphore_mem>>) src(%dma_wait3A_232 : memref<128xi32, #tpu.memory_space<hbm>>) dst(%arg7 : memref<128xi32, #tpu.memory_space<vmem>>)
        tpu.yield
      }) : () -> ()
      "tpu.region"() ({
        %run_scoped3A = tpu.sem_alloc : memref<!tpu.dma_semaphore, #tpu.memory_space<semaphore_mem>>
        %dma_start3A_229 = tpu.memref_slice %arg4[%add3A_72] : memref<802816xi32, #tpu.memory_space<hbm>> -> memref<128xi32, #tpu.memory_space<hbm>>
        %dma_start3A_230 = tpu.memref_slice %arg4[%add3A_72] : memref<802816xi32, #tpu.memory_space<hbm>> -> memref<128xi32, #tpu.memory_space<hbm>>
        tpu.enqueue_dma source(%dma_start3A_230 : memref<128xi32, #tpu.memory_space<hbm>>) target(%arg8 : memref<128xi32, #tpu.memory_space<vmem>>) target_semaphore(%run_scoped3A : memref<!tpu.dma_semaphore, #tpu.memory_space<semaphore_mem>>)
        %dma_wait3A_231 = tpu.memref_slice %arg4[%add3A_72] : memref<802816xi32, #tpu.memory_space<hbm>> -> memref<128xi32, #tpu.memory_space<hbm>>
        %dma_wait3A_232 = tpu.memref_slice %arg4[%add3A_72] : memref<802816xi32, #tpu.memory_space<hbm>> -> memref<128xi32, #tpu.memory_space<hbm>>
        tpu.wait_dma2 semaphore(%run_scoped3A : memref<!tpu.dma_semaphore, #tpu.memory_space<semaphore_mem>>) src(%dma_wait3A_232 : memref<128xi32, #tpu.memory_space<hbm>>) dst(%arg8 : memref<128xi32, #tpu.memory_space<vmem>>)
        tpu.yield
      }) : () -> ()
      %get3A = arith.constant 0 : index
      %get3A_73 = tpu.vector_load %arg8[%get3A] {strides = array<i32>} : memref<128xi32, #tpu.memory_space<vmem>>, vector<16xi32>,
      %get3A_74 = vector.shape_cast %get3A_73 : vector<16xi32> to vector<16xi32>
      %broadcast_in_dim3A = arith.constant 12544 : i32
      %broadcast_in_dim3A_75 = vector.broadcast %broadcast_in_dim3A : i32 to vector<16xi32>
      %sub3A = arith.subi %get3A_74, %broadcast_in_dim3A_75 : vector<16xi32>
      %broadcast_in_dim3A_76 = arith.constant 0 : i32
      %broadcast_in_dim3A_77 = vector.broadcast %broadcast_in_dim3A_76 : i32 to vector<16xi32>
      %ge3A = arith.cmpi sge, %sub3A, %broadcast_in_dim3A_77 : vector<16xi32>
      %broadcast_in_dim3A_78 = arith.constant 12544 : i32
      %broadcast_in_dim3A_79 = vector.broadcast %broadcast_in_dim3A_78 : i32 to vector<16xi32>
      %lt3A = arith.cmpi slt, %sub3A, %broadcast_in_dim3A_79 : vector<16xi32>
      %and3A = arith.andi %ge3A, %lt3A : vector<16xi1>
      %broadcast_in_dim3A_80 = arith.constant 12544 : i32
      %broadcast_in_dim3A_81 = vector.broadcast %broadcast_in_dim3A_80 : i32 to vector<16xi32>
      %select_n3A = arith.select %and3A, %sub3A, %broadcast_in_dim3A_81 : vector<16xi1>, vector<16xi32>
      %swap3A = arith.constant 0 : index
      %swap3A_82 = tpu.vector_load %arg9[%swap3A] {strides = array<i32>} : memref<128xi32, #tpu.memory_space<vmem>>, vector<16xi32>,
      %swap3A_83 = vector.shape_cast %swap3A_82 : vector<16xi32> to vector<16xi32>
      %swap3A_84 = vector.shape_cast %select_n3A : vector<16xi32> to vector<16xi32>
      tpu.vector_store %arg9[%swap3A], %swap3A_84 {strides = array<i32>} : memref<128xi32, #tpu.memory_space<vmem>>, vector<16xi32>,
      %get3A_85 = arith.constant 16 : index
      %get3A_86 = tpu.vector_load %arg8[%get3A_85] {strides = array<i32>} : memref<128xi32, #tpu.memory_space<vmem>>, vector<16xi32>,
      %get3A_87 = vector.shape_cast %get3A_86 : vector<16xi32> to vector<16xi32>
      %broadcast_in_dim3A_88 = arith.constant 12544 : i32
      %broadcast_in_dim3A_89 = vector.broadcast %broadcast_in_dim3A_88 : i32 to vector<16xi32>
      %sub3A_90 = arith.subi %get3A_87, %broadcast_in_dim3A_89 : vector<16xi32>
      %broadcast_in_dim3A_91 = arith.constant 0 : i32
      %broadcast_in_dim3A_92 = vector.broadcast %broadcast_in_dim3A_91 : i32 to vector<16xi32>
      %ge3A_93 = arith.cmpi sge, %sub3A_90, %broadcast_in_dim3A_92 : vector<16xi32>
      %broadcast_in_dim3A_94 = arith.constant 12544 : i32
      %broadcast_in_dim3A_95 = vector.broadcast %broadcast_in_dim3A_94 : i32 to vector<16xi32>
      %lt3A_96 = arith.cmpi slt, %sub3A_90, %broadcast_in_dim3A_95 : vector<16xi32>
      %and3A_97 = arith.andi %ge3A_93, %lt3A_96 : vector<16xi1>
      %broadcast_in_dim3A_98 = arith.constant 12544 : i32
      %broadcast_in_dim3A_99 = vector.broadcast %broadcast_in_dim3A_98 : i32 to vector<16xi32>
      %select_n3A_100 = arith.select %and3A_97, %sub3A_90, %broadcast_in_dim3A_99 : vector<16xi1>, vector<16xi32>
      %swap3A_101 = arith.constant 16 : index
      %swap3A_102 = tpu.vector_load %arg9[%swap3A_101] {strides = array<i32>} : memref<128xi32, #tpu.memory_space<vmem>>, vector<16xi32>,
      %swap3A_103 = vector.shape_cast %swap3A_102 : vector<16xi32> to vector<16xi32>
      %swap3A_104 = vector.shape_cast %select_n3A_100 : vector<16xi32> to vector<16xi32>
      tpu.vector_store %arg9[%swap3A_101], %swap3A_104 {strides = array<i32>} : memref<128xi32, #tpu.memory_space<vmem>>, vector<16xi32>,
      %get3A_105 = arith.constant 32 : index
      %get3A_106 = tpu.vector_load %arg8[%get3A_105] {strides = array<i32>} : memref<128xi32, #tpu.memory_space<vmem>>, vector<16xi32>,
      %get3A_107 = vector.shape_cast %get3A_106 : vector<16xi32> to vector<16xi32>
      %broadcast_in_dim3A_108 = arith.constant 12544 : i32
      %broadcast_in_dim3A_109 = vector.broadcast %broadcast_in_dim3A_108 : i32 to vector<16xi32>
      %sub3A_110 = arith.subi %get3A_107, %broadcast_in_dim3A_109 : vector<16xi32>
      %broadcast_in_dim3A_111 = arith.constant 0 : i32
      %broadcast_in_dim3A_112 = vector.broadcast %broadcast_in_dim3A_111 : i32 to vector<16xi32>
      %ge3A_113 = arith.cmpi sge, %sub3A_110, %broadcast_in_dim3A_112 : vector<16xi32>
      %broadcast_in_dim3A_114 = arith.constant 12544 : i32
      %broadcast_in_dim3A_115 = vector.broadcast %broadcast_in_dim3A_114 : i32 to vector<16xi32>
      %lt3A_116 = arith.cmpi slt, %sub3A_110, %broadcast_in_dim3A_115 : vector<16xi32>
      %and3A_117 = arith.andi %ge3A_113, %lt3A_116 : vector<16xi1>
      %broadcast_in_dim3A_118 = arith.constant 12544 : i32
      %broadcast_in_dim3A_119 = vector.broadcast %broadcast_in_dim3A_118 : i32 to vector<16xi32>
      %select_n3A_120 = arith.select %and3A_117, %sub3A_110, %broadcast_in_dim3A_119 : vector<16xi1>, vector<16xi32>
      %swap3A_121 = arith.constant 32 : index
      %swap3A_122 = tpu.vector_load %arg9[%swap3A_121] {strides = array<i32>} : memref<128xi32, #tpu.memory_space<vmem>>, vector<16xi32>,
      %swap3A_123 = vector.shape_cast %swap3A_122 : vector<16xi32> to vector<16xi32>
      %swap3A_124 = vector.shape_cast %select_n3A_120 : vector<16xi32> to vector<16xi32>
      tpu.vector_store %arg9[%swap3A_121], %swap3A_124 {strides = array<i32>} : memref<128xi32, #tpu.memory_space<vmem>>, vector<16xi32>,
      %get3A_125 = arith.constant 48 : index
      %get3A_126 = tpu.vector_load %arg8[%get3A_125] {strides = array<i32>} : memref<128xi32, #tpu.memory_space<vmem>>, vector<16xi32>,
      %get3A_127 = vector.shape_cast %get3A_126 : vector<16xi32> to vector<16xi32>
      %broadcast_in_dim3A_128 = arith.constant 12544 : i32
      %broadcast_in_dim3A_129 = vector.broadcast %broadcast_in_dim3A_128 : i32 to vector<16xi32>
      %sub3A_130 = arith.subi %get3A_127, %broadcast_in_dim3A_129 : vector<16xi32>
      %broadcast_in_dim3A_131 = arith.constant 0 : i32
      %broadcast_in_dim3A_132 = vector.broadcast %broadcast_in_dim3A_131 : i32 to vector<16xi32>
      %ge3A_133 = arith.cmpi sge, %sub3A_130, %broadcast_in_dim3A_132 : vector<16xi32>
      %broadcast_in_dim3A_134 = arith.constant 12544 : i32
      %broadcast_in_dim3A_135 = vector.broadcast %broadcast_in_dim3A_134 : i32 to vector<16xi32>
      %lt3A_136 = arith.cmpi slt, %sub3A_130, %broadcast_in_dim3A_135 : vector<16xi32>
      %and3A_137 = arith.andi %ge3A_133, %lt3A_136 : vector<16xi1>
      %broadcast_in_dim3A_138 = arith.constant 12544 : i32
      %broadcast_in_dim3A_139 = vector.broadcast %broadcast_in_dim3A_138 : i32 to vector<16xi32>
      %select_n3A_140 = arith.select %and3A_137, %sub3A_130, %broadcast_in_dim3A_139 : vector<16xi1>, vector<16xi32>
      %swap3A_141 = arith.constant 48 : index
      %swap3A_142 = tpu.vector_load %arg9[%swap3A_141] {strides = array<i32>} : memref<128xi32, #tpu.memory_space<vmem>>, vector<16xi32>,
      %swap3A_143 = vector.shape_cast %swap3A_142 : vector<16xi32> to vector<16xi32>
      %swap3A_144 = vector.shape_cast %select_n3A_140 : vector<16xi32> to vector<16xi32>
      tpu.vector_store %arg9[%swap3A_141], %swap3A_144 {strides = array<i32>} : memref<128xi32, #tpu.memory_space<vmem>>, vector<16xi32>,
      %get3A_145 = arith.constant 64 : index
      %get3A_146 = tpu.vector_load %arg8[%get3A_145] {strides = array<i32>} : memref<128xi32, #tpu.memory_space<vmem>>, vector<16xi32>,
      %get3A_147 = vector.shape_cast %get3A_146 : vector<16xi32> to vector<16xi32>
      %broadcast_in_dim3A_148 = arith.constant 12544 : i32
      %broadcast_in_dim3A_149 = vector.broadcast %broadcast_in_dim3A_148 : i32 to vector<16xi32>
      %sub3A_150 = arith.subi %get3A_147, %broadcast_in_dim3A_149 : vector<16xi32>
      %broadcast_in_dim3A_151 = arith.constant 0 : i32
      %broadcast_in_dim3A_152 = vector.broadcast %broadcast_in_dim3A_151 : i32 to vector<16xi32>
      %ge3A_153 = arith.cmpi sge, %sub3A_150, %broadcast_in_dim3A_152 : vector<16xi32>
      %broadcast_in_dim3A_154 = arith.constant 12544 : i32
      %broadcast_in_dim3A_155 = vector.broadcast %broadcast_in_dim3A_154 : i32 to vector<16xi32>
      %lt3A_156 = arith.cmpi slt, %sub3A_150, %broadcast_in_dim3A_155 : vector<16xi32>
      %and3A_157 = arith.andi %ge3A_153, %lt3A_156 : vector<16xi1>
      %broadcast_in_dim3A_158 = arith.constant 12544 : i32
      %broadcast_in_dim3A_159 = vector.broadcast %broadcast_in_dim3A_158 : i32 to vector<16xi32>
      %select_n3A_160 = arith.select %and3A_157, %sub3A_150, %broadcast_in_dim3A_159 : vector<16xi1>, vector<16xi32>
      %swap3A_161 = arith.constant 64 : index
      %swap3A_162 = tpu.vector_load %arg9[%swap3A_161] {strides = array<i32>} : memref<128xi32, #tpu.memory_space<vmem>>, vector<16xi32>,
      %swap3A_163 = vector.shape_cast %swap3A_162 : vector<16xi32> to vector<16xi32>
      %swap3A_164 = vector.shape_cast %select_n3A_160 : vector<16xi32> to vector<16xi32>
      tpu.vector_store %arg9[%swap3A_161], %swap3A_164 {strides = array<i32>} : memref<128xi32, #tpu.memory_space<vmem>>, vector<16xi32>,
      %get3A_165 = arith.constant 80 : index
      %get3A_166 = tpu.vector_load %arg8[%get3A_165] {strides = array<i32>} : memref<128xi32, #tpu.memory_space<vmem>>, vector<16xi32>,
      %get3A_167 = vector.shape_cast %get3A_166 : vector<16xi32> to vector<16xi32>
      %broadcast_in_dim3A_168 = arith.constant 12544 : i32
      %broadcast_in_dim3A_169 = vector.broadcast %broadcast_in_dim3A_168 : i32 to vector<16xi32>
      %sub3A_170 = arith.subi %get3A_167, %broadcast_in_dim3A_169 : vector<16xi32>
      %broadcast_in_dim3A_171 = arith.constant 0 : i32
      %broadcast_in_dim3A_172 = vector.broadcast %broadcast_in_dim3A_171 : i32 to vector<16xi32>
      %ge3A_173 = arith.cmpi sge, %sub3A_170, %broadcast_in_dim3A_172 : vector<16xi32>
      %broadcast_in_dim3A_174 = arith.constant 12544 : i32
      %broadcast_in_dim3A_175 = vector.broadcast %broadcast_in_dim3A_174 : i32 to vector<16xi32>
      %lt3A_176 = arith.cmpi slt, %sub3A_170, %broadcast_in_dim3A_175 : vector<16xi32>
      %and3A_177 = arith.andi %ge3A_173, %lt3A_176 : vector<16xi1>
      %broadcast_in_dim3A_178 = arith.constant 12544 : i32
      %broadcast_in_dim3A_179 = vector.broadcast %broadcast_in_dim3A_178 : i32 to vector<16xi32>
      %select_n3A_180 = arith.select %and3A_177, %sub3A_170, %broadcast_in_dim3A_179 : vector<16xi1>, vector<16xi32>
      %swap3A_181 = arith.constant 80 : index
      %swap3A_182 = tpu.vector_load %arg9[%swap3A_181] {strides = array<i32>} : memref<128xi32, #tpu.memory_space<vmem>>, vector<16xi32>,
      %swap3A_183 = vector.shape_cast %swap3A_182 : vector<16xi32> to vector<16xi32>
      %swap3A_184 = vector.shape_cast %select_n3A_180 : vector<16xi32> to vector<16xi32>
      tpu.vector_store %arg9[%swap3A_181], %swap3A_184 {strides = array<i32>} : memref<128xi32, #tpu.memory_space<vmem>>, vector<16xi32>,
      %get3A_185 = arith.constant 96 : index
      %get3A_186 = tpu.vector_load %arg8[%get3A_185] {strides = array<i32>} : memref<128xi32, #tpu.memory_space<vmem>>, vector<16xi32>,
      %get3A_187 = vector.shape_cast %get3A_186 : vector<16xi32> to vector<16xi32>
      %broadcast_in_dim3A_188 = arith.constant 12544 : i32
      %broadcast_in_dim3A_189 = vector.broadcast %broadcast_in_dim3A_188 : i32 to vector<16xi32>
      %sub3A_190 = arith.subi %get3A_187, %broadcast_in_dim3A_189 : vector<16xi32>
      %broadcast_in_dim3A_191 = arith.constant 0 : i32
      %broadcast_in_dim3A_192 = vector.broadcast %broadcast_in_dim3A_191 : i32 to vector<16xi32>
      %ge3A_193 = arith.cmpi sge, %sub3A_190, %broadcast_in_dim3A_192 : vector<16xi32>
      %broadcast_in_dim3A_194 = arith.constant 12544 : i32
      %broadcast_in_dim3A_195 = vector.broadcast %broadcast_in_dim3A_194 : i32 to vector<16xi32>
      %lt3A_196 = arith.cmpi slt, %sub3A_190, %broadcast_in_dim3A_195 : vector<16xi32>
      %and3A_197 = arith.andi %ge3A_193, %lt3A_196 : vector<16xi1>
      %broadcast_in_dim3A_198 = arith.constant 12544 : i32
      %broadcast_in_dim3A_199 = vector.broadcast %broadcast_in_dim3A_198 : i32 to vector<16xi32>
      %select_n3A_200 = arith.select %and3A_197, %sub3A_190, %broadcast_in_dim3A_199 : vector<16xi1>, vector<16xi32>
      %swap3A_201 = arith.constant 96 : index
      %swap3A_202 = tpu.vector_load %arg9[%swap3A_201] {strides = array<i32>} : memref<128xi32, #tpu.memory_space<vmem>>, vector<16xi32>,
      %swap3A_203 = vector.shape_cast %swap3A_202 : vector<16xi32> to vector<16xi32>
      %swap3A_204 = vector.shape_cast %select_n3A_200 : vector<16xi32> to vector<16xi32>
      tpu.vector_store %arg9[%swap3A_201], %swap3A_204 {strides = array<i32>} : memref<128xi32, #tpu.memory_space<vmem>>, vector<16xi32>,
      %get3A_205 = arith.constant 112 : index
      %get3A_206 = tpu.vector_load %arg8[%get3A_205] {strides = array<i32>} : memref<128xi32, #tpu.memory_space<vmem>>, vector<16xi32>,
      %get3A_207 = vector.shape_cast %get3A_206 : vector<16xi32> to vector<16xi32>
      %broadcast_in_dim3A_208 = arith.constant 12544 : i32
      %broadcast_in_dim3A_209 = vector.broadcast %broadcast_in_dim3A_208 : i32 to vector<16xi32>
      %sub3A_210 = arith.subi %get3A_207, %broadcast_in_dim3A_209 : vector<16xi32>
      %broadcast_in_dim3A_211 = arith.constant 0 : i32
      %broadcast_in_dim3A_212 = vector.broadcast %broadcast_in_dim3A_211 : i32 to vector<16xi32>
      %ge3A_213 = arith.cmpi sge, %sub3A_210, %broadcast_in_dim3A_212 : vector<16xi32>
      %broadcast_in_dim3A_214 = arith.constant 12544 : i32
      %broadcast_in_dim3A_215 = vector.broadcast %broadcast_in_dim3A_214 : i32 to vector<16xi32>
      %lt3A_216 = arith.cmpi slt, %sub3A_210, %broadcast_in_dim3A_215 : vector<16xi32>
      %and3A_217 = arith.andi %ge3A_213, %lt3A_216 : vector<16xi1>
      %broadcast_in_dim3A_218 = arith.constant 12544 : i32
      %broadcast_in_dim3A_219 = vector.broadcast %broadcast_in_dim3A_218 : i32 to vector<16xi32>
      %select_n3A_220 = arith.select %and3A_217, %sub3A_210, %broadcast_in_dim3A_219 : vector<16xi1>, vector<16xi32>
      %swap3A_221 = arith.constant 112 : index
      %swap3A_222 = tpu.vector_load %arg9[%swap3A_221] {strides = array<i32>} : memref<128xi32, #tpu.memory_space<vmem>>, vector<16xi32>,
      %swap3A_223 = vector.shape_cast %swap3A_222 : vector<16xi32> to vector<16xi32>
      %swap3A_224 = vector.shape_cast %select_n3A_220 : vector<16xi32> to vector<16xi32>
      tpu.vector_store %arg9[%swap3A_221], %swap3A_224 {strides = array<i32>} : memref<128xi32, #tpu.memory_space<vmem>>, vector<16xi32>,
      %dma_start3A = arith.constant 0 : i32
      %dma_start3A_225 = arith.constant 0 : i32
      %dma_start3A_226 = tpu.memref_slice %arg2[%dma_start3A, %dma_start3A_225] : memref<50176x128xf32, #tpu.memory_space<hbm>> -> memref<50176x128xf32, #tpu.memory_space<hbm>>
      tpu.enqueue_indirect_dma source(%dma_start3A_226 : memref<50176x128xf32, #tpu.memory_space<hbm>>) target(%arg10 : memref<128x128xf32, #tpu.memory_space<vmem>>) offsets(%arg7 : memref<128xi32, #tpu.memory_space<vmem>>) semaphore(%arg12 : memref<!tpu.dma_semaphore, #tpu.memory_space<semaphore_mem>>)
      %dma_wait3A = arith.constant 0 : i32
      %dma_wait3A_227 = arith.constant 0 : i32
      %dma_wait3A_228 = tpu.memref_slice %arg2[%dma_wait3A, %dma_wait3A_227] : memref<50176x128xf32, #tpu.memory_space<hbm>> -> memref<50176x128xf32, #tpu.memory_space<hbm>>
      tpu.wait_indirect_dma semaphore(%arg12 : memref<!tpu.dma_semaphore, #tpu.memory_space<semaphore_mem>>) src(%dma_wait3A_228 : memref<50176x128xf32, #tpu.memory_space<hbm>>) dst(%arg10 : memref<128x128xf32, #tpu.memory_space<vmem>>)
      "tpu.region"() ({
        %run_scoped3A = tpu.sem_alloc : memref<!tpu.dma_semaphore, #tpu.memory_space<semaphore_mem>>
        %dma_start3A_229 = arith.constant 0 : i32
        %dma_start3A_230 = arith.constant 0 : i32
        %dma_start3A_231 = tpu.memref_slice %arg11[%dma_start3A_229, %dma_start3A_230] : memref<12672x128xf32, #tpu.memory_space<vmem_shared>> -> memref<12672x128xf32, #tpu.memory_space<vmem_shared>>
        tpu.enqueue_indirect_dma source(%arg10 : memref<128x128xf32, #tpu.memory_space<vmem>>) target(%dma_start3A_231 : memref<12672x128xf32, #tpu.memory_space<vmem_shared>>) offsets(%arg9 : memref<128xi32, #tpu.memory_space<vmem>>) semaphore(%run_scoped3A : memref<!tpu.dma_semaphore, #tpu.memory_space<semaphore_mem>>) {add = true}
        %dma_wait3A_232 = arith.constant 0 : i32
        %dma_wait3A_233 = arith.constant 0 : i32
        %dma_wait3A_234 = tpu.memref_slice %arg11[%dma_wait3A_232, %dma_wait3A_233] : memref<12672x128xf32, #tpu.memory_space<vmem_shared>> -> memref<12672x128xf32, #tpu.memory_space<vmem_shared>>
        tpu.wait_indirect_dma semaphore(%run_scoped3A : memref<!tpu.dma_semaphore, #tpu.memory_space<semaphore_mem>>) src(%arg10 : memref<128x128xf32, #tpu.memory_space<vmem>>) dst(%dma_wait3A_234 : memref<12672x128xf32, #tpu.memory_space<vmem_shared>>)
        tpu.yield
      }) : () -> ()
    }
    %scan3A_26 = arith.constant 196 : i32
    %barrier3A_27 = arith.constant 0 : index
    tpu.barrier barrier_id(%barrier3A_27)
    %mul3A_28 = arith.constant 784 : i32
    %mul3A_29 = arith.muli %arg1, %mul3A_28 : i32
    %mul3A_30 = arith.constant 784 : i32
    %mul3A_31 = arith.muli %arg1, %mul3A_30 : i32
    %add3A_32 = arith.constant 12544 : i32
    %add3A_33 = arith.addi %add3A_32, %mul3A_31 : i32
    "tpu.region"() ({
      %run_scoped3A = tpu.sem_alloc : memref<!tpu.dma_semaphore, #tpu.memory_space<semaphore_mem>>
      %dma_start3A = arith.constant 0 : i32
      %dma_start3A_69 = tpu.memref_slice %arg6[%arg0, %add3A_33, %dma_start3A] : memref<2x50176x128xf32, #tpu.memory_space<hbm>> -> memref<1x784x128xf32, #tpu.memory_space<hbm>>
      %dma_start3A_70 = tpu.memref_squeeze %dma_start3A_69 : memref<1x784x128xf32, #tpu.memory_space<hbm>> -> memref<784x128xf32, #tpu.memory_space<hbm>>
      %dma_start3A_71 = arith.constant 0 : i32
      %dma_start3A_72 = tpu.memref_slice %arg11[%mul3A_29, %dma_start3A_71] : memref<12672x128xf32, #tpu.memory_space<vmem_shared>> -> memref<784x128xf32, #tpu.memory_space<vmem_shared>>
      tpu.enqueue_dma source(%dma_start3A_72 : memref<784x128xf32, #tpu.memory_space<vmem_shared>>) target(%dma_start3A_70 : memref<784x128xf32, #tpu.memory_space<hbm>>) target_semaphore(%run_scoped3A : memref<!tpu.dma_semaphore, #tpu.memory_space<semaphore_mem>>)
      %dma_wait3A = arith.constant 0 : i32
      %dma_wait3A_73 = tpu.memref_slice %arg6[%arg0, %add3A_33, %dma_wait3A] : memref<2x50176x128xf32, #tpu.memory_space<hbm>> -> memref<1x784x128xf32, #tpu.memory_space<hbm>>
      %dma_wait3A_74 = tpu.memref_squeeze %dma_wait3A_73 : memref<1x784x128xf32, #tpu.memory_space<hbm>> -> memref<784x128xf32, #tpu.memory_space<hbm>>
      %dma_wait3A_75 = arith.constant 0 : i32
      %dma_wait3A_76 = tpu.memref_slice %arg11[%mul3A_29, %dma_wait3A_75] : memref<12672x128xf32, #tpu.memory_space<vmem_shared>> -> memref<784x128xf32, #tpu.memory_space<vmem_shared>>
      tpu.wait_dma2 semaphore(%run_scoped3A : memref<!tpu.dma_semaphore, #tpu.memory_space<semaphore_mem>>) src(%dma_wait3A_76 : memref<784x128xf32, #tpu.memory_space<vmem_shared>>) dst(%dma_wait3A_74 : memref<784x128xf32, #tpu.memory_space<hbm>>)
      tpu.yield
    }) : () -> ()
    %barrier3A_34 = arith.constant 0 : index
    tpu.barrier barrier_id(%barrier3A_34)
    %mul3A_35 = arith.constant 792 : i32
    %mul3A_36 = arith.muli %arg1, %mul3A_35 : i32
    "tpu.region"() ({
      %run_scoped3A = tpu.sem_alloc : memref<!tpu.dma_semaphore, #tpu.memory_space<semaphore_mem>>
      %dma_start3A = arith.constant 0 : i32
      %dma_start3A_69 = tpu.memref_slice %arg11[%mul3A_36, %dma_start3A] : memref<12672x128xf32, #tpu.memory_space<vmem_shared>> -> memref<792x128xf32, #tpu.memory_space<vmem_shared>>
      tpu.enqueue_dma source(%arg5 : memref<792x128xf32, #tpu.memory_space<hbm>>) target(%dma_start3A_69 : memref<792x128xf32, #tpu.memory_space<vmem_shared>>) target_semaphore(%run_scoped3A : memref<!tpu.dma_semaphore, #tpu.memory_space<semaphore_mem>>)
      %dma_wait3A = arith.constant 0 : i32
      %dma_wait3A_70 = tpu.memref_slice %arg11[%mul3A_36, %dma_wait3A] : memref<12672x128xf32, #tpu.memory_space<vmem_shared>> -> memref<792x128xf32, #tpu.memory_space<vmem_shared>>
      tpu.wait_dma2 semaphore(%run_scoped3A : memref<!tpu.dma_semaphore, #tpu.memory_space<semaphore_mem>>) src(%arg5 : memref<792x128xf32, #tpu.memory_space<hbm>>) dst(%dma_wait3A_70 : memref<792x128xf32, #tpu.memory_space<vmem_shared>>)
      tpu.yield
    }) : () -> ()
    %barrier3A_37 = arith.constant 0 : index
    tpu.barrier barrier_id(%barrier3A_37)
    %scan3A_38 = arith.constant 0 : i32
    %scan3A_39 = arith.constant 0 : i32
    %scan3A_40 = arith.constant 196 : i32
    %scan3A_41 = arith.addi %scan3A_39, %scan3A_40 : i32
    %scan3A_42 = arith.constant 1 : i32
    scf.for %scan3A_69 = %scan3A_39 to %scan3A_41 step %scan3A_42  : i32 {
      %mul3A_70 = arith.constant 128 : i32
      %mul3A_71 = arith.muli %scan3A_69, %mul3A_70 : i32
      %add3A_72 = arith.addi %mul3A_2, %mul3A_71 : i32
      "tpu.region"() ({
        %run_scoped3A = tpu.sem_alloc : memref<!tpu.dma_semaphore, #tpu.memory_space<semaphore_mem>>
        %dma_start3A_229 = tpu.memref_slice %arg3[%add3A_72] : memref<802816xi32, #tpu.memory_space<hbm>> -> memref<128xi32, #tpu.memory_space<hbm>>
        %dma_start3A_230 = tpu.memref_slice %arg3[%add3A_72] : memref<802816xi32, #tpu.memory_space<hbm>> -> memref<128xi32, #tpu.memory_space<hbm>>
        tpu.enqueue_dma source(%dma_start3A_230 : memref<128xi32, #tpu.memory_space<hbm>>) target(%arg7 : memref<128xi32, #tpu.memory_space<vmem>>) target_semaphore(%run_scoped3A : memref<!tpu.dma_semaphore, #tpu.memory_space<semaphore_mem>>)
        %dma_wait3A_231 = tpu.memref_slice %arg3[%add3A_72] : memref<802816xi32, #tpu.memory_space<hbm>> -> memref<128xi32, #tpu.memory_space<hbm>>
        %dma_wait3A_232 = tpu.memref_slice %arg3[%add3A_72] : memref<802816xi32, #tpu.memory_space<hbm>> -> memref<128xi32, #tpu.memory_space<hbm>>
        tpu.wait_dma2 semaphore(%run_scoped3A : memref<!tpu.dma_semaphore, #tpu.memory_space<semaphore_mem>>) src(%dma_wait3A_232 : memref<128xi32, #tpu.memory_space<hbm>>) dst(%arg7 : memref<128xi32, #tpu.memory_space<vmem>>)
        tpu.yield
      }) : () -> ()
      "tpu.region"() ({
        %run_scoped3A = tpu.sem_alloc : memref<!tpu.dma_semaphore, #tpu.memory_space<semaphore_mem>>
        %dma_start3A_229 = tpu.memref_slice %arg4[%add3A_72] : memref<802816xi32, #tpu.memory_space<hbm>> -> memref<128xi32, #tpu.memory_space<hbm>>
        %dma_start3A_230 = tpu.memref_slice %arg4[%add3A_72] : memref<802816xi32, #tpu.memory_space<hbm>> -> memref<128xi32, #tpu.memory_space<hbm>>
        tpu.enqueue_dma source(%dma_start3A_230 : memref<128xi32, #tpu.memory_space<hbm>>) target(%arg8 : memref<128xi32, #tpu.memory_space<vmem>>) target_semaphore(%run_scoped3A : memref<!tpu.dma_semaphore, #tpu.memory_space<semaphore_mem>>)
        %dma_wait3A_231 = tpu.memref_slice %arg4[%add3A_72] : memref<802816xi32, #tpu.memory_space<hbm>> -> memref<128xi32, #tpu.memory_space<hbm>>
        %dma_wait3A_232 = tpu.memref_slice %arg4[%add3A_72] : memref<802816xi32, #tpu.memory_space<hbm>> -> memref<128xi32, #tpu.memory_space<hbm>>
        tpu.wait_dma2 semaphore(%run_scoped3A : memref<!tpu.dma_semaphore, #tpu.memory_space<semaphore_mem>>) src(%dma_wait3A_232 : memref<128xi32, #tpu.memory_space<hbm>>) dst(%arg8 : memref<128xi32, #tpu.memory_space<vmem>>)
        tpu.yield
      }) : () -> ()
      %get3A = arith.constant 0 : index
      %get3A_73 = tpu.vector_load %arg8[%get3A] {strides = array<i32>} : memref<128xi32, #tpu.memory_space<vmem>>, vector<16xi32>,
      %get3A_74 = vector.shape_cast %get3A_73 : vector<16xi32> to vector<16xi32>
      %broadcast_in_dim3A = arith.constant 25088 : i32
      %broadcast_in_dim3A_75 = vector.broadcast %broadcast_in_dim3A : i32 to vector<16xi32>
      %sub3A = arith.subi %get3A_74, %broadcast_in_dim3A_75 : vector<16xi32>
      %broadcast_in_dim3A_76 = arith.constant 0 : i32
      %broadcast_in_dim3A_77 = vector.broadcast %broadcast_in_dim3A_76 : i32 to vector<16xi32>
      %ge3A = arith.cmpi sge, %sub3A, %broadcast_in_dim3A_77 : vector<16xi32>
      %broadcast_in_dim3A_78 = arith.constant 12544 : i32
      %broadcast_in_dim3A_79 = vector.broadcast %broadcast_in_dim3A_78 : i32 to vector<16xi32>
      %lt3A = arith.cmpi slt, %sub3A, %broadcast_in_dim3A_79 : vector<16xi32>
      %and3A = arith.andi %ge3A, %lt3A : vector<16xi1>
      %broadcast_in_dim3A_80 = arith.constant 12544 : i32
      %broadcast_in_dim3A_81 = vector.broadcast %broadcast_in_dim3A_80 : i32 to vector<16xi32>
      %select_n3A = arith.select %and3A, %sub3A, %broadcast_in_dim3A_81 : vector<16xi1>, vector<16xi32>
      %swap3A = arith.constant 0 : index
      %swap3A_82 = tpu.vector_load %arg9[%swap3A] {strides = array<i32>} : memref<128xi32, #tpu.memory_space<vmem>>, vector<16xi32>,
      %swap3A_83 = vector.shape_cast %swap3A_82 : vector<16xi32> to vector<16xi32>
      %swap3A_84 = vector.shape_cast %select_n3A : vector<16xi32> to vector<16xi32>
      tpu.vector_store %arg9[%swap3A], %swap3A_84 {strides = array<i32>} : memref<128xi32, #tpu.memory_space<vmem>>, vector<16xi32>,
      %get3A_85 = arith.constant 16 : index
      %get3A_86 = tpu.vector_load %arg8[%get3A_85] {strides = array<i32>} : memref<128xi32, #tpu.memory_space<vmem>>, vector<16xi32>,
      %get3A_87 = vector.shape_cast %get3A_86 : vector<16xi32> to vector<16xi32>
      %broadcast_in_dim3A_88 = arith.constant 25088 : i32
      %broadcast_in_dim3A_89 = vector.broadcast %broadcast_in_dim3A_88 : i32 to vector<16xi32>
      %sub3A_90 = arith.subi %get3A_87, %broadcast_in_dim3A_89 : vector<16xi32>
      %broadcast_in_dim3A_91 = arith.constant 0 : i32
      %broadcast_in_dim3A_92 = vector.broadcast %broadcast_in_dim3A_91 : i32 to vector<16xi32>
      %ge3A_93 = arith.cmpi sge, %sub3A_90, %broadcast_in_dim3A_92 : vector<16xi32>
      %broadcast_in_dim3A_94 = arith.constant 12544 : i32
      %broadcast_in_dim3A_95 = vector.broadcast %broadcast_in_dim3A_94 : i32 to vector<16xi32>
      %lt3A_96 = arith.cmpi slt, %sub3A_90, %broadcast_in_dim3A_95 : vector<16xi32>
      %and3A_97 = arith.andi %ge3A_93, %lt3A_96 : vector<16xi1>
      %broadcast_in_dim3A_98 = arith.constant 12544 : i32
      %broadcast_in_dim3A_99 = vector.broadcast %broadcast_in_dim3A_98 : i32 to vector<16xi32>
      %select_n3A_100 = arith.select %and3A_97, %sub3A_90, %broadcast_in_dim3A_99 : vector<16xi1>, vector<16xi32>
      %swap3A_101 = arith.constant 16 : index
      %swap3A_102 = tpu.vector_load %arg9[%swap3A_101] {strides = array<i32>} : memref<128xi32, #tpu.memory_space<vmem>>, vector<16xi32>,
      %swap3A_103 = vector.shape_cast %swap3A_102 : vector<16xi32> to vector<16xi32>
      %swap3A_104 = vector.shape_cast %select_n3A_100 : vector<16xi32> to vector<16xi32>
      tpu.vector_store %arg9[%swap3A_101], %swap3A_104 {strides = array<i32>} : memref<128xi32, #tpu.memory_space<vmem>>, vector<16xi32>,
      %get3A_105 = arith.constant 32 : index
      %get3A_106 = tpu.vector_load %arg8[%get3A_105] {strides = array<i32>} : memref<128xi32, #tpu.memory_space<vmem>>, vector<16xi32>,
      %get3A_107 = vector.shape_cast %get3A_106 : vector<16xi32> to vector<16xi32>
      %broadcast_in_dim3A_108 = arith.constant 25088 : i32
      %broadcast_in_dim3A_109 = vector.broadcast %broadcast_in_dim3A_108 : i32 to vector<16xi32>
      %sub3A_110 = arith.subi %get3A_107, %broadcast_in_dim3A_109 : vector<16xi32>
      %broadcast_in_dim3A_111 = arith.constant 0 : i32
      %broadcast_in_dim3A_112 = vector.broadcast %broadcast_in_dim3A_111 : i32 to vector<16xi32>
      %ge3A_113 = arith.cmpi sge, %sub3A_110, %broadcast_in_dim3A_112 : vector<16xi32>
      %broadcast_in_dim3A_114 = arith.constant 12544 : i32
      %broadcast_in_dim3A_115 = vector.broadcast %broadcast_in_dim3A_114 : i32 to vector<16xi32>
      %lt3A_116 = arith.cmpi slt, %sub3A_110, %broadcast_in_dim3A_115 : vector<16xi32>
      %and3A_117 = arith.andi %ge3A_113, %lt3A_116 : vector<16xi1>
      %broadcast_in_dim3A_118 = arith.constant 12544 : i32
      %broadcast_in_dim3A_119 = vector.broadcast %broadcast_in_dim3A_118 : i32 to vector<16xi32>
      %select_n3A_120 = arith.select %and3A_117, %sub3A_110, %broadcast_in_dim3A_119 : vector<16xi1>, vector<16xi32>
      %swap3A_121 = arith.constant 32 : index
      %swap3A_122 = tpu.vector_load %arg9[%swap3A_121] {strides = array<i32>} : memref<128xi32, #tpu.memory_space<vmem>>, vector<16xi32>,
      %swap3A_123 = vector.shape_cast %swap3A_122 : vector<16xi32> to vector<16xi32>
      %swap3A_124 = vector.shape_cast %select_n3A_120 : vector<16xi32> to vector<16xi32>
      tpu.vector_store %arg9[%swap3A_121], %swap3A_124 {strides = array<i32>} : memref<128xi32, #tpu.memory_space<vmem>>, vector<16xi32>,
      %get3A_125 = arith.constant 48 : index
      %get3A_126 = tpu.vector_load %arg8[%get3A_125] {strides = array<i32>} : memref<128xi32, #tpu.memory_space<vmem>>, vector<16xi32>,
      %get3A_127 = vector.shape_cast %get3A_126 : vector<16xi32> to vector<16xi32>
      %broadcast_in_dim3A_128 = arith.constant 25088 : i32
      %broadcast_in_dim3A_129 = vector.broadcast %broadcast_in_dim3A_128 : i32 to vector<16xi32>
      %sub3A_130 = arith.subi %get3A_127, %broadcast_in_dim3A_129 : vector<16xi32>
      %broadcast_in_dim3A_131 = arith.constant 0 : i32
      %broadcast_in_dim3A_132 = vector.broadcast %broadcast_in_dim3A_131 : i32 to vector<16xi32>
      %ge3A_133 = arith.cmpi sge, %sub3A_130, %broadcast_in_dim3A_132 : vector<16xi32>
      %broadcast_in_dim3A_134 = arith.constant 12544 : i32
      %broadcast_in_dim3A_135 = vector.broadcast %broadcast_in_dim3A_134 : i32 to vector<16xi32>
      %lt3A_136 = arith.cmpi slt, %sub3A_130, %broadcast_in_dim3A_135 : vector<16xi32>
      %and3A_137 = arith.andi %ge3A_133, %lt3A_136 : vector<16xi1>
      %broadcast_in_dim3A_138 = arith.constant 12544 : i32
      %broadcast_in_dim3A_139 = vector.broadcast %broadcast_in_dim3A_138 : i32 to vector<16xi32>
      %select_n3A_140 = arith.select %and3A_137, %sub3A_130, %broadcast_in_dim3A_139 : vector<16xi1>, vector<16xi32>
      %swap3A_141 = arith.constant 48 : index
      %swap3A_142 = tpu.vector_load %arg9[%swap3A_141] {strides = array<i32>} : memref<128xi32, #tpu.memory_space<vmem>>, vector<16xi32>,
      %swap3A_143 = vector.shape_cast %swap3A_142 : vector<16xi32> to vector<16xi32>
      %swap3A_144 = vector.shape_cast %select_n3A_140 : vector<16xi32> to vector<16xi32>
      tpu.vector_store %arg9[%swap3A_141], %swap3A_144 {strides = array<i32>} : memref<128xi32, #tpu.memory_space<vmem>>, vector<16xi32>,
      %get3A_145 = arith.constant 64 : index
      %get3A_146 = tpu.vector_load %arg8[%get3A_145] {strides = array<i32>} : memref<128xi32, #tpu.memory_space<vmem>>, vector<16xi32>,
      %get3A_147 = vector.shape_cast %get3A_146 : vector<16xi32> to vector<16xi32>
      %broadcast_in_dim3A_148 = arith.constant 25088 : i32
      %broadcast_in_dim3A_149 = vector.broadcast %broadcast_in_dim3A_148 : i32 to vector<16xi32>
      %sub3A_150 = arith.subi %get3A_147, %broadcast_in_dim3A_149 : vector<16xi32>
      %broadcast_in_dim3A_151 = arith.constant 0 : i32
      %broadcast_in_dim3A_152 = vector.broadcast %broadcast_in_dim3A_151 : i32 to vector<16xi32>
      %ge3A_153 = arith.cmpi sge, %sub3A_150, %broadcast_in_dim3A_152 : vector<16xi32>
      %broadcast_in_dim3A_154 = arith.constant 12544 : i32
      %broadcast_in_dim3A_155 = vector.broadcast %broadcast_in_dim3A_154 : i32 to vector<16xi32>
      %lt3A_156 = arith.cmpi slt, %sub3A_150, %broadcast_in_dim3A_155 : vector<16xi32>
      %and3A_157 = arith.andi %ge3A_153, %lt3A_156 : vector<16xi1>
      %broadcast_in_dim3A_158 = arith.constant 12544 : i32
      %broadcast_in_dim3A_159 = vector.broadcast %broadcast_in_dim3A_158 : i32 to vector<16xi32>
      %select_n3A_160 = arith.select %and3A_157, %sub3A_150, %broadcast_in_dim3A_159 : vector<16xi1>, vector<16xi32>
      %swap3A_161 = arith.constant 64 : index
      %swap3A_162 = tpu.vector_load %arg9[%swap3A_161] {strides = array<i32>} : memref<128xi32, #tpu.memory_space<vmem>>, vector<16xi32>,
      %swap3A_163 = vector.shape_cast %swap3A_162 : vector<16xi32> to vector<16xi32>
      %swap3A_164 = vector.shape_cast %select_n3A_160 : vector<16xi32> to vector<16xi32>
      tpu.vector_store %arg9[%swap3A_161], %swap3A_164 {strides = array<i32>} : memref<128xi32, #tpu.memory_space<vmem>>, vector<16xi32>,
      %get3A_165 = arith.constant 80 : index
      %get3A_166 = tpu.vector_load %arg8[%get3A_165] {strides = array<i32>} : memref<128xi32, #tpu.memory_space<vmem>>, vector<16xi32>,
      %get3A_167 = vector.shape_cast %get3A_166 : vector<16xi32> to vector<16xi32>
      %broadcast_in_dim3A_168 = arith.constant 25088 : i32
      %broadcast_in_dim3A_169 = vector.broadcast %broadcast_in_dim3A_168 : i32 to vector<16xi32>
      %sub3A_170 = arith.subi %get3A_167, %broadcast_in_dim3A_169 : vector<16xi32>
      %broadcast_in_dim3A_171 = arith.constant 0 : i32
      %broadcast_in_dim3A_172 = vector.broadcast %broadcast_in_dim3A_171 : i32 to vector<16xi32>
      %ge3A_173 = arith.cmpi sge, %sub3A_170, %broadcast_in_dim3A_172 : vector<16xi32>
      %broadcast_in_dim3A_174 = arith.constant 12544 : i32
      %broadcast_in_dim3A_175 = vector.broadcast %broadcast_in_dim3A_174 : i32 to vector<16xi32>
      %lt3A_176 = arith.cmpi slt, %sub3A_170, %broadcast_in_dim3A_175 : vector<16xi32>
      %and3A_177 = arith.andi %ge3A_173, %lt3A_176 : vector<16xi1>
      %broadcast_in_dim3A_178 = arith.constant 12544 : i32
      %broadcast_in_dim3A_179 = vector.broadcast %broadcast_in_dim3A_178 : i32 to vector<16xi32>
      %select_n3A_180 = arith.select %and3A_177, %sub3A_170, %broadcast_in_dim3A_179 : vector<16xi1>, vector<16xi32>
      %swap3A_181 = arith.constant 80 : index
      %swap3A_182 = tpu.vector_load %arg9[%swap3A_181] {strides = array<i32>} : memref<128xi32, #tpu.memory_space<vmem>>, vector<16xi32>,
      %swap3A_183 = vector.shape_cast %swap3A_182 : vector<16xi32> to vector<16xi32>
      %swap3A_184 = vector.shape_cast %select_n3A_180 : vector<16xi32> to vector<16xi32>
      tpu.vector_store %arg9[%swap3A_181], %swap3A_184 {strides = array<i32>} : memref<128xi32, #tpu.memory_space<vmem>>, vector<16xi32>,
      %get3A_185 = arith.constant 96 : index
      %get3A_186 = tpu.vector_load %arg8[%get3A_185] {strides = array<i32>} : memref<128xi32, #tpu.memory_space<vmem>>, vector<16xi32>,
      %get3A_187 = vector.shape_cast %get3A_186 : vector<16xi32> to vector<16xi32>
      %broadcast_in_dim3A_188 = arith.constant 25088 : i32
      %broadcast_in_dim3A_189 = vector.broadcast %broadcast_in_dim3A_188 : i32 to vector<16xi32>
      %sub3A_190 = arith.subi %get3A_187, %broadcast_in_dim3A_189 : vector<16xi32>
      %broadcast_in_dim3A_191 = arith.constant 0 : i32
      %broadcast_in_dim3A_192 = vector.broadcast %broadcast_in_dim3A_191 : i32 to vector<16xi32>
      %ge3A_193 = arith.cmpi sge, %sub3A_190, %broadcast_in_dim3A_192 : vector<16xi32>
      %broadcast_in_dim3A_194 = arith.constant 12544 : i32
      %broadcast_in_dim3A_195 = vector.broadcast %broadcast_in_dim3A_194 : i32 to vector<16xi32>
      %lt3A_196 = arith.cmpi slt, %sub3A_190, %broadcast_in_dim3A_195 : vector<16xi32>
      %and3A_197 = arith.andi %ge3A_193, %lt3A_196 : vector<16xi1>
      %broadcast_in_dim3A_198 = arith.constant 12544 : i32
      %broadcast_in_dim3A_199 = vector.broadcast %broadcast_in_dim3A_198 : i32 to vector<16xi32>
      %select_n3A_200 = arith.select %and3A_197, %sub3A_190, %broadcast_in_dim3A_199 : vector<16xi1>, vector<16xi32>
      %swap3A_201 = arith.constant 96 : index
      %swap3A_202 = tpu.vector_load %arg9[%swap3A_201] {strides = array<i32>} : memref<128xi32, #tpu.memory_space<vmem>>, vector<16xi32>,
      %swap3A_203 = vector.shape_cast %swap3A_202 : vector<16xi32> to vector<16xi32>
      %swap3A_204 = vector.shape_cast %select_n3A_200 : vector<16xi32> to vector<16xi32>
      tpu.vector_store %arg9[%swap3A_201], %swap3A_204 {strides = array<i32>} : memref<128xi32, #tpu.memory_space<vmem>>, vector<16xi32>,
      %get3A_205 = arith.constant 112 : index
      %get3A_206 = tpu.vector_load %arg8[%get3A_205] {strides = array<i32>} : memref<128xi32, #tpu.memory_space<vmem>>, vector<16xi32>,
      %get3A_207 = vector.shape_cast %get3A_206 : vector<16xi32> to vector<16xi32>
      %broadcast_in_dim3A_208 = arith.constant 25088 : i32
      %broadcast_in_dim3A_209 = vector.broadcast %broadcast_in_dim3A_208 : i32 to vector<16xi32>
      %sub3A_210 = arith.subi %get3A_207, %broadcast_in_dim3A_209 : vector<16xi32>
      %broadcast_in_dim3A_211 = arith.constant 0 : i32
      %broadcast_in_dim3A_212 = vector.broadcast %broadcast_in_dim3A_211 : i32 to vector<16xi32>
      %ge3A_213 = arith.cmpi sge, %sub3A_210, %broadcast_in_dim3A_212 : vector<16xi32>
      %broadcast_in_dim3A_214 = arith.constant 12544 : i32
      %broadcast_in_dim3A_215 = vector.broadcast %broadcast_in_dim3A_214 : i32 to vector<16xi32>
      %lt3A_216 = arith.cmpi slt, %sub3A_210, %broadcast_in_dim3A_215 : vector<16xi32>
      %and3A_217 = arith.andi %ge3A_213, %lt3A_216 : vector<16xi1>
      %broadcast_in_dim3A_218 = arith.constant 12544 : i32
      %broadcast_in_dim3A_219 = vector.broadcast %broadcast_in_dim3A_218 : i32 to vector<16xi32>
      %select_n3A_220 = arith.select %and3A_217, %sub3A_210, %broadcast_in_dim3A_219 : vector<16xi1>, vector<16xi32>
      %swap3A_221 = arith.constant 112 : index
      %swap3A_222 = tpu.vector_load %arg9[%swap3A_221] {strides = array<i32>} : memref<128xi32, #tpu.memory_space<vmem>>, vector<16xi32>,
      %swap3A_223 = vector.shape_cast %swap3A_222 : vector<16xi32> to vector<16xi32>
      %swap3A_224 = vector.shape_cast %select_n3A_220 : vector<16xi32> to vector<16xi32>
      tpu.vector_store %arg9[%swap3A_221], %swap3A_224 {strides = array<i32>} : memref<128xi32, #tpu.memory_space<vmem>>, vector<16xi32>,
      %dma_start3A = arith.constant 0 : i32
      %dma_start3A_225 = arith.constant 0 : i32
      %dma_start3A_226 = tpu.memref_slice %arg2[%dma_start3A, %dma_start3A_225] : memref<50176x128xf32, #tpu.memory_space<hbm>> -> memref<50176x128xf32, #tpu.memory_space<hbm>>
      tpu.enqueue_indirect_dma source(%dma_start3A_226 : memref<50176x128xf32, #tpu.memory_space<hbm>>) target(%arg10 : memref<128x128xf32, #tpu.memory_space<vmem>>) offsets(%arg7 : memref<128xi32, #tpu.memory_space<vmem>>) semaphore(%arg12 : memref<!tpu.dma_semaphore, #tpu.memory_space<semaphore_mem>>)
      %dma_wait3A = arith.constant 0 : i32
      %dma_wait3A_227 = arith.constant 0 : i32
      %dma_wait3A_228 = tpu.memref_slice %arg2[%dma_wait3A, %dma_wait3A_227] : memref<50176x128xf32, #tpu.memory_space<hbm>> -> memref<50176x128xf32, #tpu.memory_space<hbm>>
      tpu.wait_indirect_dma semaphore(%arg12 : memref<!tpu.dma_semaphore, #tpu.memory_space<semaphore_mem>>) src(%dma_wait3A_228 : memref<50176x128xf32, #tpu.memory_space<hbm>>) dst(%arg10 : memref<128x128xf32, #tpu.memory_space<vmem>>)
      "tpu.region"() ({
        %run_scoped3A = tpu.sem_alloc : memref<!tpu.dma_semaphore, #tpu.memory_space<semaphore_mem>>
        %dma_start3A_229 = arith.constant 0 : i32
        %dma_start3A_230 = arith.constant 0 : i32
        %dma_start3A_231 = tpu.memref_slice %arg11[%dma_start3A_229, %dma_start3A_230] : memref<12672x128xf32, #tpu.memory_space<vmem_shared>> -> memref<12672x128xf32, #tpu.memory_space<vmem_shared>>
        tpu.enqueue_indirect_dma source(%arg10 : memref<128x128xf32, #tpu.memory_space<vmem>>) target(%dma_start3A_231 : memref<12672x128xf32, #tpu.memory_space<vmem_shared>>) offsets(%arg9 : memref<128xi32, #tpu.memory_space<vmem>>) semaphore(%run_scoped3A : memref<!tpu.dma_semaphore, #tpu.memory_space<semaphore_mem>>) {add = true}
        %dma_wait3A_232 = arith.constant 0 : i32
        %dma_wait3A_233 = arith.constant 0 : i32
        %dma_wait3A_234 = tpu.memref_slice %arg11[%dma_wait3A_232, %dma_wait3A_233] : memref<12672x128xf32, #tpu.memory_space<vmem_shared>> -> memref<12672x128xf32, #tpu.memory_space<vmem_shared>>
        tpu.wait_indirect_dma semaphore(%run_scoped3A : memref<!tpu.dma_semaphore, #tpu.memory_space<semaphore_mem>>) src(%arg10 : memref<128x128xf32, #tpu.memory_space<vmem>>) dst(%dma_wait3A_234 : memref<12672x128xf32, #tpu.memory_space<vmem_shared>>)
        tpu.yield
      }) : () -> ()
    }
    %scan3A_43 = arith.constant 196 : i32
    %barrier3A_44 = arith.constant 0 : index
    tpu.barrier barrier_id(%barrier3A_44)
    %mul3A_45 = arith.constant 784 : i32
    %mul3A_46 = arith.muli %arg1, %mul3A_45 : i32
    %mul3A_47 = arith.constant 784 : i32
    %mul3A_48 = arith.muli %arg1, %mul3A_47 : i32
    %add3A_49 = arith.constant 25088 : i32
    %add3A_50 = arith.addi %add3A_49, %mul3A_48 : i32
    "tpu.region"() ({
      %run_scoped3A = tpu.sem_alloc : memref<!tpu.dma_semaphore, #tpu.memory_space<semaphore_mem>>
      %dma_start3A = arith.constant 0 : i32
      %dma_start3A_69 = tpu.memref_slice %arg6[%arg0, %add3A_50, %dma_start3A] : memref<2x50176x128xf32, #tpu.memory_space<hbm>> -> memref<1x784x128xf32, #tpu.memory_space<hbm>>
      %dma_start3A_70 = tpu.memref_squeeze %dma_start3A_69 : memref<1x784x128xf32, #tpu.memory_space<hbm>> -> memref<784x128xf32, #tpu.memory_space<hbm>>
      %dma_start3A_71 = arith.constant 0 : i32
      %dma_start3A_72 = tpu.memref_slice %arg11[%mul3A_46, %dma_start3A_71] : memref<12672x128xf32, #tpu.memory_space<vmem_shared>> -> memref<784x128xf32, #tpu.memory_space<vmem_shared>>
      tpu.enqueue_dma source(%dma_start3A_72 : memref<784x128xf32, #tpu.memory_space<vmem_shared>>) target(%dma_start3A_70 : memref<784x128xf32, #tpu.memory_space<hbm>>) target_semaphore(%run_scoped3A : memref<!tpu.dma_semaphore, #tpu.memory_space<semaphore_mem>>)
      %dma_wait3A = arith.constant 0 : i32
      %dma_wait3A_73 = tpu.memref_slice %arg6[%arg0, %add3A_50, %dma_wait3A] : memref<2x50176x128xf32, #tpu.memory_space<hbm>> -> memref<1x784x128xf32, #tpu.memory_space<hbm>>
      %dma_wait3A_74 = tpu.memref_squeeze %dma_wait3A_73 : memref<1x784x128xf32, #tpu.memory_space<hbm>> -> memref<784x128xf32, #tpu.memory_space<hbm>>
      %dma_wait3A_75 = arith.constant 0 : i32
      %dma_wait3A_76 = tpu.memref_slice %arg11[%mul3A_46, %dma_wait3A_75] : memref<12672x128xf32, #tpu.memory_space<vmem_shared>> -> memref<784x128xf32, #tpu.memory_space<vmem_shared>>
      tpu.wait_dma2 semaphore(%run_scoped3A : memref<!tpu.dma_semaphore, #tpu.memory_space<semaphore_mem>>) src(%dma_wait3A_76 : memref<784x128xf32, #tpu.memory_space<vmem_shared>>) dst(%dma_wait3A_74 : memref<784x128xf32, #tpu.memory_space<hbm>>)
      tpu.yield
    }) : () -> ()
    %barrier3A_51 = arith.constant 0 : index
    tpu.barrier barrier_id(%barrier3A_51)
    %mul3A_52 = arith.constant 792 : i32
    %mul3A_53 = arith.muli %arg1, %mul3A_52 : i32
    "tpu.region"() ({
      %run_scoped3A = tpu.sem_alloc : memref<!tpu.dma_semaphore, #tpu.memory_space<semaphore_mem>>
      %dma_start3A = arith.constant 0 : i32
      %dma_start3A_69 = tpu.memref_slice %arg11[%mul3A_53, %dma_start3A] : memref<12672x128xf32, #tpu.memory_space<vmem_shared>> -> memref<792x128xf32, #tpu.memory_space<vmem_shared>>
      tpu.enqueue_dma source(%arg5 : memref<792x128xf32, #tpu.memory_space<hbm>>) target(%dma_start3A_69 : memref<792x128xf32, #tpu.memory_space<vmem_shared>>) target_semaphore(%run_scoped3A : memref<!tpu.dma_semaphore, #tpu.memory_space<semaphore_mem>>)
      %dma_wait3A = arith.constant 0 : i32
      %dma_wait3A_70 = tpu.memref_slice %arg11[%mul3A_53, %dma_wait3A] : memref<12672x128xf32, #tpu.memory_space<vmem_shared>> -> memref<792x128xf32, #tpu.memory_space<vmem_shared>>
      tpu.wait_dma2 semaphore(%run_scoped3A : memref<!tpu.dma_semaphore, #tpu.memory_space<semaphore_mem>>) src(%arg5 : memref<792x128xf32, #tpu.memory_space<hbm>>) dst(%dma_wait3A_70 : memref<792x128xf32, #tpu.memory_space<vmem_shared>>)
      tpu.yield
    }) : () -> ()
    %barrier3A_54 = arith.constant 0 : index
    tpu.barrier barrier_id(%barrier3A_54)
    %scan3A_55 = arith.constant 0 : i32
    %scan3A_56 = arith.constant 0 : i32
    %scan3A_57 = arith.constant 196 : i32
    %scan3A_58 = arith.addi %scan3A_56, %scan3A_57 : i32
    %scan3A_59 = arith.constant 1 : i32
    scf.for %scan3A_69 = %scan3A_56 to %scan3A_58 step %scan3A_59  : i32 {
      %mul3A_70 = arith.constant 128 : i32
      %mul3A_71 = arith.muli %scan3A_69, %mul3A_70 : i32
      %add3A_72 = arith.addi %mul3A_2, %mul3A_71 : i32
      "tpu.region"() ({
        %run_scoped3A = tpu.sem_alloc : memref<!tpu.dma_semaphore, #tpu.memory_space<semaphore_mem>>
        %dma_start3A_229 = tpu.memref_slice %arg3[%add3A_72] : memref<802816xi32, #tpu.memory_space<hbm>> -> memref<128xi32, #tpu.memory_space<hbm>>
        %dma_start3A_230 = tpu.memref_slice %arg3[%add3A_72] : memref<802816xi32, #tpu.memory_space<hbm>> -> memref<128xi32, #tpu.memory_space<hbm>>
        tpu.enqueue_dma source(%dma_start3A_230 : memref<128xi32, #tpu.memory_space<hbm>>) target(%arg7 : memref<128xi32, #tpu.memory_space<vmem>>) target_semaphore(%run_scoped3A : memref<!tpu.dma_semaphore, #tpu.memory_space<semaphore_mem>>)
        %dma_wait3A_231 = tpu.memref_slice %arg3[%add3A_72] : memref<802816xi32, #tpu.memory_space<hbm>> -> memref<128xi32, #tpu.memory_space<hbm>>
        %dma_wait3A_232 = tpu.memref_slice %arg3[%add3A_72] : memref<802816xi32, #tpu.memory_space<hbm>> -> memref<128xi32, #tpu.memory_space<hbm>>
        tpu.wait_dma2 semaphore(%run_scoped3A : memref<!tpu.dma_semaphore, #tpu.memory_space<semaphore_mem>>) src(%dma_wait3A_232 : memref<128xi32, #tpu.memory_space<hbm>>) dst(%arg7 : memref<128xi32, #tpu.memory_space<vmem>>)
        tpu.yield
      }) : () -> ()
      "tpu.region"() ({
        %run_scoped3A = tpu.sem_alloc : memref<!tpu.dma_semaphore, #tpu.memory_space<semaphore_mem>>
        %dma_start3A_229 = tpu.memref_slice %arg4[%add3A_72] : memref<802816xi32, #tpu.memory_space<hbm>> -> memref<128xi32, #tpu.memory_space<hbm>>
        %dma_start3A_230 = tpu.memref_slice %arg4[%add3A_72] : memref<802816xi32, #tpu.memory_space<hbm>> -> memref<128xi32, #tpu.memory_space<hbm>>
        tpu.enqueue_dma source(%dma_start3A_230 : memref<128xi32, #tpu.memory_space<hbm>>) target(%arg8 : memref<128xi32, #tpu.memory_space<vmem>>) target_semaphore(%run_scoped3A : memref<!tpu.dma_semaphore, #tpu.memory_space<semaphore_mem>>)
        %dma_wait3A_231 = tpu.memref_slice %arg4[%add3A_72] : memref<802816xi32, #tpu.memory_space<hbm>> -> memref<128xi32, #tpu.memory_space<hbm>>
        %dma_wait3A_232 = tpu.memref_slice %arg4[%add3A_72] : memref<802816xi32, #tpu.memory_space<hbm>> -> memref<128xi32, #tpu.memory_space<hbm>>
        tpu.wait_dma2 semaphore(%run_scoped3A : memref<!tpu.dma_semaphore, #tpu.memory_space<semaphore_mem>>) src(%dma_wait3A_232 : memref<128xi32, #tpu.memory_space<hbm>>) dst(%arg8 : memref<128xi32, #tpu.memory_space<vmem>>)
        tpu.yield
      }) : () -> ()
      %get3A = arith.constant 0 : index
      %get3A_73 = tpu.vector_load %arg8[%get3A] {strides = array<i32>} : memref<128xi32, #tpu.memory_space<vmem>>, vector<16xi32>,
      %get3A_74 = vector.shape_cast %get3A_73 : vector<16xi32> to vector<16xi32>
      %broadcast_in_dim3A = arith.constant 37632 : i32
      %broadcast_in_dim3A_75 = vector.broadcast %broadcast_in_dim3A : i32 to vector<16xi32>
      %sub3A = arith.subi %get3A_74, %broadcast_in_dim3A_75 : vector<16xi32>
      %broadcast_in_dim3A_76 = arith.constant 0 : i32
      %broadcast_in_dim3A_77 = vector.broadcast %broadcast_in_dim3A_76 : i32 to vector<16xi32>
      %ge3A = arith.cmpi sge, %sub3A, %broadcast_in_dim3A_77 : vector<16xi32>
      %broadcast_in_dim3A_78 = arith.constant 12544 : i32
      %broadcast_in_dim3A_79 = vector.broadcast %broadcast_in_dim3A_78 : i32 to vector<16xi32>
      %lt3A = arith.cmpi slt, %sub3A, %broadcast_in_dim3A_79 : vector<16xi32>
      %and3A = arith.andi %ge3A, %lt3A : vector<16xi1>
      %broadcast_in_dim3A_80 = arith.constant 12544 : i32
      %broadcast_in_dim3A_81 = vector.broadcast %broadcast_in_dim3A_80 : i32 to vector<16xi32>
      %select_n3A = arith.select %and3A, %sub3A, %broadcast_in_dim3A_81 : vector<16xi1>, vector<16xi32>
      %swap3A = arith.constant 0 : index
      %swap3A_82 = tpu.vector_load %arg9[%swap3A] {strides = array<i32>} : memref<128xi32, #tpu.memory_space<vmem>>, vector<16xi32>,
      %swap3A_83 = vector.shape_cast %swap3A_82 : vector<16xi32> to vector<16xi32>
      %swap3A_84 = vector.shape_cast %select_n3A : vector<16xi32> to vector<16xi32>
      tpu.vector_store %arg9[%swap3A], %swap3A_84 {strides = array<i32>} : memref<128xi32, #tpu.memory_space<vmem>>, vector<16xi32>,
      %get3A_85 = arith.constant 16 : index
      %get3A_86 = tpu.vector_load %arg8[%get3A_85] {strides = array<i32>} : memref<128xi32, #tpu.memory_space<vmem>>, vector<16xi32>,
      %get3A_87 = vector.shape_cast %get3A_86 : vector<16xi32> to vector<16xi32>
      %broadcast_in_dim3A_88 = arith.constant 37632 : i32
      %broadcast_in_dim3A_89 = vector.broadcast %broadcast_in_dim3A_88 : i32 to vector<16xi32>
      %sub3A_90 = arith.subi %get3A_87, %broadcast_in_dim3A_89 : vector<16xi32>
      %broadcast_in_dim3A_91 = arith.constant 0 : i32
      %broadcast_in_dim3A_92 = vector.broadcast %broadcast_in_dim3A_91 : i32 to vector<16xi32>
      %ge3A_93 = arith.cmpi sge, %sub3A_90, %broadcast_in_dim3A_92 : vector<16xi32>
      %broadcast_in_dim3A_94 = arith.constant 12544 : i32
      %broadcast_in_dim3A_95 = vector.broadcast %broadcast_in_dim3A_94 : i32 to vector<16xi32>
      %lt3A_96 = arith.cmpi slt, %sub3A_90, %broadcast_in_dim3A_95 : vector<16xi32>
      %and3A_97 = arith.andi %ge3A_93, %lt3A_96 : vector<16xi1>
      %broadcast_in_dim3A_98 = arith.constant 12544 : i32
      %broadcast_in_dim3A_99 = vector.broadcast %broadcast_in_dim3A_98 : i32 to vector<16xi32>
      %select_n3A_100 = arith.select %and3A_97, %sub3A_90, %broadcast_in_dim3A_99 : vector<16xi1>, vector<16xi32>
      %swap3A_101 = arith.constant 16 : index
      %swap3A_102 = tpu.vector_load %arg9[%swap3A_101] {strides = array<i32>} : memref<128xi32, #tpu.memory_space<vmem>>, vector<16xi32>,
      %swap3A_103 = vector.shape_cast %swap3A_102 : vector<16xi32> to vector<16xi32>
      %swap3A_104 = vector.shape_cast %select_n3A_100 : vector<16xi32> to vector<16xi32>
      tpu.vector_store %arg9[%swap3A_101], %swap3A_104 {strides = array<i32>} : memref<128xi32, #tpu.memory_space<vmem>>, vector<16xi32>,
      %get3A_105 = arith.constant 32 : index
      %get3A_106 = tpu.vector_load %arg8[%get3A_105] {strides = array<i32>} : memref<128xi32, #tpu.memory_space<vmem>>, vector<16xi32>,
      %get3A_107 = vector.shape_cast %get3A_106 : vector<16xi32> to vector<16xi32>
      %broadcast_in_dim3A_108 = arith.constant 37632 : i32
      %broadcast_in_dim3A_109 = vector.broadcast %broadcast_in_dim3A_108 : i32 to vector<16xi32>
      %sub3A_110 = arith.subi %get3A_107, %broadcast_in_dim3A_109 : vector<16xi32>
      %broadcast_in_dim3A_111 = arith.constant 0 : i32
      %broadcast_in_dim3A_112 = vector.broadcast %broadcast_in_dim3A_111 : i32 to vector<16xi32>
      %ge3A_113 = arith.cmpi sge, %sub3A_110, %broadcast_in_dim3A_112 : vector<16xi32>
      %broadcast_in_dim3A_114 = arith.constant 12544 : i32
      %broadcast_in_dim3A_115 = vector.broadcast %broadcast_in_dim3A_114 : i32 to vector<16xi32>
      %lt3A_116 = arith.cmpi slt, %sub3A_110, %broadcast_in_dim3A_115 : vector<16xi32>
      %and3A_117 = arith.andi %ge3A_113, %lt3A_116 : vector<16xi1>
      %broadcast_in_dim3A_118 = arith.constant 12544 : i32
      %broadcast_in_dim3A_119 = vector.broadcast %broadcast_in_dim3A_118 : i32 to vector<16xi32>
      %select_n3A_120 = arith.select %and3A_117, %sub3A_110, %broadcast_in_dim3A_119 : vector<16xi1>, vector<16xi32>
      %swap3A_121 = arith.constant 32 : index
      %swap3A_122 = tpu.vector_load %arg9[%swap3A_121] {strides = array<i32>} : memref<128xi32, #tpu.memory_space<vmem>>, vector<16xi32>,
      %swap3A_123 = vector.shape_cast %swap3A_122 : vector<16xi32> to vector<16xi32>
      %swap3A_124 = vector.shape_cast %select_n3A_120 : vector<16xi32> to vector<16xi32>
      tpu.vector_store %arg9[%swap3A_121], %swap3A_124 {strides = array<i32>} : memref<128xi32, #tpu.memory_space<vmem>>, vector<16xi32>,
      %get3A_125 = arith.constant 48 : index
      %get3A_126 = tpu.vector_load %arg8[%get3A_125] {strides = array<i32>} : memref<128xi32, #tpu.memory_space<vmem>>, vector<16xi32>,
      %get3A_127 = vector.shape_cast %get3A_126 : vector<16xi32> to vector<16xi32>
      %broadcast_in_dim3A_128 = arith.constant 37632 : i32
      %broadcast_in_dim3A_129 = vector.broadcast %broadcast_in_dim3A_128 : i32 to vector<16xi32>
      %sub3A_130 = arith.subi %get3A_127, %broadcast_in_dim3A_129 : vector<16xi32>
      %broadcast_in_dim3A_131 = arith.constant 0 : i32
      %broadcast_in_dim3A_132 = vector.broadcast %broadcast_in_dim3A_131 : i32 to vector<16xi32>
      %ge3A_133 = arith.cmpi sge, %sub3A_130, %broadcast_in_dim3A_132 : vector<16xi32>
      %broadcast_in_dim3A_134 = arith.constant 12544 : i32
      %broadcast_in_dim3A_135 = vector.broadcast %broadcast_in_dim3A_134 : i32 to vector<16xi32>
      %lt3A_136 = arith.cmpi slt, %sub3A_130, %broadcast_in_dim3A_135 : vector<16xi32>
      %and3A_137 = arith.andi %ge3A_133, %lt3A_136 : vector<16xi1>
      %broadcast_in_dim3A_138 = arith.constant 12544 : i32
      %broadcast_in_dim3A_139 = vector.broadcast %broadcast_in_dim3A_138 : i32 to vector<16xi32>
      %select_n3A_140 = arith.select %and3A_137, %sub3A_130, %broadcast_in_dim3A_139 : vector<16xi1>, vector<16xi32>
      %swap3A_141 = arith.constant 48 : index
      %swap3A_142 = tpu.vector_load %arg9[%swap3A_141] {strides = array<i32>} : memref<128xi32, #tpu.memory_space<vmem>>, vector<16xi32>,
      %swap3A_143 = vector.shape_cast %swap3A_142 : vector<16xi32> to vector<16xi32>
      %swap3A_144 = vector.shape_cast %select_n3A_140 : vector<16xi32> to vector<16xi32>
      tpu.vector_store %arg9[%swap3A_141], %swap3A_144 {strides = array<i32>} : memref<128xi32, #tpu.memory_space<vmem>>, vector<16xi32>,
      %get3A_145 = arith.constant 64 : index
      %get3A_146 = tpu.vector_load %arg8[%get3A_145] {strides = array<i32>} : memref<128xi32, #tpu.memory_space<vmem>>, vector<16xi32>,
      %get3A_147 = vector.shape_cast %get3A_146 : vector<16xi32> to vector<16xi32>
      %broadcast_in_dim3A_148 = arith.constant 37632 : i32
      %broadcast_in_dim3A_149 = vector.broadcast %broadcast_in_dim3A_148 : i32 to vector<16xi32>
      %sub3A_150 = arith.subi %get3A_147, %broadcast_in_dim3A_149 : vector<16xi32>
      %broadcast_in_dim3A_151 = arith.constant 0 : i32
      %broadcast_in_dim3A_152 = vector.broadcast %broadcast_in_dim3A_151 : i32 to vector<16xi32>
      %ge3A_153 = arith.cmpi sge, %sub3A_150, %broadcast_in_dim3A_152 : vector<16xi32>
      %broadcast_in_dim3A_154 = arith.constant 12544 : i32
      %broadcast_in_dim3A_155 = vector.broadcast %broadcast_in_dim3A_154 : i32 to vector<16xi32>
      %lt3A_156 = arith.cmpi slt, %sub3A_150, %broadcast_in_dim3A_155 : vector<16xi32>
      %and3A_157 = arith.andi %ge3A_153, %lt3A_156 : vector<16xi1>
      %broadcast_in_dim3A_158 = arith.constant 12544 : i32
      %broadcast_in_dim3A_159 = vector.broadcast %broadcast_in_dim3A_158 : i32 to vector<16xi32>
      %select_n3A_160 = arith.select %and3A_157, %sub3A_150, %broadcast_in_dim3A_159 : vector<16xi1>, vector<16xi32>
      %swap3A_161 = arith.constant 64 : index
      %swap3A_162 = tpu.vector_load %arg9[%swap3A_161] {strides = array<i32>} : memref<128xi32, #tpu.memory_space<vmem>>, vector<16xi32>,
      %swap3A_163 = vector.shape_cast %swap3A_162 : vector<16xi32> to vector<16xi32>
      %swap3A_164 = vector.shape_cast %select_n3A_160 : vector<16xi32> to vector<16xi32>
      tpu.vector_store %arg9[%swap3A_161], %swap3A_164 {strides = array<i32>} : memref<128xi32, #tpu.memory_space<vmem>>, vector<16xi32>,
      %get3A_165 = arith.constant 80 : index
      %get3A_166 = tpu.vector_load %arg8[%get3A_165] {strides = array<i32>} : memref<128xi32, #tpu.memory_space<vmem>>, vector<16xi32>,
      %get3A_167 = vector.shape_cast %get3A_166 : vector<16xi32> to vector<16xi32>
      %broadcast_in_dim3A_168 = arith.constant 37632 : i32
      %broadcast_in_dim3A_169 = vector.broadcast %broadcast_in_dim3A_168 : i32 to vector<16xi32>
      %sub3A_170 = arith.subi %get3A_167, %broadcast_in_dim3A_169 : vector<16xi32>
      %broadcast_in_dim3A_171 = arith.constant 0 : i32
      %broadcast_in_dim3A_172 = vector.broadcast %broadcast_in_dim3A_171 : i32 to vector<16xi32>
      %ge3A_173 = arith.cmpi sge, %sub3A_170, %broadcast_in_dim3A_172 : vector<16xi32>
      %broadcast_in_dim3A_174 = arith.constant 12544 : i32
      %broadcast_in_dim3A_175 = vector.broadcast %broadcast_in_dim3A_174 : i32 to vector<16xi32>
      %lt3A_176 = arith.cmpi slt, %sub3A_170, %broadcast_in_dim3A_175 : vector<16xi32>
      %and3A_177 = arith.andi %ge3A_173, %lt3A_176 : vector<16xi1>
      %broadcast_in_dim3A_178 = arith.constant 12544 : i32
      %broadcast_in_dim3A_179 = vector.broadcast %broadcast_in_dim3A_178 : i32 to vector<16xi32>
      %select_n3A_180 = arith.select %and3A_177, %sub3A_170, %broadcast_in_dim3A_179 : vector<16xi1>, vector<16xi32>
      %swap3A_181 = arith.constant 80 : index
      %swap3A_182 = tpu.vector_load %arg9[%swap3A_181] {strides = array<i32>} : memref<128xi32, #tpu.memory_space<vmem>>, vector<16xi32>,
      %swap3A_183 = vector.shape_cast %swap3A_182 : vector<16xi32> to vector<16xi32>
      %swap3A_184 = vector.shape_cast %select_n3A_180 : vector<16xi32> to vector<16xi32>
      tpu.vector_store %arg9[%swap3A_181], %swap3A_184 {strides = array<i32>} : memref<128xi32, #tpu.memory_space<vmem>>, vector<16xi32>,
      %get3A_185 = arith.constant 96 : index
      %get3A_186 = tpu.vector_load %arg8[%get3A_185] {strides = array<i32>} : memref<128xi32, #tpu.memory_space<vmem>>, vector<16xi32>,
      %get3A_187 = vector.shape_cast %get3A_186 : vector<16xi32> to vector<16xi32>
      %broadcast_in_dim3A_188 = arith.constant 37632 : i32
      %broadcast_in_dim3A_189 = vector.broadcast %broadcast_in_dim3A_188 : i32 to vector<16xi32>
      %sub3A_190 = arith.subi %get3A_187, %broadcast_in_dim3A_189 : vector<16xi32>
      %broadcast_in_dim3A_191 = arith.constant 0 : i32
      %broadcast_in_dim3A_192 = vector.broadcast %broadcast_in_dim3A_191 : i32 to vector<16xi32>
      %ge3A_193 = arith.cmpi sge, %sub3A_190, %broadcast_in_dim3A_192 : vector<16xi32>
      %broadcast_in_dim3A_194 = arith.constant 12544 : i32
      %broadcast_in_dim3A_195 = vector.broadcast %broadcast_in_dim3A_194 : i32 to vector<16xi32>
      %lt3A_196 = arith.cmpi slt, %sub3A_190, %broadcast_in_dim3A_195 : vector<16xi32>
      %and3A_197 = arith.andi %ge3A_193, %lt3A_196 : vector<16xi1>
      %broadcast_in_dim3A_198 = arith.constant 12544 : i32
      %broadcast_in_dim3A_199 = vector.broadcast %broadcast_in_dim3A_198 : i32 to vector<16xi32>
      %select_n3A_200 = arith.select %and3A_197, %sub3A_190, %broadcast_in_dim3A_199 : vector<16xi1>, vector<16xi32>
      %swap3A_201 = arith.constant 96 : index
      %swap3A_202 = tpu.vector_load %arg9[%swap3A_201] {strides = array<i32>} : memref<128xi32, #tpu.memory_space<vmem>>, vector<16xi32>,
      %swap3A_203 = vector.shape_cast %swap3A_202 : vector<16xi32> to vector<16xi32>
      %swap3A_204 = vector.shape_cast %select_n3A_200 : vector<16xi32> to vector<16xi32>
      tpu.vector_store %arg9[%swap3A_201], %swap3A_204 {strides = array<i32>} : memref<128xi32, #tpu.memory_space<vmem>>, vector<16xi32>,
      %get3A_205 = arith.constant 112 : index
      %get3A_206 = tpu.vector_load %arg8[%get3A_205] {strides = array<i32>} : memref<128xi32, #tpu.memory_space<vmem>>, vector<16xi32>,
      %get3A_207 = vector.shape_cast %get3A_206 : vector<16xi32> to vector<16xi32>
      %broadcast_in_dim3A_208 = arith.constant 37632 : i32
      %broadcast_in_dim3A_209 = vector.broadcast %broadcast_in_dim3A_208 : i32 to vector<16xi32>
      %sub3A_210 = arith.subi %get3A_207, %broadcast_in_dim3A_209 : vector<16xi32>
      %broadcast_in_dim3A_211 = arith.constant 0 : i32
      %broadcast_in_dim3A_212 = vector.broadcast %broadcast_in_dim3A_211 : i32 to vector<16xi32>
      %ge3A_213 = arith.cmpi sge, %sub3A_210, %broadcast_in_dim3A_212 : vector<16xi32>
      %broadcast_in_dim3A_214 = arith.constant 12544 : i32
      %broadcast_in_dim3A_215 = vector.broadcast %broadcast_in_dim3A_214 : i32 to vector<16xi32>
      %lt3A_216 = arith.cmpi slt, %sub3A_210, %broadcast_in_dim3A_215 : vector<16xi32>
      %and3A_217 = arith.andi %ge3A_213, %lt3A_216 : vector<16xi1>
      %broadcast_in_dim3A_218 = arith.constant 12544 : i32
      %broadcast_in_dim3A_219 = vector.broadcast %broadcast_in_dim3A_218 : i32 to vector<16xi32>
      %select_n3A_220 = arith.select %and3A_217, %sub3A_210, %broadcast_in_dim3A_219 : vector<16xi1>, vector<16xi32>
      %swap3A_221 = arith.constant 112 : index
      %swap3A_222 = tpu.vector_load %arg9[%swap3A_221] {strides = array<i32>} : memref<128xi32, #tpu.memory_space<vmem>>, vector<16xi32>,
      %swap3A_223 = vector.shape_cast %swap3A_222 : vector<16xi32> to vector<16xi32>
      %swap3A_224 = vector.shape_cast %select_n3A_220 : vector<16xi32> to vector<16xi32>
      tpu.vector_store %arg9[%swap3A_221], %swap3A_224 {strides = array<i32>} : memref<128xi32, #tpu.memory_space<vmem>>, vector<16xi32>,
      %dma_start3A = arith.constant 0 : i32
      %dma_start3A_225 = arith.constant 0 : i32
      %dma_start3A_226 = tpu.memref_slice %arg2[%dma_start3A, %dma_start3A_225] : memref<50176x128xf32, #tpu.memory_space<hbm>> -> memref<50176x128xf32, #tpu.memory_space<hbm>>
      tpu.enqueue_indirect_dma source(%dma_start3A_226 : memref<50176x128xf32, #tpu.memory_space<hbm>>) target(%arg10 : memref<128x128xf32, #tpu.memory_space<vmem>>) offsets(%arg7 : memref<128xi32, #tpu.memory_space<vmem>>) semaphore(%arg12 : memref<!tpu.dma_semaphore, #tpu.memory_space<semaphore_mem>>)
      %dma_wait3A = arith.constant 0 : i32
      %dma_wait3A_227 = arith.constant 0 : i32
      %dma_wait3A_228 = tpu.memref_slice %arg2[%dma_wait3A, %dma_wait3A_227] : memref<50176x128xf32, #tpu.memory_space<hbm>> -> memref<50176x128xf32, #tpu.memory_space<hbm>>
      tpu.wait_indirect_dma semaphore(%arg12 : memref<!tpu.dma_semaphore, #tpu.memory_space<semaphore_mem>>) src(%dma_wait3A_228 : memref<50176x128xf32, #tpu.memory_space<hbm>>) dst(%arg10 : memref<128x128xf32, #tpu.memory_space<vmem>>)
      "tpu.region"() ({
        %run_scoped3A = tpu.sem_alloc : memref<!tpu.dma_semaphore, #tpu.memory_space<semaphore_mem>>
        %dma_start3A_229 = arith.constant 0 : i32
        %dma_start3A_230 = arith.constant 0 : i32
        %dma_start3A_231 = tpu.memref_slice %arg11[%dma_start3A_229, %dma_start3A_230] : memref<12672x128xf32, #tpu.memory_space<vmem_shared>> -> memref<12672x128xf32, #tpu.memory_space<vmem_shared>>
        tpu.enqueue_indirect_dma source(%arg10 : memref<128x128xf32, #tpu.memory_space<vmem>>) target(%dma_start3A_231 : memref<12672x128xf32, #tpu.memory_space<vmem_shared>>) offsets(%arg9 : memref<128xi32, #tpu.memory_space<vmem>>) semaphore(%run_scoped3A : memref<!tpu.dma_semaphore, #tpu.memory_space<semaphore_mem>>) {add = true}
        %dma_wait3A_232 = arith.constant 0 : i32
        %dma_wait3A_233 = arith.constant 0 : i32
        %dma_wait3A_234 = tpu.memref_slice %arg11[%dma_wait3A_232, %dma_wait3A_233] : memref<12672x128xf32, #tpu.memory_space<vmem_shared>> -> memref<12672x128xf32, #tpu.memory_space<vmem_shared>>
        tpu.wait_indirect_dma semaphore(%run_scoped3A : memref<!tpu.dma_semaphore, #tpu.memory_space<semaphore_mem>>) src(%arg10 : memref<128x128xf32, #tpu.memory_space<vmem>>) dst(%dma_wait3A_234 : memref<12672x128xf32, #tpu.memory_space<vmem_shared>>)
        tpu.yield
      }) : () -> ()
    }
    %scan3A_60 = arith.constant 196 : i32
    %barrier3A_61 = arith.constant 0 : index
    tpu.barrier barrier_id(%barrier3A_61)
    %mul3A_62 = arith.constant 784 : i32
    %mul3A_63 = arith.muli %arg1, %mul3A_62 : i32
    %mul3A_64 = arith.constant 784 : i32
    %mul3A_65 = arith.muli %arg1, %mul3A_64 : i32
    %add3A_66 = arith.constant 37632 : i32
    %add3A_67 = arith.addi %add3A_66, %mul3A_65 : i32
    "tpu.region"() ({
      %run_scoped3A = tpu.sem_alloc : memref<!tpu.dma_semaphore, #tpu.memory_space<semaphore_mem>>
      %dma_start3A = arith.constant 0 : i32
      %dma_start3A_69 = tpu.memref_slice %arg6[%arg0, %add3A_67, %dma_start3A] : memref<2x50176x128xf32, #tpu.memory_space<hbm>> -> memref<1x784x128xf32, #tpu.memory_space<hbm>>
      %dma_start3A_70 = tpu.memref_squeeze %dma_start3A_69 : memref<1x784x128xf32, #tpu.memory_space<hbm>> -> memref<784x128xf32, #tpu.memory_space<hbm>>
      %dma_start3A_71 = arith.constant 0 : i32
      %dma_start3A_72 = tpu.memref_slice %arg11[%mul3A_63, %dma_start3A_71] : memref<12672x128xf32, #tpu.memory_space<vmem_shared>> -> memref<784x128xf32, #tpu.memory_space<vmem_shared>>
      tpu.enqueue_dma source(%dma_start3A_72 : memref<784x128xf32, #tpu.memory_space<vmem_shared>>) target(%dma_start3A_70 : memref<784x128xf32, #tpu.memory_space<hbm>>) target_semaphore(%run_scoped3A : memref<!tpu.dma_semaphore, #tpu.memory_space<semaphore_mem>>)
      %dma_wait3A = arith.constant 0 : i32
      %dma_wait3A_73 = tpu.memref_slice %arg6[%arg0, %add3A_67, %dma_wait3A] : memref<2x50176x128xf32, #tpu.memory_space<hbm>> -> memref<1x784x128xf32, #tpu.memory_space<hbm>>
      %dma_wait3A_74 = tpu.memref_squeeze %dma_wait3A_73 : memref<1x784x128xf32, #tpu.memory_space<hbm>> -> memref<784x128xf32, #tpu.memory_space<hbm>>
      %dma_wait3A_75 = arith.constant 0 : i32
      %dma_wait3A_76 = tpu.memref_slice %arg11[%mul3A_63, %dma_wait3A_75] : memref<12672x128xf32, #tpu.memory_space<vmem_shared>> -> memref<784x128xf32, #tpu.memory_space<vmem_shared>>
      tpu.wait_dma2 semaphore(%run_scoped3A : memref<!tpu.dma_semaphore, #tpu.memory_space<semaphore_mem>>) src(%dma_wait3A_76 : memref<784x128xf32, #tpu.memory_space<vmem_shared>>) dst(%dma_wait3A_74 : memref<784x128xf32, #tpu.memory_space<hbm>>)
      tpu.yield
    }) : () -> ()
    %barrier3A_68 = arith.constant 0 : index
    tpu.barrier barrier_id(%barrier3A_68)
    return
  }
}

module attributes {stable_mosaic.version = 14 : i64} {
  func.func @_mlp_body(%arg0: i32, %arg1: memref<2048x128xf32, #tpu.memory_space<vmem>>, %arg2: memref<2048x128xf32, #tpu.memory_space<vmem>>, %arg3: memref<2048x128xf32, #tpu.memory_space<vmem>>, %arg4: memref<128x128xf32, #tpu.memory_space<vmem>>, %arg5: memref<8x128xf32, #tpu.memory_space<vmem>>, %arg6: memref<2048x128xf32, #tpu.memory_space<vmem>>) attributes {dimension_semantics = [#tpu.dimension_semantics<arbitrary>], iteration_bounds = array<i64: 25>, scalar_prefetch = 0 : i64, scratch_operands = 0 : i64, tpu.core_type = #tpu.core_type<tc>, window_params = [{transform_indices = @transform_0, window_bounds = array<i64: 2048, 128>}, {transform_indices = @transform_1, window_bounds = array<i64: 2048, 128>}, {transform_indices = @transform_2, window_bounds = array<i64: 2048, 128>}, {pipeline_mode = #tpu.pipeline_mode<synchronous>, transform_indices = @transform_3, window_bounds = array<i64: 128, 128>}, {pipeline_mode = #tpu.pipeline_mode<synchronous>, transform_indices = @transform_4, window_bounds = array<i64: 8, 128>}, {transform_indices = @transform_5, window_bounds = array<i64: 2048, 128>}]} {
    %get3A = arith.constant 0 : index
    %get3A_0 = arith.constant 0 : index
    %get3A_1 = vector.load %arg1[%get3A, %get3A_0] : memref<2048x128xf32, #tpu.memory_space<vmem>>, vector<2048x128xf32>
    %get3A_2 = arith.constant 0 : index
    %get3A_3 = arith.constant 0 : index
    %get3A_4 = vector.load %arg2[%get3A_2, %get3A_3] : memref<2048x128xf32, #tpu.memory_space<vmem>>, vector<2048x128xf32>
    %add3A = arith.addf %get3A_1, %get3A_4 : vector<2048x128xf32>
    %get3A_5 = arith.constant 0 : index
    %get3A_6 = arith.constant 0 : index
    %get3A_7 = vector.load %arg3[%get3A_5, %get3A_6] : memref<2048x128xf32, #tpu.memory_space<vmem>>, vector<2048x128xf32>
    %add3A_8 = arith.addf %add3A, %get3A_7 : vector<2048x128xf32>
    %get3A_9 = arith.constant 0 : index
    %get3A_10 = arith.constant 0 : index
    %get3A_11 = vector.load %arg4[%get3A_9, %get3A_10] : memref<128x128xf32, #tpu.memory_space<vmem>>, vector<128x128xf32>
    %dot_general3A = arith.constant dense<0.000000e+00> : vector<2048x128xf32>
    %dot_general3A_12 = tpu.matmul %add3A_8, %get3A_11, %dot_general3A {dimension_numbers = #tpu.dot_dimension_numbers<[1], [0], [0], [1], [0, 0, 1, 1], [], []>, transpose_lhs_hint = false} : vector<2048x128xf32>, vector<128x128xf32>, vector<2048x128xf32> -> vector<2048x128xf32>
    %get3A_13 = arith.constant 0 : index
    %get3A_14 = arith.constant 0 : index
    %get3A_15 = vector.load %arg5[%get3A_13, %get3A_14] : memref<8x128xf32, #tpu.memory_space<vmem>>, vector<1x128xf32>
    %add3A_16 = vector.broadcast %get3A_15 : vector<1x128xf32> to vector<2048x128xf32>
    %add3A_17 = arith.addf %dot_general3A_12, %add3A_16 : vector<2048x128xf32>
    %max3A = arith.constant 0.000000e+00 : f32
    %max3A_18 = vector.broadcast %max3A : f32 to vector<2048x128xf32>
    %max3A_19 = arith.maximumf %add3A_17, %max3A_18 : vector<2048x128xf32>
    %swap3A = arith.constant 0 : index
    %swap3A_20 = arith.constant 0 : index
    %swap3A_21 = vector.load %arg6[%swap3A, %swap3A_20] : memref<2048x128xf32, #tpu.memory_space<vmem>>, vector<2048x128xf32>
    tpu.vector_store %arg6[%swap3A, %swap3A_20], %max3A_19 {strides = array<i32>} : memref<2048x128xf32, #tpu.memory_space<vmem>>, vector<2048x128xf32>,
    return
  }
  func.func @transform_0(%arg0: i32) -> (i32, i32) {
    %c0_i32 = arith.constant 0 : i32
    %c0_i32_0 = arith.constant 0 : i32
    return %arg0, %c0_i32 : i32, i32
  }
  func.func @transform_1(%arg0: i32) -> (i32, i32) {
    %c0_i32 = arith.constant 0 : i32
    %c0_i32_0 = arith.constant 0 : i32
    return %arg0, %c0_i32 : i32, i32
  }
  func.func @transform_2(%arg0: i32) -> (i32, i32) {
    %c0_i32 = arith.constant 0 : i32
    %c0_i32_0 = arith.constant 0 : i32
    return %arg0, %c0_i32 : i32, i32
  }
  func.func @transform_3(%arg0: i32) -> (i32, i32) {
    %c0_i32 = arith.constant 0 : i32
    %c0_i32_0 = arith.constant 0 : i32
    %c0_i32_1 = arith.constant 0 : i32
    return %c0_i32, %c0_i32_0 : i32, i32
  }
  func.func @transform_4(%arg0: i32) -> (i32, i32) {
    %c0_i32 = arith.constant 0 : i32
    %c0_i32_0 = arith.constant 0 : i32
    %c0_i32_1 = arith.constant 0 : i32
    return %c0_i32, %c0_i32_0 : i32, i32
  }
  func.func @transform_5(%arg0: i32) -> (i32, i32) {
    %c0_i32 = arith.constant 0 : i32
    %c0_i32_0 = arith.constant 0 : i32
    return %arg0, %c0_i32 : i32, i32
  }
}

module attributes {stable_mosaic.version = 14 : i64} {
  func.func @_mlp_body(%arg0: i32, %arg1: memref<2048x128xf32, #tpu.memory_space<vmem>>, %arg2: memref<2048x128xf32, #tpu.memory_space<vmem>>, %arg3: memref<2048x128xf32, #tpu.memory_space<vmem>>, %arg4: memref<128x896xf32, #tpu.memory_space<vmem>>, %arg5: memref<8x896xf32, #tpu.memory_space<vmem>>, %arg6: memref<2048x896xf32, #tpu.memory_space<vmem>>) attributes {dimension_semantics = [#tpu.dimension_semantics<arbitrary>], iteration_bounds = array<i64: 25>, scalar_prefetch = 0 : i64, scratch_operands = 0 : i64, tpu.core_type = #tpu.core_type<tc>, window_params = [{transform_indices = @transform_0, window_bounds = array<i64: 2048, 128>}, {transform_indices = @transform_1, window_bounds = array<i64: 2048, 128>}, {transform_indices = @transform_2, window_bounds = array<i64: 2048, 128>}, {pipeline_mode = #tpu.pipeline_mode<synchronous>, transform_indices = @transform_3, window_bounds = array<i64: 128, 896>}, {pipeline_mode = #tpu.pipeline_mode<synchronous>, transform_indices = @transform_4, window_bounds = array<i64: 8, 896>}, {transform_indices = @transform_5, window_bounds = array<i64: 2048, 896>}]} {
    %get3A = arith.constant 0 : index
    %get3A_0 = arith.constant 0 : index
    %get3A_1 = vector.load %arg1[%get3A, %get3A_0] : memref<2048x128xf32, #tpu.memory_space<vmem>>, vector<2048x128xf32>
    %get3A_2 = arith.constant 0 : index
    %get3A_3 = arith.constant 0 : index
    %get3A_4 = vector.load %arg2[%get3A_2, %get3A_3] : memref<2048x128xf32, #tpu.memory_space<vmem>>, vector<2048x128xf32>
    %add3A = arith.addf %get3A_1, %get3A_4 : vector<2048x128xf32>
    %get3A_5 = arith.constant 0 : index
    %get3A_6 = arith.constant 0 : index
    %get3A_7 = vector.load %arg3[%get3A_5, %get3A_6] : memref<2048x128xf32, #tpu.memory_space<vmem>>, vector<2048x128xf32>
    %add3A_8 = arith.addf %add3A, %get3A_7 : vector<2048x128xf32>
    %get3A_9 = arith.constant 0 : index
    %get3A_10 = arith.constant 0 : index
    %get3A_11 = vector.load %arg4[%get3A_9, %get3A_10] : memref<128x896xf32, #tpu.memory_space<vmem>>, vector<128x896xf32>
    %dot_general3A = arith.constant dense<0.000000e+00> : vector<2048x896xf32>
    %dot_general3A_12 = tpu.matmul %add3A_8, %get3A_11, %dot_general3A {dimension_numbers = #tpu.dot_dimension_numbers<[1], [0], [0], [1], [0, 0, 1, 1], [], []>, transpose_lhs_hint = false} : vector<2048x128xf32>, vector<128x896xf32>, vector<2048x896xf32> -> vector<2048x896xf32>
    %get3A_13 = arith.constant 0 : index
    %get3A_14 = arith.constant 0 : index
    %get3A_15 = vector.load %arg5[%get3A_13, %get3A_14] : memref<8x896xf32, #tpu.memory_space<vmem>>, vector<1x896xf32>
    %add3A_16 = vector.broadcast %get3A_15 : vector<1x896xf32> to vector<2048x896xf32>
    %add3A_17 = arith.addf %dot_general3A_12, %add3A_16 : vector<2048x896xf32>
    %max3A = arith.constant 0.000000e+00 : f32
    %max3A_18 = vector.broadcast %max3A : f32 to vector<2048x896xf32>
    %max3A_19 = arith.maximumf %add3A_17, %max3A_18 : vector<2048x896xf32>
    %swap3A = arith.constant 0 : index
    %swap3A_20 = arith.constant 0 : index
    %swap3A_21 = vector.load %arg6[%swap3A, %swap3A_20] : memref<2048x896xf32, #tpu.memory_space<vmem>>, vector<2048x896xf32>
    tpu.vector_store %arg6[%swap3A, %swap3A_20], %max3A_19 {strides = array<i32>} : memref<2048x896xf32, #tpu.memory_space<vmem>>, vector<2048x896xf32>,
    return
  }
  func.func @transform_0(%arg0: i32) -> (i32, i32) {
    %c0_i32 = arith.constant 0 : i32
    %c0_i32_0 = arith.constant 0 : i32
    return %arg0, %c0_i32 : i32, i32
  }
  func.func @transform_1(%arg0: i32) -> (i32, i32) {
    %c0_i32 = arith.constant 0 : i32
    %c0_i32_0 = arith.constant 0 : i32
    return %arg0, %c0_i32 : i32, i32
  }
  func.func @transform_2(%arg0: i32) -> (i32, i32) {
    %c0_i32 = arith.constant 0 : i32
    %c0_i32_0 = arith.constant 0 : i32
    return %arg0, %c0_i32 : i32, i32
  }
  func.func @transform_3(%arg0: i32) -> (i32, i32) {
    %c0_i32 = arith.constant 0 : i32
    %c0_i32_0 = arith.constant 0 : i32
    %c0_i32_1 = arith.constant 0 : i32
    return %c0_i32, %c0_i32_0 : i32, i32
  }
  func.func @transform_4(%arg0: i32) -> (i32, i32) {
    %c0_i32 = arith.constant 0 : i32
    %c0_i32_0 = arith.constant 0 : i32
    %c0_i32_1 = arith.constant 0 : i32
    return %c0_i32, %c0_i32_0 : i32, i32
  }
  func.func @transform_5(%arg0: i32) -> (i32, i32) {
    %c0_i32 = arith.constant 0 : i32
    %c0_i32_0 = arith.constant 0 : i32
    return %arg0, %c0_i32 : i32, i32
  }
}

module attributes {stable_mosaic.version = 14 : i64} {
  func.func @_pool_body(%arg0: i32, %arg1: memref<1x1x2048xi32, #tpu.memory_space<vmem>>, %arg2: memref<1x1x2048xi32, #tpu.memory_space<smem>>, %arg3: memref<2048x896xf32, #tpu.memory_space<vmem>>, %arg4: memref<520x896xf32, #tpu.memory_space<vmem>>, %arg5: memref<520x896xf32, #tpu.memory_space<vmem>>, %arg6: memref<520x128xf32, #tpu.memory_space<vmem>>) attributes {dimension_semantics = [#tpu.dimension_semantics<arbitrary>], iteration_bounds = array<i64: 25>, scalar_prefetch = 0 : i64, scratch_operands = 0 : i64, tpu.core_type = #tpu.core_type<tc>, window_params = [{transform_indices = @transform_0, window_bounds = array<i64: 1, 1, 2048>}, {transform_indices = @transform_1, window_bounds = array<i64: 1, 1, 2048>}, {transform_indices = @transform_2, window_bounds = array<i64: 2048, 896>}, {pipeline_mode = #tpu.pipeline_mode<synchronous>, transform_indices = @transform_3, window_bounds = array<i64: 520, 896>}, {pipeline_mode = #tpu.pipeline_mode<synchronous>, transform_indices = @transform_4, window_bounds = array<i64: 520, 896>}, {pipeline_mode = #tpu.pipeline_mode<synchronous>, transform_indices = @transform_5, window_bounds = array<i64: 520, 128>}]} {
    %eq3A = arith.constant 0 : i32
    %eq3A_0 = arith.cmpi eq, %arg0, %eq3A : i32
    %convert_element_type3A = arith.extui %eq3A_0 : i1 to i32
    %cond3A = arith.constant 0 : i32
    %cond3A_1 = arith.cmpi ne, %convert_element_type3A, %cond3A : i32
    scf.if %cond3A_1 {
      %broadcast_in_dim3A_35 = arith.constant 0xFF800000 : f32
      %broadcast_in_dim3A_36 = vector.broadcast %broadcast_in_dim3A_35 : f32 to vector<520x896xf32>
      %swap3A_37 = arith.constant 0 : index
      %swap3A_38 = arith.constant 0 : index
      %swap3A_39 = vector.load %arg4[%swap3A_37, %swap3A_38] : memref<520x896xf32, #tpu.memory_space<vmem>>, vector<520x896xf32>
      tpu.vector_store %arg4[%swap3A_37, %swap3A_38], %broadcast_in_dim3A_36 {strides = array<i32>} : memref<520x896xf32, #tpu.memory_space<vmem>>, vector<520x896xf32>,
      %broadcast_in_dim3A_40 = arith.constant 0.000000e+00 : f32
      %broadcast_in_dim3A_41 = vector.broadcast %broadcast_in_dim3A_40 : f32 to vector<520x896xf32>
      %swap3A_42 = arith.constant 0 : index
      %swap3A_43 = arith.constant 0 : index
      %swap3A_44 = vector.load %arg5[%swap3A_42, %swap3A_43] : memref<520x896xf32, #tpu.memory_space<vmem>>, vector<520x896xf32>
      tpu.vector_store %arg5[%swap3A_42, %swap3A_43], %broadcast_in_dim3A_41 {strides = array<i32>} : memref<520x896xf32, #tpu.memory_space<vmem>>, vector<520x896xf32>,
      %broadcast_in_dim3A_45 = arith.constant 0.000000e+00 : f32
      %broadcast_in_dim3A_46 = vector.broadcast %broadcast_in_dim3A_45 : f32 to vector<520x128xf32>
      %swap3A_47 = arith.constant 0 : index
      %swap3A_48 = arith.constant 0 : index
      %swap3A_49 = vector.load %arg6[%swap3A_47, %swap3A_48] : memref<520x128xf32, #tpu.memory_space<vmem>>, vector<520x128xf32>
      tpu.vector_store %arg6[%swap3A_47, %swap3A_48], %broadcast_in_dim3A_46 {strides = array<i32>} : memref<520x128xf32, #tpu.memory_space<vmem>>, vector<520x128xf32>,
    } else {
    }
    %get3A = arith.constant 0 : index
    %get3A_2 = arith.constant 0 : index
    %get3A_3 = arith.constant 0 : index
    %get3A_4 = vector.load %arg1[%get3A, %get3A_2, %get3A_3] : memref<1x1x2048xi32, #tpu.memory_space<vmem>>, vector<1x1x2048xi32>
    %get3A_5 = vector.shape_cast %get3A_4 : vector<1x1x2048xi32> to vector<2048xi32>
    %iota3A = tpu.iota {dimensions = array<i32: 1>} : vector<2048x520xi32>
    %broadcast_in_dim3A = vector.shape_cast %get3A_5 : vector<2048xi32> to vector<2048x1xi32>
    %eq3A_6 = vector.broadcast %broadcast_in_dim3A : vector<2048x1xi32> to vector<2048x520xi32>
    %eq3A_7 = arith.cmpi eq, %eq3A_6, %iota3A : vector<2048x520xi32>
    %convert_element_type3A_8 = arith.extui %eq3A_7 : vector<2048x520xi1> to vector<2048x520xi32>
    %convert_element_type3A_9 = arith.sitofp %convert_element_type3A_8 : vector<2048x520xi32> to vector<2048x520xf32>
    %get3A_10 = arith.constant 0 : index
    %get3A_11 = arith.constant 0 : index
    %get3A_12 = vector.load %arg3[%get3A_10, %get3A_11] : memref<2048x896xf32, #tpu.memory_space<vmem>>, vector<2048x896xf32>
    %get3A_13 = arith.constant 0 : index
    %get3A_14 = arith.constant 0 : index
    %get3A_15 = vector.load %arg5[%get3A_13, %get3A_14] : memref<520x896xf32, #tpu.memory_space<vmem>>, vector<520x896xf32>
    %transpose3A = tpu.transpose %convert_element_type3A_9, [1, 0] : vector<2048x520xf32> -> vector<520x2048xf32>
    %dot_general3A = arith.constant dense<0.000000e+00> : vector<520x896xf32>
    %dot_general3A_16 = tpu.matmul %transpose3A, %get3A_12, %dot_general3A {dimension_numbers = #tpu.dot_dimension_numbers<[1], [0], [0], [1], [0, 0, 1, 1], [], []>, transpose_lhs_hint = false} : vector<520x2048xf32>, vector<2048x896xf32>, vector<520x896xf32> -> vector<520x896xf32>
    %add3A = arith.addf %get3A_15, %dot_general3A_16 : vector<520x896xf32>
    %swap3A = arith.constant 0 : index
    %swap3A_17 = arith.constant 0 : index
    %swap3A_18 = vector.load %arg5[%swap3A, %swap3A_17] : memref<520x896xf32, #tpu.memory_space<vmem>>, vector<520x896xf32>
    tpu.vector_store %arg5[%swap3A, %swap3A_17], %add3A {strides = array<i32>} : memref<520x896xf32, #tpu.memory_space<vmem>>, vector<520x896xf32>,
    %get3A_19 = arith.constant 0 : index
    %get3A_20 = arith.constant 0 : index
    %get3A_21 = vector.load %arg6[%get3A_19, %get3A_20] : memref<520x128xf32, #tpu.memory_space<vmem>>, vector<520x128xf32>
    %transpose3A_22 = tpu.transpose %convert_element_type3A_9, [1, 0] : vector<2048x520xf32> -> vector<520x2048xf32>
    %broadcast_in_dim3A_23 = arith.constant 1.000000e+00 : f32
    %broadcast_in_dim3A_24 = vector.broadcast %broadcast_in_dim3A_23 : f32 to vector<2048x128xf32>
    %dot_general3A_25 = arith.constant dense<0.000000e+00> : vector<520x128xf32>
    %dot_general3A_26 = tpu.matmul %transpose3A_22, %broadcast_in_dim3A_24, %dot_general3A_25 {dimension_numbers = #tpu.dot_dimension_numbers<[1], [0], [0], [1], [0, 0, 1, 1], [], []>, transpose_lhs_hint = false} : vector<520x2048xf32>, vector<2048x128xf32>, vector<520x128xf32> -> vector<520x128xf32>
    %add3A_27 = arith.addf %get3A_21, %dot_general3A_26 : vector<520x128xf32>
    %swap3A_28 = arith.constant 0 : index
    %swap3A_29 = arith.constant 0 : index
    %swap3A_30 = vector.load %arg6[%swap3A_28, %swap3A_29] : memref<520x128xf32, #tpu.memory_space<vmem>>, vector<520x128xf32>
    tpu.vector_store %arg6[%swap3A_28, %swap3A_29], %add3A_27 {strides = array<i32>} : memref<520x128xf32, #tpu.memory_space<vmem>>, vector<520x128xf32>,
    %scan3A = arith.constant 0 : i32
    %scan3A_31 = arith.constant 2048 : i32
    %scan3A_32 = arith.addi %scan3A, %scan3A_31 : i32
    %scan3A_33 = arith.constant 8 : i32
    scf.for %scan3A_35 = %scan3A to %scan3A_32 step %scan3A_33  : i32 {
      %get3A_36 = arith.constant 0 : index
      %get3A_37 = arith.constant 0 : index
      %get3A_38 = arith.index_cast %scan3A_35 : i32 to index
      %get3A_39 = memref.load %arg2[%get3A_36, %get3A_37, %get3A_38] : memref<1x1x2048xi32, #tpu.memory_space<smem>>
      %get3A_40 = arith.index_cast %get3A_39 : i32 to index
      %get3A_41 = arith.constant 0 : index
      %get3A_42 = vector.load %arg4[%get3A_40, %get3A_41] : memref<520x896xf32, #tpu.memory_space<vmem>>, vector<1x896xf32>
      %get3A_43 = arith.index_cast %scan3A_35 : i32 to index
      %get3A_44 = arith.constant 0 : index
      %get3A_45 = vector.load %arg3[%get3A_43, %get3A_44] : memref<2048x896xf32, #tpu.memory_space<vmem>>, vector<1x896xf32>
      %max3A = arith.maximumf %get3A_42, %get3A_45 : vector<1x896xf32>
      %swap3A_46 = arith.index_cast %get3A_39 : i32 to index
      %swap3A_47 = arith.constant 0 : index
      %swap3A_48 = vector.load %arg4[%swap3A_46, %swap3A_47] : memref<520x896xf32, #tpu.memory_space<vmem>>, vector<1x896xf32>
      tpu.vector_store %arg4[%swap3A_46, %swap3A_47], %max3A {strides = array<i32>} : memref<520x896xf32, #tpu.memory_space<vmem>>, vector<1x896xf32>,
      %scan3A_49 = arith.constant 1 : i32
      %scan3A_50 = arith.addi %scan3A_35, %scan3A_49 : i32
      %get3A_51 = arith.constant 0 : index
      %get3A_52 = arith.constant 0 : index
      %get3A_53 = arith.index_cast %scan3A_50 : i32 to index
      %get3A_54 = memref.load %arg2[%get3A_51, %get3A_52, %get3A_53] : memref<1x1x2048xi32, #tpu.memory_space<smem>>
      %get3A_55 = arith.index_cast %get3A_54 : i32 to index
      %get3A_56 = arith.constant 0 : index
      %get3A_57 = vector.load %arg4[%get3A_55, %get3A_56] : memref<520x896xf32, #tpu.memory_space<vmem>>, vector<1x896xf32>
      %get3A_58 = arith.index_cast %scan3A_50 : i32 to index
      %get3A_59 = arith.constant 0 : index
      %get3A_60 = vector.load %arg3[%get3A_58, %get3A_59] : memref<2048x896xf32, #tpu.memory_space<vmem>>, vector<1x896xf32>
      %max3A_61 = arith.maximumf %get3A_57, %get3A_60 : vector<1x896xf32>
      %swap3A_62 = arith.index_cast %get3A_54 : i32 to index
      %swap3A_63 = arith.constant 0 : index
      %swap3A_64 = vector.load %arg4[%swap3A_62, %swap3A_63] : memref<520x896xf32, #tpu.memory_space<vmem>>, vector<1x896xf32>
      tpu.vector_store %arg4[%swap3A_62, %swap3A_63], %max3A_61 {strides = array<i32>} : memref<520x896xf32, #tpu.memory_space<vmem>>, vector<1x896xf32>,
      %scan3A_65 = arith.constant 2 : i32
      %scan3A_66 = arith.addi %scan3A_35, %scan3A_65 : i32
      %get3A_67 = arith.constant 0 : index
      %get3A_68 = arith.constant 0 : index
      %get3A_69 = arith.index_cast %scan3A_66 : i32 to index
      %get3A_70 = memref.load %arg2[%get3A_67, %get3A_68, %get3A_69] : memref<1x1x2048xi32, #tpu.memory_space<smem>>
      %get3A_71 = arith.index_cast %get3A_70 : i32 to index
      %get3A_72 = arith.constant 0 : index
      %get3A_73 = vector.load %arg4[%get3A_71, %get3A_72] : memref<520x896xf32, #tpu.memory_space<vmem>>, vector<1x896xf32>
      %get3A_74 = arith.index_cast %scan3A_66 : i32 to index
      %get3A_75 = arith.constant 0 : index
      %get3A_76 = vector.load %arg3[%get3A_74, %get3A_75] : memref<2048x896xf32, #tpu.memory_space<vmem>>, vector<1x896xf32>
      %max3A_77 = arith.maximumf %get3A_73, %get3A_76 : vector<1x896xf32>
      %swap3A_78 = arith.index_cast %get3A_70 : i32 to index
      %swap3A_79 = arith.constant 0 : index
      %swap3A_80 = vector.load %arg4[%swap3A_78, %swap3A_79] : memref<520x896xf32, #tpu.memory_space<vmem>>, vector<1x896xf32>
      tpu.vector_store %arg4[%swap3A_78, %swap3A_79], %max3A_77 {strides = array<i32>} : memref<520x896xf32, #tpu.memory_space<vmem>>, vector<1x896xf32>,
      %scan3A_81 = arith.constant 3 : i32
      %scan3A_82 = arith.addi %scan3A_35, %scan3A_81 : i32
      %get3A_83 = arith.constant 0 : index
      %get3A_84 = arith.constant 0 : index
      %get3A_85 = arith.index_cast %scan3A_82 : i32 to index
      %get3A_86 = memref.load %arg2[%get3A_83, %get3A_84, %get3A_85] : memref<1x1x2048xi32, #tpu.memory_space<smem>>
      %get3A_87 = arith.index_cast %get3A_86 : i32 to index
      %get3A_88 = arith.constant 0 : index
      %get3A_89 = vector.load %arg4[%get3A_87, %get3A_88] : memref<520x896xf32, #tpu.memory_space<vmem>>, vector<1x896xf32>
      %get3A_90 = arith.index_cast %scan3A_82 : i32 to index
      %get3A_91 = arith.constant 0 : index
      %get3A_92 = vector.load %arg3[%get3A_90, %get3A_91] : memref<2048x896xf32, #tpu.memory_space<vmem>>, vector<1x896xf32>
      %max3A_93 = arith.maximumf %get3A_89, %get3A_92 : vector<1x896xf32>
      %swap3A_94 = arith.index_cast %get3A_86 : i32 to index
      %swap3A_95 = arith.constant 0 : index
      %swap3A_96 = vector.load %arg4[%swap3A_94, %swap3A_95] : memref<520x896xf32, #tpu.memory_space<vmem>>, vector<1x896xf32>
      tpu.vector_store %arg4[%swap3A_94, %swap3A_95], %max3A_93 {strides = array<i32>} : memref<520x896xf32, #tpu.memory_space<vmem>>, vector<1x896xf32>,
      %scan3A_97 = arith.constant 4 : i32
      %scan3A_98 = arith.addi %scan3A_35, %scan3A_97 : i32
      %get3A_99 = arith.constant 0 : index
      %get3A_100 = arith.constant 0 : index
      %get3A_101 = arith.index_cast %scan3A_98 : i32 to index
      %get3A_102 = memref.load %arg2[%get3A_99, %get3A_100, %get3A_101] : memref<1x1x2048xi32, #tpu.memory_space<smem>>
      %get3A_103 = arith.index_cast %get3A_102 : i32 to index
      %get3A_104 = arith.constant 0 : index
      %get3A_105 = vector.load %arg4[%get3A_103, %get3A_104] : memref<520x896xf32, #tpu.memory_space<vmem>>, vector<1x896xf32>
      %get3A_106 = arith.index_cast %scan3A_98 : i32 to index
      %get3A_107 = arith.constant 0 : index
      %get3A_108 = vector.load %arg3[%get3A_106, %get3A_107] : memref<2048x896xf32, #tpu.memory_space<vmem>>, vector<1x896xf32>
      %max3A_109 = arith.maximumf %get3A_105, %get3A_108 : vector<1x896xf32>
      %swap3A_110 = arith.index_cast %get3A_102 : i32 to index
      %swap3A_111 = arith.constant 0 : index
      %swap3A_112 = vector.load %arg4[%swap3A_110, %swap3A_111] : memref<520x896xf32, #tpu.memory_space<vmem>>, vector<1x896xf32>
      tpu.vector_store %arg4[%swap3A_110, %swap3A_111], %max3A_109 {strides = array<i32>} : memref<520x896xf32, #tpu.memory_space<vmem>>, vector<1x896xf32>,
      %scan3A_113 = arith.constant 5 : i32
      %scan3A_114 = arith.addi %scan3A_35, %scan3A_113 : i32
      %get3A_115 = arith.constant 0 : index
      %get3A_116 = arith.constant 0 : index
      %get3A_117 = arith.index_cast %scan3A_114 : i32 to index
      %get3A_118 = memref.load %arg2[%get3A_115, %get3A_116, %get3A_117] : memref<1x1x2048xi32, #tpu.memory_space<smem>>
      %get3A_119 = arith.index_cast %get3A_118 : i32 to index
      %get3A_120 = arith.constant 0 : index
      %get3A_121 = vector.load %arg4[%get3A_119, %get3A_120] : memref<520x896xf32, #tpu.memory_space<vmem>>, vector<1x896xf32>
      %get3A_122 = arith.index_cast %scan3A_114 : i32 to index
      %get3A_123 = arith.constant 0 : index
      %get3A_124 = vector.load %arg3[%get3A_122, %get3A_123] : memref<2048x896xf32, #tpu.memory_space<vmem>>, vector<1x896xf32>
      %max3A_125 = arith.maximumf %get3A_121, %get3A_124 : vector<1x896xf32>
      %swap3A_126 = arith.index_cast %get3A_118 : i32 to index
      %swap3A_127 = arith.constant 0 : index
      %swap3A_128 = vector.load %arg4[%swap3A_126, %swap3A_127] : memref<520x896xf32, #tpu.memory_space<vmem>>, vector<1x896xf32>
      tpu.vector_store %arg4[%swap3A_126, %swap3A_127], %max3A_125 {strides = array<i32>} : memref<520x896xf32, #tpu.memory_space<vmem>>, vector<1x896xf32>,
      %scan3A_129 = arith.constant 6 : i32
      %scan3A_130 = arith.addi %scan3A_35, %scan3A_129 : i32
      %get3A_131 = arith.constant 0 : index
      %get3A_132 = arith.constant 0 : index
      %get3A_133 = arith.index_cast %scan3A_130 : i32 to index
      %get3A_134 = memref.load %arg2[%get3A_131, %get3A_132, %get3A_133] : memref<1x1x2048xi32, #tpu.memory_space<smem>>
      %get3A_135 = arith.index_cast %get3A_134 : i32 to index
      %get3A_136 = arith.constant 0 : index
      %get3A_137 = vector.load %arg4[%get3A_135, %get3A_136] : memref<520x896xf32, #tpu.memory_space<vmem>>, vector<1x896xf32>
      %get3A_138 = arith.index_cast %scan3A_130 : i32 to index
      %get3A_139 = arith.constant 0 : index
      %get3A_140 = vector.load %arg3[%get3A_138, %get3A_139] : memref<2048x896xf32, #tpu.memory_space<vmem>>, vector<1x896xf32>
      %max3A_141 = arith.maximumf %get3A_137, %get3A_140 : vector<1x896xf32>
      %swap3A_142 = arith.index_cast %get3A_134 : i32 to index
      %swap3A_143 = arith.constant 0 : index
      %swap3A_144 = vector.load %arg4[%swap3A_142, %swap3A_143] : memref<520x896xf32, #tpu.memory_space<vmem>>, vector<1x896xf32>
      tpu.vector_store %arg4[%swap3A_142, %swap3A_143], %max3A_141 {strides = array<i32>} : memref<520x896xf32, #tpu.memory_space<vmem>>, vector<1x896xf32>,
      %scan3A_145 = arith.constant 7 : i32
      %scan3A_146 = arith.addi %scan3A_35, %scan3A_145 : i32
      %get3A_147 = arith.constant 0 : index
      %get3A_148 = arith.constant 0 : index
      %get3A_149 = arith.index_cast %scan3A_146 : i32 to index
      %get3A_150 = memref.load %arg2[%get3A_147, %get3A_148, %get3A_149] : memref<1x1x2048xi32, #tpu.memory_space<smem>>
      %get3A_151 = arith.index_cast %get3A_150 : i32 to index
      %get3A_152 = arith.constant 0 : index
      %get3A_153 = vector.load %arg4[%get3A_151, %get3A_152] : memref<520x896xf32, #tpu.memory_space<vmem>>, vector<1x896xf32>
      %get3A_154 = arith.index_cast %scan3A_146 : i32 to index
      %get3A_155 = arith.constant 0 : index
      %get3A_156 = vector.load %arg3[%get3A_154, %get3A_155] : memref<2048x896xf32, #tpu.memory_space<vmem>>, vector<1x896xf32>
      %max3A_157 = arith.maximumf %get3A_153, %get3A_156 : vector<1x896xf32>
      %swap3A_158 = arith.index_cast %get3A_150 : i32 to index
      %swap3A_159 = arith.constant 0 : index
      %swap3A_160 = vector.load %arg4[%swap3A_158, %swap3A_159] : memref<520x896xf32, #tpu.memory_space<vmem>>, vector<1x896xf32>
      tpu.vector_store %arg4[%swap3A_158, %swap3A_159], %max3A_157 {strides = array<i32>} : memref<520x896xf32, #tpu.memory_space<vmem>>, vector<1x896xf32>,
    }
    %scan3A_34 = arith.constant 2048 : i32
    return
  }
  func.func @transform_0(%arg0: i32) -> (i32, i32, i32) {
    %c0_i32 = arith.constant 0 : i32
    %c0_i32_0 = arith.constant 0 : i32
    %c0_i32_1 = arith.constant 0 : i32
    return %arg0, %c0_i32, %c0_i32_0 : i32, i32, i32
  }
  func.func @transform_1(%arg0: i32) -> (i32, i32, i32) {
    %c0_i32 = arith.constant 0 : i32
    %c0_i32_0 = arith.constant 0 : i32
    %c0_i32_1 = arith.constant 0 : i32
    return %arg0, %c0_i32, %c0_i32_0 : i32, i32, i32
  }
  func.func @transform_2(%arg0: i32) -> (i32, i32) {
    %c0_i32 = arith.constant 0 : i32
    %c0_i32_0 = arith.constant 0 : i32
    return %arg0, %c0_i32 : i32, i32
  }
  func.func @transform_3(%arg0: i32) -> (i32, i32) {
    %c0_i32 = arith.constant 0 : i32
    %c0_i32_0 = arith.constant 0 : i32
    %c0_i32_1 = arith.constant 0 : i32
    return %c0_i32, %c0_i32_0 : i32, i32
  }
  func.func @transform_4(%arg0: i32) -> (i32, i32) {
    %c0_i32 = arith.constant 0 : i32
    %c0_i32_0 = arith.constant 0 : i32
    %c0_i32_1 = arith.constant 0 : i32
    return %c0_i32, %c0_i32_0 : i32, i32
  }
  func.func @transform_5(%arg0: i32) -> (i32, i32) {
    %c0_i32 = arith.constant 0 : i32
    %c0_i32_0 = arith.constant 0 : i32
    %c0_i32_1 = arith.constant 0 : i32
    return %c0_i32, %c0_i32_0 : i32, i32
  }
}

module attributes {stable_mosaic.version = 14 : i64} {
  func.func @_fc_body(%arg0: memref<520x896xf32, #tpu.memory_space<vmem>>, %arg1: memref<520x896xf32, #tpu.memory_space<vmem>>, %arg2: memref<520x128xf32, #tpu.memory_space<vmem>>, %arg3: memref<1792x1024xf32, #tpu.memory_space<vmem>>, %arg4: memref<8x1024xf32, #tpu.memory_space<vmem>>, %arg5: memref<1024x384xf32, #tpu.memory_space<vmem>>, %arg6: memref<8x384xf32, #tpu.memory_space<vmem>>, %arg7: memref<512x384xf32, #tpu.memory_space<vmem>>) attributes {dimension_semantics = [], scalar_prefetch = 0 : i64, scratch_operands = 0 : i64, tpu.core_type = #tpu.core_type<tc>} {
    %get3A = arith.constant 0 : index
    %get3A_0 = arith.constant 0 : index
    %get3A_1 = vector.load %arg0[%get3A, %get3A_0] : memref<520x896xf32, #tpu.memory_space<vmem>>, vector<512x896xf32>
    %gt3A = arith.constant -1.000000e+30 : f32
    %gt3A_2 = vector.broadcast %gt3A : f32 to vector<512x896xf32>
    %gt3A_3 = arith.cmpf ogt, %get3A_1, %gt3A_2 : vector<512x896xf32>
    %jit3A = arith.constant 0.000000e+00 : f32
    %broadcast_in_dim3A = vector.broadcast %jit3A : f32 to vector<512x896xf32>
    %select_n3A = arith.select %gt3A_3, %get3A_1, %broadcast_in_dim3A : vector<512x896xi1>, vector<512x896xf32>
    %get3A_4 = arith.constant 0 : index
    %get3A_5 = arith.constant 0 : index
    %get3A_6 = vector.load %arg2[%get3A_4, %get3A_5] : memref<520x128xf32, #tpu.memory_space<vmem>>, vector<512x1xf32>
    %max3A = arith.constant 1.000000e+00 : f32
    %max3A_7 = vector.broadcast %max3A : f32 to vector<512x1xf32>
    %max3A_8 = arith.maximumf %get3A_6, %max3A_7 : vector<512x1xf32>
    %get3A_9 = arith.constant 0 : index
    %get3A_10 = arith.constant 0 : index
    %get3A_11 = vector.load %arg1[%get3A_9, %get3A_10] : memref<520x896xf32, #tpu.memory_space<vmem>>, vector<512x896xf32>
    %div3A = vector.broadcast %max3A_8 : vector<512x1xf32> to vector<512x896xf32>
    %div3A_12 = arith.divf %get3A_11, %div3A : vector<512x896xf32>
    %concatenate3A = tpu.concatenate %select_n3A, %div3A_12 in 1 : vector<512x896xf32>, vector<512x896xf32> -> vector<512x1792xf32>
    %get3A_13 = arith.constant 0 : index
    %get3A_14 = arith.constant 0 : index
    %get3A_15 = vector.load %arg3[%get3A_13, %get3A_14] : memref<1792x1024xf32, #tpu.memory_space<vmem>>, vector<1792x1024xf32>
    %dot_general3A = arith.constant dense<0.000000e+00> : vector<512x1024xf32>
    %dot_general3A_16 = tpu.matmul %concatenate3A, %get3A_15, %dot_general3A {dimension_numbers = #tpu.dot_dimension_numbers<[1], [0], [0], [1], [0, 0, 1, 1], [], []>, transpose_lhs_hint = false} : vector<512x1792xf32>, vector<1792x1024xf32>, vector<512x1024xf32> -> vector<512x1024xf32>
    %get3A_17 = arith.constant 0 : index
    %get3A_18 = arith.constant 0 : index
    %get3A_19 = vector.load %arg4[%get3A_17, %get3A_18] : memref<8x1024xf32, #tpu.memory_space<vmem>>, vector<1x1024xf32>
    %add3A = vector.broadcast %get3A_19 : vector<1x1024xf32> to vector<512x1024xf32>
    %add3A_20 = arith.addf %dot_general3A_16, %add3A : vector<512x1024xf32>
    %max3A_21 = arith.constant 0.000000e+00 : f32
    %max3A_22 = vector.broadcast %max3A_21 : f32 to vector<512x1024xf32>
    %max3A_23 = arith.maximumf %add3A_20, %max3A_22 : vector<512x1024xf32>
    %get3A_24 = arith.constant 0 : index
    %get3A_25 = arith.constant 0 : index
    %get3A_26 = vector.load %arg5[%get3A_24, %get3A_25] : memref<1024x384xf32, #tpu.memory_space<vmem>>, vector<1024x384xf32>
    %dot_general3A_27 = arith.constant dense<0.000000e+00> : vector<512x384xf32>
    %dot_general3A_28 = tpu.matmul %max3A_23, %get3A_26, %dot_general3A_27 {dimension_numbers = #tpu.dot_dimension_numbers<[1], [0], [0], [1], [0, 0, 1, 1], [], []>, transpose_lhs_hint = false} : vector<512x1024xf32>, vector<1024x384xf32>, vector<512x384xf32> -> vector<512x384xf32>
    %get3A_29 = arith.constant 0 : index
    %get3A_30 = arith.constant 0 : index
    %get3A_31 = vector.load %arg6[%get3A_29, %get3A_30] : memref<8x384xf32, #tpu.memory_space<vmem>>, vector<1x384xf32>
    %add3A_32 = vector.broadcast %get3A_31 : vector<1x384xf32> to vector<512x384xf32>
    %add3A_33 = arith.addf %dot_general3A_28, %add3A_32 : vector<512x384xf32>
    %swap3A = arith.constant 0 : index
    %swap3A_34 = arith.constant 0 : index
    %swap3A_35 = vector.load %arg7[%swap3A, %swap3A_34] : memref<512x384xf32, #tpu.memory_space<vmem>>, vector<512x384xf32>
    tpu.vector_store %arg7[%swap3A, %swap3A_34], %add3A_33 {strides = array<i32>} : memref<512x384xf32, #tpu.memory_space<vmem>>, vector<512x384xf32>,
    return
  }
}

</mosaic_0001>

<sc_bundles>
// kernel: kernel.11.cloned.1.call-start
scs
__scs_entry_jumppad:
0x0: {  	(pc) =	sbr.rel $0x88, $3  }
0x1: {  	(tag) =	ssettag $0x0;
	lr =	simm.s32 $0x1  }
0x2: {  	[smem:$0x3F96] =	sst lr;
	_ =	strace $0xD0000000  }
0x3: {  	_ = 	snop  }
0x4: {  	_ = 	snop  }
0x5: {  	_ = 	snop  }
0x6: {  	_ = 	snop  }
0x7: {  	_ = 	snop  }
__scs_overlays_trampoline_lowered:
0x8: {  	[smem:$0x3FA5] =	sst s0  }
0x9: {  	[smem:$0x3FA6] =	sst s1  }
0xa: {  	[smem:$0x3FA7] =	sst s2  }
0xb: {  	[smem:$0x3FA8] =	sst s3  }
0xc: {  	[smem:$0x3FA9] =	sst s4  }
0xd: {  	[smem:$0x3FAA] =	sst s5  }
0xe: {  	[smem:$0x3FAB] =	sst s6  }
0xf: {  	[smem:$0x3FAC] =	sst s7  }
0x10: {  	[smem:$0x3FAD] =	sst s8  }
0x11: {  	[smem:$0x3FAE] =	sst s9;
	s0 =	simm.s32 @!p0 $0x0  }
0x12: {  	s1 =	sld [smem:$0x3F94];
	s0 =	simm.s32 @p0 $0x1  }
0x13: {  	[smem:$0x3FAF] =	sst s0;
	s0 =	simm.s32 @!p1 $0x0  }
0x14: {  	s2 =	sld [smem:$0x3F93];
	s0 =	simm.s32 @p1 $0x1  }
0x15: {  	[smem:$0x3FB0] =	sst s0;
	s0 =	simm.s32 @!p2 $0x0  }
0x16: {  	s3 =	sld [smem:$0x3FDB];
	s0 =	simm.s32 @p2 $0x1  }
0x17: {  	s4 =	simm.s32 $0x1BF5;
	[smem:$0x3FB2] =	sst s0  }
0x18: {  	s0 =	sld [smem:$0x3F95];
	_ =	swait.ge [sflag:s4], $0x0  }
0x19: {  	s7 =	sld [smem:$0x3F96]  }
0x1a: {  	s8 =	sadd.s32 $0xFFFFE003, lr  }
0x1b: {  	s9 =	sadd.s32 $0xFFFFFEF7, lr;
	s5 =	simm.s32 $0xFFFFFFFF;
	p2 =	slt.u32 s8, $0xFFFFF086  }
0x1c: {  	p1 =	slt.u32 s9, $0xF7A;
	s5 =	simm.s32 @!p2 $0x0  }
0x1d: {  	s5 =	simm.s32 @p1 $0x1;
	p0 =	seq.s32 s7, s2  }
0x1e: {  	s7 =	smul.u32 @!p0 $0xF7A, s2;
	p2 =	seq.s32 @!p0 s5, $0x0  }
0x1f: {  	s9 =	smul.u32 $0xF7A, s1;
	s8 =	simm.s32 @!p0 $0x1BF5;
	p2 =	por !p2, p0  }
0x20: {  	[sflag:s8] =	ssyncset.s32 @!p0 $0xFFFFF086;
	s6 =	sadd.s32 @!p0 s3, s7;
	s7 =	simm.s32 @!p0 $0x108  }
0x21: {  	s3 =	sadd.s32 s3, s9;
	s6 =	sadd.s32 @!p0 $0x88, s6;
	s7 =	simm.s32 @p2 $0x1082  }
0x22: {  	[simem:s7], [sflag:s8] =	dma.local @!p0 [hbm:s6], $0xF7A  }
0x23: {  	s9 =	sor.u32 $0xD0000000, s2;
	s6 =	simm.s32 $0x108;
	_ =	swait.ge @!p0 [sflag:s8], $0x0  }
0x24: {  	s3 =	sadd.s32 $0x88, s3;
	s6 =	simm.s32 @!p1 $0x1082;
	[sflag:s4] =	ssyncset.s32 $0xFFFFF086  }
0x25: {  	[simem:s6], [sflag:s4] =	dma.local [hbm:s3], $0xF7A  }
0x26: {  	[smem:$0x3F96] =	sst s1;
	(tag) =	ssettag s2;
	_ =	strace s9  }
0x27: {  	s1 =	sld [smem:$0x3FA6]  }
0x28: {  	s2 =	sld [smem:$0x3FA7]  }
0x29: {  	s4 =	sld [smem:$0x3FA9]  }
0x2a: {  	p0 =	seq.s32 s5, $0x0;
	s5 =	sld [smem:$0x3FAA]  }
0x2b: {  	s6 =	sld [smem:$0x3FAB]  }
0x2c: {  	s7 =	sld [smem:$0x3FAC]  }
0x2d: {  	s3 =	simm.s32 $0x108;
	s8 =	sld [smem:$0x3FAD]  }
0x2e: {  	s3 =	simm.s32 @!p0 $0x1082;
	s9 =	sld [smem:$0x3FAE]  }
0x2f: {  	lr =	sadd.s32 s0, s3;
	s0 =	sld [smem:$0x3FA5]  }
0x30: {  	s3 =	sld [smem:$0x3FA8]  }
0x31: {  	[smem:$0x3FB1] =	sst s10  }
0x32: {  	s10 =	sld [smem:$0x3FAF];
	_ =	sdelay $0x3  }
0x33: {  	p0 =	seq.s32 s10, $0x1;
	s10 =	sld [smem:$0x3FB1];
	_ =	sdelay $0x3  }
0x34: {  	[smem:$0x3FB1] =	sst s10  }
0x35: {  	s10 =	sld [smem:$0x3FB0];
	_ =	sdelay $0x3  }
0x36: {  	p1 =	seq.s32 s10, $0x1;
	s10 =	sld [smem:$0x3FB1];
	_ =	sdelay $0x3  }
0x37: {  	[smem:$0x3FB1] =	sst s10  }
0x38: {  	s10 =	sld [smem:$0x3FB2]  }
0x39: {  	_ = 	snop;
	(pc) =	sbr.ind lr, $3  }
0x3a: {  	_ = 	snop  }
0x3b: {  	_ = 	snop  }
0x3c: {  	p2 =	seq.s32 s10, $0x1;
	s10 =	sld [smem:$0x3FB1]  }
0x3d: {  	_ =	shalt  }
0x3e: {  	_ =	shalt  }
0x3f: {  	_ =	shalt  }
0x40: {  	_ =	shalt  }
0x41: {  	_ =	shalt  }
0x42: {  	_ =	shalt  }
0x43: {  	_ =	shalt  }
0x44: {  	_ =	shalt  }
0x45: {  	_ =	shalt  }
0x46: {  	_ =	shalt  }
0x47: {  	_ =	shalt  }
0x48: {  	_ =	shalt  }
0x49: {  	_ =	shalt  }
0x4a: {  	_ =	shalt  }
0x4b: {  	_ =	shalt  }
0x4c: {  	_ =	shalt  }
0x4d: {  	_ =	shalt  }
0x4e: {  	_ =	shalt  }
0x4f: {  	_ =	shalt  }
0x50: {  	_ =	shalt  }
0x51: {  	_ =	shalt  }
0x52: {  	_ =	shalt  }
0x53: {  	_ =	shalt  }
0x54: {  	_ =	shalt  }
0x55: {  	_ =	shalt  }
0x56: {  	_ =	shalt  }
0x57: {  	_ =	shalt  }
0x58: {  	_ =	shalt  }
0x59: {  	_ =	shalt  }
0x5a: {  	_ =	shalt  }
0x5b: {  	_ =	shalt  }
0x5c: {  	_ =	shalt  }
0x5d: {  	_ =	shalt  }
0x5e: {  	_ =	shalt  }
0x5f: {  	_ =	shalt  }
0x60: {  	_ =	shalt  }
0x61: {  	_ =	shalt  }
0x62: {  	_ =	shalt  }
0x63: {  	_ =	shalt  }
0x64: {  	_ =	shalt  }
0x65: {  	_ =	shalt  }
0x66: {  	_ =	shalt  }
0x67: {  	_ =	shalt  }
0x68: {  	_ =	shalt  }
0x69: {  	_ =	shalt  }
0x6a: {  	_ =	shalt  }
0x6b: {  	_ =	shalt  }
0x6c: {  	_ =	shalt  }
0x6d: {  	_ =	shalt  }
0x6e: {  	_ =	shalt  }
0x6f: {  	_ =	shalt  }
0x70: {  	_ =	shalt  }
0x71: {  	_ =	shalt  }
0x72: {  	_ =	shalt  }
0x73: {  	_ =	shalt  }
0x74: {  	_ =	shalt  }
0x75: {  	_ =	shalt  }
0x76: {  	_ =	shalt  }
0x77: {  	_ =	shalt  }
0x78: {  	_ =	shalt  }
0x79: {  	_ =	shalt  }
0x7a: {  	_ =	shalt  }
0x7b: {  	_ =	shalt  }
0x7c: {  	_ =	shalt  }
0x7d: {  	_ =	shalt  }
0x7e: {  	_ =	shalt  }
0x7f: {  	_ =	shalt  }
0x80: {  	_ =	shalt  }
0x81: {  	_ =	shalt  }
0x82: {  	_ =	shalt  }
0x83: {  	_ =	shalt  }
0x84: {  	_ =	shalt  }
0x85: {  	_ =	shalt  }
0x86: {  	_ =	shalt  }
0x87: {  	_ =	shalt  }
.Lfunc_end0:
.L_simem_size_0:
called_computation.1_lowered:
.L_overlay_start_0:
0x88: {  	s2 =	sld [smem:$0x3FD9]  }
0x89: {  	s3 =	sld [smem:$0x3FFE];
	_ =	sdelay $0x1  }
0x8a: {  	s1 =	srdreg.scid  }
0x8b: {  	s0 =	sand.u32 $0x1, s1  }
0x8c: {  	s17 =	sshll.u32 s0, $0xA;
	s2 =	sadd.s32 s3, s2  }
0x8d: {  	s2 =	sadd.s32 s2, s17  }
0x8e: {  	[smem:$0x3FBD] =	sst s2  }
0x8f: {  	_ = 	snop  }
0x90: {  	s2 =	sld [smem:$0x3FD0];
	(tm) =	ssettm $0x1  }
0x91: {  	s18 =	sld [smem:$0x3FFB];
	_ =	sdelay $0x3  }
0x92: {  	_ =	strace s18  }
0x93: {  	s3 =	sld [smem:$0x3FFC];
	_ =	sdelay $0x3  }
0x94: {  	_ =	strace s3  }
0x95: {  	s3 =	sld [smem:$0x3FFD];
	_ =	sdelay $0x3  }
0x96: {  	_ =	strace s3  }
0x97: {  	_ =	strace $0x8FFFFFFF  }
0x98: {  	s19 =	sld [smem:$0x3FDB];
	_ =	sdelay $0x1  }
0x99: {  	s4 =	simm.s32 $_scs_section_size  }
0x9a: {  	s5 =	simm.s32 $_size__tile_overlayer_lowered;
	s6 =	simm.s32 $_tile_overlayer_lowered  }
0x9b: {  	s22 =	simm.s32 $0x1BFF;
	s21 =	sshll.u32 s6, $0x1;
	s3 =	sadd.s32 s4, s19  }
0x9c: {  	s7 =	simm.s32 $0x0;
	s20 =	sshll.u32 s5, $0x1;
	s5 =	sadd.s32 s21, s3  }
0x9d: {  	[timem:s7], [sflag:s22] =	dma.local [hbm:s5], s20  }
0x9e: {  	_ =	swait.ge [sflag:s22], s20  }
0x9f: {  	s4 =	ssub.s32 $0x0, s20;
	[sflag:s22] =	ssyncset.done $0x0  }
0xa0: {  	[sflag:s22] =	ssyncadd.s32 s4;
	_ =	sdelay $0x1  }
0xa1: {  	s23 =	simm.s32 $0x1B8B  }
0xa2: {  	_ =	swait.ge [sflag:s23], $0x1  }
0xa3: {  	[sflag:s23] =	ssyncset.done $0x0  }
0xa4: {  	s25 =	simm.s32 $0x1B8E;
	s24 =	sld [smem:$0x3FFE];
	[sflag:s23] =	ssyncadd.s32 $0xFFFFFFFF  }
0xa5: {  	s26 =	simm.s32 $execute0_lowered;
	[smem:$0x3FD2] =	sst s25  }
0xa6: {  	s5 =	sshll.u32 s26, $0x1;
	_ =	strace $0x80000049;
	[dreg:$0x1] =	wrdreg $0xFFFFFFFF  }
0xa7: {  	s28 =	simm.s32 $_size_execute0_lowered;
	s3 =	sadd.s32 s3, s5;
	[dreg:$0x0] =	wrdreg $0x0  }
0xa8: {  	s5 =	sshll.u32 s28, $0x1;
	[dreg:$0x2] =	wrdreg s3  }
0xa9: {  	[dreg:$0x3] =	wrdreg s5  }
0xaa: {  	[dreg:$0x4] =	wrdreg $0xC0  }
0xab: {  	_ =	task [dreg:s7], $0x5FFFF  }
0xac: {  	[dreg:$0x1] =	wrdreg $0xFFFFFFFF  }
0xad: {  	[dreg:$0x0] =	wrdreg $0x60  }
0xae: {  	[dreg:$0x2] =	wrdreg s24  }
0xaf: {  	[dreg:$0x3] =	wrdreg s2  }
0xb0: {  	[dreg:$0x4] =	wrdreg $0x41800  }
0xb1: {  	[dreg:$0x5] =	wrdreg $0x9  }
0xb2: {  	_ =	task.clear_ibuf [dreg:s7], $0x6FFFF;
	_ =	strace $0x90000049  }
0xb3: {  	s29 =	simm.s32 $0x9;
	_ =	strace $0x8000004B  }
0xb4: {  	_ =	swait.ge [sflag:s29], $0x1  }
0xb5: {  	[sflag:s29] =	ssyncadd.s32 $0xFFFFFFFF  }
0xb6: {  	_ =	strace $0x9000004B  }
0xb7: {  	_ =	sfence  }
0xb8: {  	s30 =	sld [smem:$0x0];
	_ =	sdelay $0x2  }
0xb9: {  	s31 =	sshll.u32 s1, $0xD;
	s1 =	sshrl.u32 s1, $0x2  }
0xba: {  	s3 =	sand.u32 $0x4000, s31;
	s1 =	sadd.s32 s1, s30  }
0xbb: {  	s0 =	sor.u32 s3, s0;
	s1 =	sshll.u32 s1, $0x11  }
0xbc: {  	s0 =	sor.u32 s1, s0  }
0xbd: {  	s0 =	sadd.s32 $0x8F2B, s0  }
0xbe: {  	[sflag:s0] =	ssyncadd.remote.s32 $0x1  }
0xbf: {  	_ =	sfence.sel $0xFFFF  }
0xc0: {  	[dreg:$0x0] =	wrdreg $0xFFFFFFFF;
	(pc) =	sbr.abs _section_cstart, $3  }
0xc1: {  	[dreg:$0x1] =	wrdreg $0xFFFFFFFF  }
0xc2: {  	_ =	task.clear_ibuf [dreg:s7], $0x2FFFF;
	_ =	strace $0x9FFFFFFF  }
0xc3: {  	(tm) =	ssettm $0x7FFFFFFF  }
tec
execute0_lowered:
.L_overlay_start_1:
0x0: {  	(tag) =	ssettag $0x1  }
0x1: {  	s6 =	rddreg [dreg:$0x0]  }
0x2: {  	s1 =	srdreg.scid;
	s2 =	rddreg [dreg:$0x1]  }
0x3: {  	s0 =	stileid.u32;
	s3 =	rddreg [dreg:$0x2]  }
0x4: {  	s4 =	simm.s32 $0x0;
	s15 =	simm.s32 $0x2;
	s16 =	simm.s32 $0x80  }
0x5: {  	s17 =	simm.s32 $0x180;
	s18 =	simm.s32 $0x1;
	s8 =	smul.u32 $0xC400, s0  }
0x6: {  	s19 =	simm.s32 $0x100;
	s21 =	simm.s32 $0x0;
	s11 =	smul.u32 $0x18800, s0  }
0x7: {  	s7 =	sand.u32 $0x1, s1;
	s1 =	rddreg [dreg:$0x3];
	s24 =	smul.u32 $0x63000, s0  }
0x8: {  	[smem:$0x7FF] =	sst s4;
	s5 =	sadd.s32 $0x32E00, s6;
	s29 =	smul.u32 $0x62000, s0  }
0x9: {  	s30 =	sshll.u32 s0, $0x6;
	s9 =	smul.u32 $0x6200, s7;
	s26 =	ssub.s32 $0x2, s7  }
0xa: {  	s10 =	smul.u32 $0x620000, s7;
	_ =	strace $0x8000004A;
	s7 =	sshrl.u32 s26, $0x1  }
0xb: {  	s28 =	sshrl.u32 s24, $0x2;
	s31 =	sshrl.u32 s29, $0x2;
	s8 =	sadd.s32 s9, s8  }
0xc: {  	s23 =	sadd.s32 s11, s10;
	s12 =	ssub.s32 s26, s7;
	s14 =	sadd.s32 s28, s3  }
0xd: {  	s20 =	sadd.s32 s31, s3;
	s8 =	sshrl.u32 s8, $0x3;
	s9 =	sshrl.u32 s23, $0x3  }
0xe: {  	s11 =	smax.u32 s12, $0x1;
	s14 =	sshrl.u32 s14, $0x3;
	s25 =	sadd.s32 s9, s6  }
0xf: {  	s13 =	sadd.s32 s8, s6;
	s6 =	sor.u32 $0x1C02, s30;
	s7 =	sadd.s32 $0xF6E00, s25  }
0x10: {  	s20 =	sshrl.u32 s20, $0x3;
	s8 =	sadd.s32 $0x127E00, s25;
	s9 =	sadd.s32 $0x158E00, s25  }
0x11: {  	s10 =	sadd.s32 $0x189E00, s25;
	s12 =	sadd.s32 $0x1A600, s13;
	s13 =	sadd.s32 $0x1E00, s13  }
.LBB2_1:
0x12: {  	[spmem:s14], [sflag:s6] =	dma.local [hbm:s2], $0x3180  }
0x13: {  	_ =	swait.ge [sflag:s15], $0x3180  }
0x14: {  	[sflag:s15] =	ssyncset.done $0x0  }
0x15: {  	[sflag:s15] =	ssyncadd.s32 $0xFFFFCE80  }
0x16: {  	s22 =	sadd.s32 $0x0, s13;
	[bflag:$0x0] =	sbarrier.arrive $0xFFFF  }
0x17: {  	[tilespmem:s4], [sflag:$0x2] =	stream.linear.gather [hbm4b:s22+s4], $0x80, $0x38;
	[tilespmem:$0x1CD80] =	vst v63  }
0x18: {  	_ =	swait.ge [sflag:s15], $0x80  }
0x19: {  	[sflag:s15] =	ssyncset.done $0x0  }
0x1a: {  	s31 =	sadd.s32 $0x0, s12;
	[sflag:s15] =	ssyncadd.s32 $0xFFFFFF80  }
0x1b: {  	[tilespmem:s16], [sflag:$0x2] =	stream.linear.gather [hbm4b:s31+s4], $0x80, $0x38;
	[tilespmem:$0x1CD80] =	vst v63  }
0x1c: {  	_ =	swait.ge [sflag:s15], $0x80  }
0x1d: {  	[sflag:s15] =	ssyncset.done $0x0  }
0x1e: {  	[sflag:s15] =	ssyncadd.s32 $0xFFFFFF80  }
0x1f: {  	v0 =	vld [tilespmem:$0xF0]  }
0x20: {  	v1 =	vld [tilespmem:$0xB0]  }
0x21: {  	v2 =	vld [tilespmem:$0xD0]  }
0x22: {  	v3 =	vld [tilespmem:$0xE0]  }
0x23: {  	v4 =	vld [tilespmem:$0xA0]  }
0x24: {  	v5 =	vld [tilespmem:$0x90];
	v0 =	vmin.u32 v0, $0x3100  }
0x25: {  	v6 =	vld [tilespmem:$0xC0];
	v1 =	vmin.u32 v1, $0x3100;
	[tilespmem:$0x170] =	vst v0  }
0x26: {  	v58 =	vld [tilespmem:$0x80];
	v59 =	vmin.u32 v2, $0x3100;
	[tilespmem:$0x130] =	vst v1  }
0x27: {  	v60 =	vmin.u32 v3, $0x3100;
	[tilespmem:$0x150] =	vst v59  }
0x28: {  	v61 =	vmin.u32 v4, $0x3100;
	[tilespmem:$0x160] =	vst v60  }
0x29: {  	v62 =	vmin.u32 v5, $0x3100;
	[tilespmem:$0x120] =	vst v61  }
0x2a: {  	v63 =	vmin.u32 v6, $0x3100;
	[tilespmem:$0x110] =	vst v62  }
0x2b: {  	v0 =	vmin.u32 v58, $0x3100;
	[tilespmem:$0x140] =	vst v63  }
0x2c: {  	s22 =	simm.s32 $0x10;
	[tilespmem:$0x100] =	vst v0  }
.LBB2_2:
0x2d: {  	[tilespmem:s17], [sflag:$0x1] =	stream.indirect.gather [hbm4b:s5+s16], $0x80, s4, s16, $0xb8;
	[tilespmem:$0x1CD80] =	vst v63  }
0x2e: {  	s23 =	smov.u32 s22  }
0x2f: {  	p0 =	sne.s32 s22, $0xC30;
	s22 =	sadd.s32 $0x10, s22;
	_ =	swait.ge [sflag:s18], $0x4000  }
0x30: {  	[sflag:s18] =	ssyncset.done $0x0  }
0x31: {  	[sflag:s18] =	ssyncadd.s32 $0xFFFFC000  }
0x32: {  	[spmem:s3] =	stream.indirect.scatter.add.f32 [tilespmem:s17], [sflag:$0x2], $0x80, s19, s16, $0xb8;
	[tilespmem:$0x1CD80] =	vst v63  }
0x33: {  	_ =	swait.ge [sflag:s15], $0x4000  }
0x34: {  	[sflag:s15] =	ssyncset.done $0x0  }
0x35: {  	s24 =	sadd.s32 s23, s13;
	[sflag:s15] =	ssyncadd.s32 $0xFFFFC000  }
0x36: {  	[tilespmem:s4], [sflag:$0x2] =	stream.linear.gather [hbm4b:s24+s4], $0x80, $0x38;
	[tilespmem:$0x1CD80] =	vst v63  }
0x37: {  	_ =	swait.ge [sflag:s15], $0x80  }
0x38: {  	[sflag:s15] =	ssyncset.done $0x0  }
0x39: {  	s23 =	sadd.s32 s23, s12;
	[sflag:s15] =	ssyncadd.s32 $0xFFFFFF80  }
0x3a: {  	[tilespmem:s16], [sflag:$0x2] =	stream.linear.gather [hbm4b:s23+s4], $0x80, $0x38;
	[tilespmem:$0x1CD80] =	vst v63  }
0x3b: {  	_ =	swait.ge [sflag:s15], $0x80  }
0x3c: {  	[sflag:s15] =	ssyncset.done $0x0  }
0x3d: {  	[sflag:s15] =	ssyncadd.s32 $0xFFFFFF80  }
0x3e: {  	v0 =	vld [tilespmem:$0xF0]  }
0x3f: {  	v1 =	vld [tilespmem:$0xB0]  }
0x40: {  	v2 =	vld [tilespmem:$0xD0]  }
0x41: {  	v3 =	vld [tilespmem:$0xE0]  }
0x42: {  	v4 =	vld [tilespmem:$0xA0]  }
0x43: {  	v5 =	vld [tilespmem:$0x90];
	v0 =	vmin.u32 v0, $0x3100  }
0x44: {  	v1 =	vmin.u32 v1, $0x3100;
	v6 =	vld [tilespmem:$0xC0];
	[tilespmem:$0x170] =	vst v0  }
0x45: {  	v0 =	vld [tilespmem:$0x80];
	[tilespmem:$0x130] =	vst v1;
	v1 =	vmin.u32 v2, $0x3100  }
0x46: {  	[tilespmem:$0x150] =	vst v1;
	v1 =	vmin.u32 v3, $0x3100  }
.Ltmp0:
0x47: {  	v2 =	vmin.u32 v4, $0x3100;
	[tilespmem:$0x160] =	vst v1;
	(pc) =	sbr.rel @p0 .LBB2_2-.Ltmp0, $4  }
0x48: {  	v1 =	vmin.u32 v5, $0x3100;
	[tilespmem:$0x120] =	vst v2  }
0x49: {  	[tilespmem:$0x110] =	vst v1;
	v1 =	vmin.u32 v6, $0x3100  }
0x4a: {  	v0 =	vmin.u32 v0, $0x3100;
	[tilespmem:$0x140] =	vst v1  }
0x4b: {  	[tilespmem:$0x100] =	vst v0  }
0x4c: {  	[tilespmem:s17], [sflag:$0x1] =	stream.indirect.gather [hbm4b:s5+s16], $0x80, s4, s16, $0xb8;
	[tilespmem:$0x1CD80] =	vst v63  }
0x4d: {  	_ =	swait.ge [sflag:s18], $0x4000  }
0x4e: {  	[sflag:s18] =	ssyncset.done $0x0  }
0x4f: {  	[sflag:s18] =	ssyncadd.s32 $0xFFFFC000  }
0x50: {  	[spmem:s3] =	stream.indirect.scatter.add.f32 [tilespmem:s17], [sflag:$0x2], $0x80, s19, s16, $0xb8;
	[tilespmem:$0x1CD80] =	vst v63  }
0x51: {  	_ =	swait.ge [sflag:s15], $0x4000  }
0x52: {  	[sflag:s15] =	ssyncset.done $0x0  }
0x53: {  	[sflag:s15] =	ssyncadd.s32 $0xFFFFC000  }
0x54: {  	[bflag:$0x0] =	sbarrier.arrive $0xFFFF  }
0x55: {  	[hbm:s7], [sflag:s6] =	dma.local [spmem:s20], $0x3100  }
0x56: {  	_ =	swait.ge [sflag:s15], $0x3100  }
0x57: {  	[sflag:s15] =	ssyncset.done $0x0  }
0x58: {  	[sflag:s15] =	ssyncadd.s32 $0xFFFFCF00  }
0x59: {  	[bflag:$0x0] =	sbarrier.arrive $0xFFFF  }
0x5a: {  	[spmem:s14], [sflag:s6] =	dma.local [hbm:s2], $0x3180  }
0x5b: {  	_ =	swait.ge [sflag:s15], $0x3180  }
0x5c: {  	[sflag:s15] =	ssyncset.done $0x0  }
0x5d: {  	[sflag:s15] =	ssyncadd.s32 $0xFFFFCE80  }
0x5e: {  	s22 =	sadd.s32 $0x0, s13;
	[bflag:$0x0] =	sbarrier.arrive $0xFFFF  }
0x5f: {  	[tilespmem:s4], [sflag:$0x2] =	stream.linear.gather [hbm4b:s22+s4], $0x80, $0x38;
	[tilespmem:$0x1CD80] =	vst v63  }
0x60: {  	_ =	swait.ge [sflag:s15], $0x80  }
0x61: {  	[sflag:s15] =	ssyncset.done $0x0  }
0x62: {  	s31 =	sadd.s32 $0x0, s12;
	[sflag:s15] =	ssyncadd.s32 $0xFFFFFF80  }
0x63: {  	[tilespmem:s16], [sflag:$0x2] =	stream.linear.gather [hbm4b:s31+s4], $0x80, $0x38;
	[tilespmem:$0x1CD80] =	vst v63  }
0x64: {  	_ =	swait.ge [sflag:s15], $0x80  }
0x65: {  	[sflag:s15] =	ssyncset.done $0x0  }
0x66: {  	[sflag:s15] =	ssyncadd.s32 $0xFFFFFF80  }
0x67: {  	v0 =	vld [tilespmem:$0xD0]  }
0x68: {  	v1 =	vld [tilespmem:$0xB0]  }
0x69: {  	v2 =	vld [tilespmem:$0xA0]  }
0x6a: {  	v3 =	vld [tilespmem:$0x90]  }
0x6b: {  	v4 =	vld [tilespmem:$0xC0]  }
0x6c: {  	v5 =	vld [tilespmem:$0x80];
	v0 =	vadd.s32 $0xFFFFCF00, v0  }
0x6d: {  	v6 =	vld [tilespmem:$0xE0];
	v1 =	vadd.s32 $0xFFFFCF00, v1;
	v0 =	vmin.u32 v0, $0x3100  }
0x6e: {  	v7 =	vld [tilespmem:$0xF0];
	v2 =	vadd.s32 $0xFFFFCF00, v2;
	v1 =	vmin.u32 v1, $0x3100;
	[tilespmem:$0x150] =	vst v0  }
0x6f: {  	v2 =	vmin.u32 v2, $0x3100;
	v0 =	vadd.s32 $0xFFFFCF00, v3;
	[tilespmem:$0x130] =	vst v1  }
0x70: {  	[tilespmem:$0x120] =	vst v2;
	v1 =	vadd.s32 $0xFFFFCF00, v4;
	v0 =	vmin.u32 v0, $0x3100  }
0x71: {  	v2 =	vadd.s32 $0xFFFFCF00, v5;
	[tilespmem:$0x110] =	vst v0;
	v0 =	vmin.u32 v1, $0x3100  }
0x72: {  	v1 =	vmin.u32 v2, $0x3100;
	[tilespmem:$0x140] =	vst v0;
	v0 =	vadd.s32 $0xFFFFCF00, v6  }
0x73: {  	s22 =	simm.s32 $0x10;
	[tilespmem:$0x100] =	vst v1;
	v1 =	vadd.s32 $0xFFFFCF00, v7;
	v0 =	vmin.u32 v0, $0x3100  }
.LBB2_4:
0x74: {  	p0 =	sne.s32 s22, $0xC30;
	[tilespmem:$0x160] =	vst v0;
	v0 =	vmin.u32 v1, $0x3100;
	s23 =	smov.u32 s22;
	s22 =	sadd.s32 $0x10, s22  }
0x75: {  	[tilespmem:$0x170] =	vst v0  }
0x76: {  	[tilespmem:s17], [sflag:$0x1] =	stream.indirect.gather [hbm4b:s5+s16], $0x80, s4, s16, $0xb8;
	[tilespmem:$0x1CD80] =	vst v63  }
0x77: {  	_ =	swait.ge [sflag:s18], $0x4000  }
0x78: {  	[sflag:s18] =	ssyncset.done $0x0  }
0x79: {  	[sflag:s18] =	ssyncadd.s32 $0xFFFFC000  }
0x7a: {  	[spmem:s3] =	stream.indirect.scatter.add.f32 [tilespmem:s17], [sflag:$0x2], $0x80, s19, s16, $0xb8;
	[tilespmem:$0x1CD80] =	vst v63  }
0x7b: {  	s24 =	sadd.s32 s23, s13;
	_ =	swait.ge [sflag:s15], $0x4000  }
0x7c: {  	[sflag:s15] =	ssyncset.done $0x0  }
0x7d: {  	[sflag:s15] =	ssyncadd.s32 $0xFFFFC000  }
0x7e: {  	[tilespmem:s4], [sflag:$0x2] =	stream.linear.gather [hbm4b:s24+s4], $0x80, $0x38;
	[tilespmem:$0x1CD80] =	vst v63  }
0x7f: {  	_ =	swait.ge [sflag:s15], $0x80  }
0x80: {  	[sflag:s15] =	ssyncset.done $0x0  }
0x81: {  	s23 =	sadd.s32 s23, s12;
	[sflag:s15] =	ssyncadd.s32 $0xFFFFFF80  }
0x82: {  	[tilespmem:s16], [sflag:$0x2] =	stream.linear.gather [hbm4b:s23+s4], $0x80, $0x38;
	[tilespmem:$0x1CD80] =	vst v63  }
0x83: {  	_ =	swait.ge [sflag:s15], $0x80  }
0x84: {  	[sflag:s15] =	ssyncset.done $0x0  }
0x85: {  	[sflag:s15] =	ssyncadd.s32 $0xFFFFFF80  }
0x86: {  	v0 =	vld [tilespmem:$0xD0]  }
0x87: {  	v1 =	vld [tilespmem:$0xB0]  }
0x88: {  	v2 =	vld [tilespmem:$0xA0]  }
0x89: {  	v3 =	vld [tilespmem:$0x90]  }
0x8a: {  	v4 =	vld [tilespmem:$0xC0]  }
0x8b: {  	v5 =	vld [tilespmem:$0x80];
	v0 =	vadd.s32 $0xFFFFCF00, v0  }
0x8c: {  	v1 =	vadd.s32 $0xFFFFCF00, v1;
	v0 =	vmin.u32 v0, $0x3100;
	v6 =	vld [tilespmem:$0xE0]  }
0x8d: {  	v2 =	vadd.s32 $0xFFFFCF00, v2;
	v1 =	vmin.u32 v1, $0x3100;
	[tilespmem:$0x150] =	vst v0;
	v7 =	vld [tilespmem:$0xF0]  }
.Ltmp1:
0x8e: {  	v0 =	vadd.s32 $0xFFFFCF00, v3;
	v2 =	vmin.u32 v2, $0x3100;
	[tilespmem:$0x130] =	vst v1;
	(pc) =	sbr.rel @p0 .LBB2_4-.Ltmp1, $4  }
0x8f: {  	v0 =	vmin.u32 v0, $0x3100;
	[tilespmem:$0x120] =	vst v2;
	v1 =	vadd.s32 $0xFFFFCF00, v4  }
0x90: {  	v2 =	vadd.s32 $0xFFFFCF00, v5;
	[tilespmem:$0x110] =	vst v0;
	v0 =	vmin.u32 v1, $0x3100  }
0x91: {  	v1 =	vmin.u32 v2, $0x3100;
	[tilespmem:$0x140] =	vst v0;
	v0 =	vadd.s32 $0xFFFFCF00, v6  }
0x92: {  	[tilespmem:$0x100] =	vst v1;
	v0 =	vmin.u32 v0, $0x3100;
	v1 =	vadd.s32 $0xFFFFCF00, v7  }
0x93: {  	[tilespmem:$0x160] =	vst v0;
	v0 =	vmin.u32 v1, $0x3100  }
0x94: {  	[tilespmem:$0x170] =	vst v0  }
0x95: {  	[tilespmem:s17], [sflag:$0x1] =	stream.indirect.gather [hbm4b:s5+s16], $0x80, s4, s16, $0xb8;
	[tilespmem:$0x1CD80] =	vst v63  }
0x96: {  	_ =	swait.ge [sflag:s18], $0x4000  }
0x97: {  	[sflag:s18] =	ssyncset.done $0x0  }
0x98: {  	[sflag:s18] =	ssyncadd.s32 $0xFFFFC000  }
0x99: {  	[spmem:s3] =	stream.indirect.scatter.add.f32 [tilespmem:s17], [sflag:$0x2], $0x80, s19, s16, $0xb8;
	[tilespmem:$0x1CD80] =	vst v63  }
0x9a: {  	_ =	swait.ge [sflag:s15], $0x4000  }
0x9b: {  	[sflag:s15] =	ssyncset.done $0x0  }
0x9c: {  	[sflag:s15] =	ssyncadd.s32 $0xFFFFC000  }
0x9d: {  	[bflag:$0x0] =	sbarrier.arrive $0xFFFF  }
0x9e: {  	[hbm:s8], [sflag:s6] =	dma.local [spmem:s20], $0x3100  }
0x9f: {  	_ =	swait.ge [sflag:s15], $0x3100  }
0xa0: {  	[sflag:s15] =	ssyncset.done $0x0  }
0xa1: {  	[sflag:s15] =	ssyncadd.s32 $0xFFFFCF00  }
0xa2: {  	[bflag:$0x0] =	sbarrier.arrive $0xFFFF  }
0xa3: {  	[spmem:s14], [sflag:s6] =	dma.local [hbm:s2], $0x3180  }
0xa4: {  	_ =	swait.ge [sflag:s15], $0x3180  }
0xa5: {  	[sflag:s15] =	ssyncset.done $0x0  }
0xa6: {  	[sflag:s15] =	ssyncadd.s32 $0xFFFFCE80  }
0xa7: {  	s22 =	sadd.s32 $0x0, s13;
	[bflag:$0x0] =	sbarrier.arrive $0xFFFF  }
0xa8: {  	[tilespmem:s4], [sflag:$0x2] =	stream.linear.gather [hbm4b:s22+s4], $0x80, $0x38;
	[tilespmem:$0x1CD80] =	vst v63  }
0xa9: {  	_ =	swait.ge [sflag:s15], $0x80  }
0xaa: {  	[sflag:s15] =	ssyncset.done $0x0  }
0xab: {  	s31 =	sadd.s32 $0x0, s12;
	[sflag:s15] =	ssyncadd.s32 $0xFFFFFF80  }
0xac: {  	[tilespmem:s16], [sflag:$0x2] =	stream.linear.gather [hbm4b:s31+s4], $0x80, $0x38;
	[tilespmem:$0x1CD80] =	vst v63  }
0xad: {  	_ =	swait.ge [sflag:s15], $0x80  }
0xae: {  	[sflag:s15] =	ssyncset.done $0x0  }
0xaf: {  	[sflag:s15] =	ssyncadd.s32 $0xFFFFFF80  }
0xb0: {  	v0 =	vld [tilespmem:$0xD0]  }
0xb1: {  	v1 =	vld [tilespmem:$0xB0]  }
0xb2: {  	v2 =	vld [tilespmem:$0xA0]  }
0xb3: {  	v3 =	vld [tilespmem:$0x90]  }
0xb4: {  	v4 =	vld [tilespmem:$0xC0]  }
0xb5: {  	v5 =	vld [tilespmem:$0x80];
	v0 =	vadd.s32 $0xFFFF9E00, v0  }
0xb6: {  	v6 =	vld [tilespmem:$0xE0];
	v1 =	vadd.s32 $0xFFFF9E00, v1;
	v0 =	vmin.u32 v0, $0x3100  }
0xb7: {  	v7 =	vld [tilespmem:$0xF0];
	v2 =	vadd.s32 $0xFFFF9E00, v2;
	v1 =	vmin.u32 v1, $0x3100;
	[tilespmem:$0x150] =	vst v0  }
0xb8: {  	v2 =	vmin.u32 v2, $0x3100;
	v0 =	vadd.s32 $0xFFFF9E00, v3;
	[tilespmem:$0x130] =	vst v1  }
0xb9: {  	[tilespmem:$0x120] =	vst v2;
	v1 =	vadd.s32 $0xFFFF9E00, v4;
	v0 =	vmin.u32 v0, $0x3100  }
0xba: {  	v2 =	vadd.s32 $0xFFFF9E00, v5;
	[tilespmem:$0x110] =	vst v0;
	v0 =	vmin.u32 v1, $0x3100  }
0xbb: {  	v1 =	vmin.u32 v2, $0x3100;
	[tilespmem:$0x140] =	vst v0;
	v0 =	vadd.s32 $0xFFFF9E00, v6  }
0xbc: {  	s22 =	simm.s32 $0x10;
	[tilespmem:$0x100] =	vst v1;
	v1 =	vadd.s32 $0xFFFF9E00, v7;
	v0 =	vmin.u32 v0, $0x3100  }
.LBB2_6:
0xbd: {  	p0 =	sne.s32 s22, $0xC30;
	[tilespmem:$0x160] =	vst v0;
	v0 =	vmin.u32 v1, $0x3100;
	s23 =	smov.u32 s22;
	s22 =	sadd.s32 $0x10, s22  }
0xbe: {  	[tilespmem:$0x170] =	vst v0  }
0xbf: {  	[tilespmem:s17], [sflag:$0x1] =	stream.indirect.gather [hbm4b:s5+s16], $0x80, s4, s16, $0xb8;
	[tilespmem:$0x1CD80] =	vst v63  }
0xc0: {  	_ =	swait.ge [sflag:s18], $0x4000  }
0xc1: {  	[sflag:s18] =	ssyncset.done $0x0  }
0xc2: {  	[sflag:s18] =	ssyncadd.s32 $0xFFFFC000  }
0xc3: {  	[spmem:s3] =	stream.indirect.scatter.add.f32 [tilespmem:s17], [sflag:$0x2], $0x80, s19, s16, $0xb8;
	[tilespmem:$0x1CD80] =	vst v63  }
0xc4: {  	s24 =	sadd.s32 s23, s13;
	_ =	swait.ge [sflag:s15], $0x4000  }
0xc5: {  	[sflag:s15] =	ssyncset.done $0x0  }
0xc6: {  	[sflag:s15] =	ssyncadd.s32 $0xFFFFC000  }
0xc7: {  	[tilespmem:s4], [sflag:$0x2] =	stream.linear.gather [hbm4b:s24+s4], $0x80, $0x38;
	[tilespmem:$0x1CD80] =	vst v63  }
0xc8: {  	_ =	swait.ge [sflag:s15], $0x80  }
0xc9: {  	[sflag:s15] =	ssyncset.done $0x0  }
0xca: {  	s23 =	sadd.s32 s23, s12;
	[sflag:s15] =	ssyncadd.s32 $0xFFFFFF80  }
0xcb: {  	[tilespmem:s16], [sflag:$0x2] =	stream.linear.gather [hbm4b:s23+s4], $0x80, $0x38;
	[tilespmem:$0x1CD80] =	vst v63  }
0xcc: {  	_ =	swait.ge [sflag:s15], $0x80  }
0xcd: {  	[sflag:s15] =	ssyncset.done $0x0  }
0xce: {  	[sflag:s15] =	ssyncadd.s32 $0xFFFFFF80  }
0xcf: {  	v0 =	vld [tilespmem:$0xD0]  }
0xd0: {  	v1 =	vld [tilespmem:$0xB0]  }
0xd1: {  	v2 =	vld [tilespmem:$0xA0]  }
0xd2: {  	v3 =	vld [tilespmem:$0x90]  }
0xd3: {  	v4 =	vld [tilespmem:$0xC0]  }
0xd4: {  	v5 =	vld [tilespmem:$0x80];
	v0 =	vadd.s32 $0xFFFF9E00, v0  }
0xd5: {  	v1 =	vadd.s32 $0xFFFF9E00, v1;
	v0 =	vmin.u32 v0, $0x3100;
	v6 =	vld [tilespmem:$0xE0]  }
0xd6: {  	v2 =	vadd.s32 $0xFFFF9E00, v2;
	v1 =	vmin.u32 v1, $0x3100;
	[tilespmem:$0x150] =	vst v0;
	v7 =	vld [tilespmem:$0xF0]  }
.Ltmp2:
0xd7: {  	v0 =	vadd.s32 $0xFFFF9E00, v3;
	v2 =	vmin.u32 v2, $0x3100;
	[tilespmem:$0x130] =	vst v1;
	(pc) =	sbr.rel @p0 .LBB2_6-.Ltmp2, $4  }
0xd8: {  	v0 =	vmin.u32 v0, $0x3100;
	[tilespmem:$0x120] =	vst v2;
	v1 =	vadd.s32 $0xFFFF9E00, v4  }
0xd9: {  	v2 =	vadd.s32 $0xFFFF9E00, v5;
	[tilespmem:$0x110] =	vst v0;
	v0 =	vmin.u32 v1, $0x3100  }
0xda: {  	v1 =	vmin.u32 v2, $0x3100;
	[tilespmem:$0x140] =	vst v0;
	v0 =	vadd.s32 $0xFFFF9E00, v6  }
0xdb: {  	[tilespmem:$0x100] =	vst v1;
	v0 =	vmin.u32 v0, $0x3100;
	v1 =	vadd.s32 $0xFFFF9E00, v7  }
0xdc: {  	[tilespmem:$0x160] =	vst v0;
	v0 =	vmin.u32 v1, $0x3100  }
0xdd: {  	[tilespmem:$0x170] =	vst v0  }
0xde: {  	[tilespmem:s17], [sflag:$0x1] =	stream.indirect.gather [hbm4b:s5+s16], $0x80, s4, s16, $0xb8;
	[tilespmem:$0x1CD80] =	vst v63  }
0xdf: {  	_ =	swait.ge [sflag:s18], $0x4000  }
0xe0: {  	[sflag:s18] =	ssyncset.done $0x0  }
0xe1: {  	[sflag:s18] =	ssyncadd.s32 $0xFFFFC000  }
0xe2: {  	[spmem:s3] =	stream.indirect.scatter.add.f32 [tilespmem:s17], [sflag:$0x2], $0x80, s19, s16, $0xb8;
	[tilespmem:$0x1CD80] =	vst v63  }
0xe3: {  	_ =	swait.ge [sflag:s15], $0x4000  }
0xe4: {  	[sflag:s15] =	ssyncset.done $0x0  }
0xe5: {  	[sflag:s15] =	ssyncadd.s32 $0xFFFFC000  }
0xe6: {  	[bflag:$0x0] =	sbarrier.arrive $0xFFFF  }
0xe7: {  	[hbm:s9], [sflag:s6] =	dma.local [spmem:s20], $0x3100  }
0xe8: {  	_ =	swait.ge [sflag:s15], $0x3100  }
0xe9: {  	[sflag:s15] =	ssyncset.done $0x0  }
0xea: {  	[sflag:s15] =	ssyncadd.s32 $0xFFFFCF00  }
0xeb: {  	[bflag:$0x0] =	sbarrier.arrive $0xFFFF  }
0xec: {  	[spmem:s14], [sflag:s6] =	dma.local [hbm:s2], $0x3180  }
0xed: {  	_ =	swait.ge [sflag:s15], $0x3180  }
0xee: {  	[sflag:s15] =	ssyncset.done $0x0  }
0xef: {  	[sflag:s15] =	ssyncadd.s32 $0xFFFFCE80  }
0xf0: {  	s22 =	sadd.s32 $0x0, s13;
	[bflag:$0x0] =	sbarrier.arrive $0xFFFF  }
0xf1: {  	[tilespmem:s4], [sflag:$0x2] =	stream.linear.gather [hbm4b:s22+s4], $0x80, $0x38;
	[tilespmem:$0x1CD80] =	vst v63  }
0xf2: {  	_ =	swait.ge [sflag:s15], $0x80  }
0xf3: {  	[sflag:s15] =	ssyncset.done $0x0  }
0xf4: {  	s31 =	sadd.s32 $0x0, s12;
	[sflag:s15] =	ssyncadd.s32 $0xFFFFFF80  }
0xf5: {  	[tilespmem:s16], [sflag:$0x2] =	stream.linear.gather [hbm4b:s31+s4], $0x80, $0x38;
	[tilespmem:$0x1CD80] =	vst v63  }
0xf6: {  	_ =	swait.ge [sflag:s15], $0x80  }
0xf7: {  	[sflag:s15] =	ssyncset.done $0x0  }
0xf8: {  	[sflag:s15] =	ssyncadd.s32 $0xFFFFFF80  }
0xf9: {  	v0 =	vld [tilespmem:$0xD0]  }
0xfa: {  	v1 =	vld [tilespmem:$0xB0]  }
0xfb: {  	v2 =	vld [tilespmem:$0xA0]  }
0xfc: {  	v3 =	vld [tilespmem:$0x90]  }
0xfd: {  	v4 =	vld [tilespmem:$0xC0]  }
0xfe: {  	v5 =	vld [tilespmem:$0x80];
	v0 =	vadd.s32 $0xFFFF6D00, v0  }
0xff: {  	v6 =	vld [tilespmem:$0xE0];
	v1 =	vadd.s32 $0xFFFF6D00, v1;
	v0 =	vmin.u32 v0, $0x3100  }
0x100: {  	v7 =	vld [tilespmem:$0xF0];
	v2 =	vadd.s32 $0xFFFF6D00, v2;
	v1 =	vmin.u32 v1, $0x3100;
	[tilespmem:$0x150] =	vst v0  }
0x101: {  	v2 =	vmin.u32 v2, $0x3100;
	v0 =	vadd.s32 $0xFFFF6D00, v3;
	[tilespmem:$0x130] =	vst v1  }
0x102: {  	[tilespmem:$0x120] =	vst v2;
	v1 =	vadd.s32 $0xFFFF6D00, v4;
	v0 =	vmin.u32 v0, $0x3100  }
0x103: {  	v2 =	vadd.s32 $0xFFFF6D00, v5;
	[tilespmem:$0x110] =	vst v0;
	v0 =	vmin.u32 v1, $0x3100  }
0x104: {  	v1 =	vmin.u32 v2, $0x3100;
	[tilespmem:$0x140] =	vst v0;
	v0 =	vadd.s32 $0xFFFF6D00, v6  }
0x105: {  	s22 =	simm.s32 $0x10;
	[tilespmem:$0x100] =	vst v1;
	v1 =	vadd.s32 $0xFFFF6D00, v7;
	v0 =	vmin.u32 v0, $0x3100  }
.LBB2_8:
0x106: {  	p0 =	sne.s32 s22, $0xC30;
	[tilespmem:$0x160] =	vst v0;
	v0 =	vmin.u32 v1, $0x3100;
	s23 =	smov.u32 s22;
	s22 =	sadd.s32 $0x10, s22  }
0x107: {  	[tilespmem:$0x170] =	vst v0  }
0x108: {  	[tilespmem:s17], [sflag:$0x1] =	stream.indirect.gather [hbm4b:s5+s16], $0x80, s4, s16, $0xb8;
	[tilespmem:$0x1CD80] =	vst v63  }
0x109: {  	_ =	swait.ge [sflag:s18], $0x4000  }
0x10a: {  	[sflag:s18] =	ssyncset.done $0x0  }
0x10b: {  	[sflag:s18] =	ssyncadd.s32 $0xFFFFC000  }
0x10c: {  	[spmem:s3] =	stream.indirect.scatter.add.f32 [tilespmem:s17], [sflag:$0x2], $0x80, s19, s16, $0xb8;
	[tilespmem:$0x1CD80] =	vst v63  }
0x10d: {  	s24 =	sadd.s32 s23, s13;
	_ =	swait.ge [sflag:s15], $0x4000  }
0x10e: {  	[sflag:s15] =	ssyncset.done $0x0  }
0x10f: {  	[sflag:s15] =	ssyncadd.s32 $0xFFFFC000  }
0x110: {  	[tilespmem:s4], [sflag:$0x2] =	stream.linear.gather [hbm4b:s24+s4], $0x80, $0x38;
	[tilespmem:$0x1CD80] =	vst v63  }
0x111: {  	_ =	swait.ge [sflag:s15], $0x80  }
0x112: {  	[sflag:s15] =	ssyncset.done $0x0  }
0x113: {  	s23 =	sadd.s32 s23, s12;
	[sflag:s15] =	ssyncadd.s32 $0xFFFFFF80  }
0x114: {  	[tilespmem:s16], [sflag:$0x2] =	stream.linear.gather [hbm4b:s23+s4], $0x80, $0x38;
	[tilespmem:$0x1CD80] =	vst v63  }
0x115: {  	_ =	swait.ge [sflag:s15], $0x80  }
0x116: {  	[sflag:s15] =	ssyncset.done $0x0  }
0x117: {  	[sflag:s15] =	ssyncadd.s32 $0xFFFFFF80  }
0x118: {  	v0 =	vld [tilespmem:$0xD0]  }
0x119: {  	v1 =	vld [tilespmem:$0xB0]  }
0x11a: {  	v2 =	vld [tilespmem:$0xA0]  }
0x11b: {  	v3 =	vld [tilespmem:$0x90]  }
0x11c: {  	v4 =	vld [tilespmem:$0xC0]  }
0x11d: {  	v5 =	vld [tilespmem:$0x80];
	v0 =	vadd.s32 $0xFFFF6D00, v0  }
0x11e: {  	v1 =	vadd.s32 $0xFFFF6D00, v1;
	v0 =	vmin.u32 v0, $0x3100;
	v6 =	vld [tilespmem:$0xE0]  }
0x11f: {  	v2 =	vadd.s32 $0xFFFF6D00, v2;
	v1 =	vmin.u32 v1, $0x3100;
	[tilespmem:$0x150] =	vst v0;
	v7 =	vld [tilespmem:$0xF0]  }
.Ltmp3:
0x120: {  	v0 =	vadd.s32 $0xFFFF6D00, v3;
	v2 =	vmin.u32 v2, $0x3100;
	[tilespmem:$0x130] =	vst v1;
	(pc) =	sbr.rel @p0 .LBB2_8-.Ltmp3, $4  }
0x121: {  	v0 =	vmin.u32 v0, $0x3100;
	[tilespmem:$0x120] =	vst v2;
	v1 =	vadd.s32 $0xFFFF6D00, v4  }
0x122: {  	v2 =	vadd.s32 $0xFFFF6D00, v5;
	[tilespmem:$0x110] =	vst v0;
	v0 =	vmin.u32 v1, $0x3100  }
0x123: {  	v1 =	vmin.u32 v2, $0x3100;
	[tilespmem:$0x140] =	vst v0;
	v0 =	vadd.s32 $0xFFFF6D00, v6  }
0x124: {  	[tilespmem:$0x100] =	vst v1;
	v0 =	vmin.u32 v0, $0x3100;
	v1 =	vadd.s32 $0xFFFF6D00, v7  }
0x125: {  	[tilespmem:$0x160] =	vst v0;
	v63 =	vmin.u32 v1, $0x3100  }
0x126: {  	[tilespmem:$0x170] =	vst v63  }
0x127: {  	[tilespmem:s17], [sflag:$0x1] =	stream.indirect.gather [hbm4b:s5+s16], $0x80, s4, s16, $0xb8;
	[tilespmem:$0x1CD80] =	vst v63  }
0x128: {  	_ =	swait.ge [sflag:s18], $0x4000  }
0x129: {  	[sflag:s18] =	ssyncset.done $0x0  }
0x12a: {  	[sflag:s18] =	ssyncadd.s32 $0xFFFFC000  }
0x12b: {  	[spmem:s3] =	stream.indirect.scatter.add.f32 [tilespmem:s17], [sflag:$0x2], $0x80, s19, s16, $0xb8;
	[tilespmem:$0x1CD80] =	vst v63  }
0x12c: {  	_ =	swait.ge [sflag:s15], $0x4000  }
0x12d: {  	[sflag:s15] =	ssyncset.done $0x0  }
0x12e: {  	s21 =	sadd.s32 $0x1, s21;
	[sflag:s15] =	ssyncadd.s32 $0xFFFFC000  }
0x12f: {  	p0 =	sne.s32 s21, s11;
	[bflag:$0x0] =	sbarrier.arrive $0xFFFF  }
0x130: {  	[hbm:s10], [sflag:s6] =	dma.local [spmem:s20], $0x3100  }
.Ltmp4:
0x131: {  	_ =	swait.ge [sflag:s15], $0x3100;
	(pc) =	sbr.rel @p0 .LBB2_1-.Ltmp4, $3  }
0x132: {  	[sflag:s15] =	ssyncset.done $0x0  }
0x133: {  	[sflag:s15] =	ssyncadd.s32 $0xFFFFCF00  }
0x134: {  	[bflag:$0x0] =	sbarrier.arrive $0xFFFF;
	_ =	sdelay $0x1  }
0x135: {  	_ =	sfence.sel $0x180000  }
0x136: {  	[bflag:$0x0] =	sbarrier.arrive $0xFFFF  }
0x137: {  	p0 =	sne.s32 s0, $0x0;
	_ =	strace $0x9000004A  }
0x138: {  	s0 =	sadd.s32 @!p0 $0x100000, s1;
	[bflag:$0x2] =	sbarrier.arrive $0xFFFF  }
0x139: {  	[sflag:s0] =	ssyncadd.tile.s32 @!p0 $0x1;
	_ =	shalt  }
.Lfunc_end2:
_tile_overlayer_lowered:
.L_overlay_start_2:
0x13a: {  	(tag) =	ssettag $0x2  }
0x13b: {  	s0 =	rddreg [dreg:$0x0];
	s2 =	stileid.u32  }
0x13c: {  	s1 =	rddreg [dreg:$0x1];
	p0 =	sne.s32 s2, $0x0  }
0x13d: {  	s3 =	rddreg [dreg:$0x2];
	[bflag:$0x3] =	sbarrier.arrive $0xFFFF;
	s2 =	simm.s32 @!p0 $0x1C02  }
0x13e: {  	[timem:s3], [sflag:s2] =	dma.local @!p0 [hbm:s0], s1  }
0x13f: {  	s0 =	simm.s32 @!p0 $0x2  }
0x140: {  	_ =	swait.ge @!p0 [sflag:s0], s1  }
0x141: {  	s1 =	ssub.s32 @!p0 $0x0, s1;
	[sflag:s0] =	ssyncset.done @!p0 $0x0  }
0x142: {  	[sflag:s0] =	ssyncadd.s32 @!p0 s1  }
0x143: {  	[bflag:$0x3] =	sbarrier.arrive $0xFFFF  }
0x144: {  	_ =	shalt  }

// kernel: kernel.8.cloned.1.call-start
scs
__scs_entry_jumppad:
0x0: {  	(pc) =	sbr.rel $0x88, $3  }
0x1: {  	(tag) =	ssettag $0x0;
	lr =	simm.s32 $0x1  }
0x2: {  	[smem:$0x3F96] =	sst lr;
	_ =	strace $0xD0000000  }
0x3: {  	_ = 	snop  }
0x4: {  	_ = 	snop  }
0x5: {  	_ = 	snop  }
0x6: {  	_ = 	snop  }
0x7: {  	_ = 	snop  }
__scs_overlays_trampoline_lowered:
0x8: {  	[smem:$0x3FA5] =	sst s0  }
0x9: {  	[smem:$0x3FA6] =	sst s1  }
0xa: {  	[smem:$0x3FA7] =	sst s2  }
0xb: {  	[smem:$0x3FA8] =	sst s3  }
0xc: {  	[smem:$0x3FA9] =	sst s4  }
0xd: {  	[smem:$0x3FAA] =	sst s5  }
0xe: {  	[smem:$0x3FAB] =	sst s6  }
0xf: {  	[smem:$0x3FAC] =	sst s7  }
0x10: {  	[smem:$0x3FAD] =	sst s8  }
0x11: {  	[smem:$0x3FAE] =	sst s9;
	s0 =	simm.s32 @!p0 $0x0  }
0x12: {  	s1 =	sld [smem:$0x3F94];
	s0 =	simm.s32 @p0 $0x1  }
0x13: {  	[smem:$0x3FAF] =	sst s0;
	s0 =	simm.s32 @!p1 $0x0  }
0x14: {  	s2 =	sld [smem:$0x3F93];
	s0 =	simm.s32 @p1 $0x1  }
0x15: {  	[smem:$0x3FB0] =	sst s0;
	s0 =	simm.s32 @!p2 $0x0  }
0x16: {  	s3 =	sld [smem:$0x3FDB];
	s0 =	simm.s32 @p2 $0x1  }
0x17: {  	s4 =	simm.s32 $0x1BF5;
	[smem:$0x3FB2] =	sst s0  }
0x18: {  	s0 =	sld [smem:$0x3F95];
	_ =	swait.ge [sflag:s4], $0x0  }
0x19: {  	s7 =	sld [smem:$0x3F96]  }
0x1a: {  	s8 =	sadd.s32 $0xFFFFE003, lr  }
0x1b: {  	s9 =	sadd.s32 $0xFFFFFEF7, lr;
	s5 =	simm.s32 $0xFFFFFFFF;
	p2 =	slt.u32 s8, $0xFFFFF086  }
0x1c: {  	p1 =	slt.u32 s9, $0xF7A;
	s5 =	simm.s32 @!p2 $0x0  }
0x1d: {  	s5 =	simm.s32 @p1 $0x1;
	p0 =	seq.s32 s7, s2  }
0x1e: {  	s7 =	smul.u32 @!p0 $0xF7A, s2;
	p2 =	seq.s32 @!p0 s5, $0x0  }
0x1f: {  	s9 =	smul.u32 $0xF7A, s1;
	s8 =	simm.s32 @!p0 $0x1BF5;
	p2 =	por !p2, p0  }
0x20: {  	[sflag:s8] =	ssyncset.s32 @!p0 $0xFFFFF086;
	s6 =	sadd.s32 @!p0 s3, s7;
	s7 =	simm.s32 @!p0 $0x108  }
0x21: {  	s3 =	sadd.s32 s3, s9;
	s6 =	sadd.s32 @!p0 $0x88, s6;
	s7 =	simm.s32 @p2 $0x1082  }
0x22: {  	[simem:s7], [sflag:s8] =	dma.local @!p0 [hbm:s6], $0xF7A  }
0x23: {  	s9 =	sor.u32 $0xD0000000, s2;
	s6 =	simm.s32 $0x108;
	_ =	swait.ge @!p0 [sflag:s8], $0x0  }
0x24: {  	s3 =	sadd.s32 $0x88, s3;
	s6 =	simm.s32 @!p1 $0x1082;
	[sflag:s4] =	ssyncset.s32 $0xFFFFF086  }
0x25: {  	[simem:s6], [sflag:s4] =	dma.local [hbm:s3], $0xF7A  }
0x26: {  	[smem:$0x3F96] =	sst s1;
	(tag) =	ssettag s2;
	_ =	strace s9  }
0x27: {  	s1 =	sld [smem:$0x3FA6]  }
0x28: {  	s2 =	sld [smem:$0x3FA7]  }
0x29: {  	s4 =	sld [smem:$0x3FA9]  }
0x2a: {  	p0 =	seq.s32 s5, $0x0;
	s5 =	sld [smem:$0x3FAA]  }
0x2b: {  	s6 =	sld [smem:$0x3FAB]  }
0x2c: {  	s7 =	sld [smem:$0x3FAC]  }
0x2d: {  	s3 =	simm.s32 $0x108;
	s8 =	sld [smem:$0x3FAD]  }
0x2e: {  	s3 =	simm.s32 @!p0 $0x1082;
	s9 =	sld [smem:$0x3FAE]  }
0x2f: {  	lr =	sadd.s32 s0, s3;
	s0 =	sld [smem:$0x3FA5]  }
0x30: {  	s3 =	sld [smem:$0x3FA8]  }
0x31: {  	[smem:$0x3FB1] =	sst s10  }
0x32: {  	s10 =	sld [smem:$0x3FAF];
	_ =	sdelay $0x3  }
0x33: {  	p0 =	seq.s32 s10, $0x1;
	s10 =	sld [smem:$0x3FB1];
	_ =	sdelay $0x3  }
0x34: {  	[smem:$0x3FB1] =	sst s10  }
0x35: {  	s10 =	sld [smem:$0x3FB0];
	_ =	sdelay $0x3  }
0x36: {  	p1 =	seq.s32 s10, $0x1;
	s10 =	sld [smem:$0x3FB1];
	_ =	sdelay $0x3  }
0x37: {  	[smem:$0x3FB1] =	sst s10  }
0x38: {  	s10 =	sld [smem:$0x3FB2]  }
0x39: {  	_ = 	snop;
	(pc) =	sbr.ind lr, $3  }
0x3a: {  	_ = 	snop  }
0x3b: {  	_ = 	snop  }
0x3c: {  	p2 =	seq.s32 s10, $0x1;
	s10 =	sld [smem:$0x3FB1]  }
0x3d: {  	_ =	shalt  }
0x3e: {  	_ =	shalt  }
0x3f: {  	_ =	shalt  }
0x40: {  	_ =	shalt  }
0x41: {  	_ =	shalt  }
0x42: {  	_ =	shalt  }
0x43: {  	_ =	shalt  }
0x44: {  	_ =	shalt  }
0x45: {  	_ =	shalt  }
0x46: {  	_ =	shalt  }
0x47: {  	_ =	shalt  }
0x48: {  	_ =	shalt  }
0x49: {  	_ =	shalt  }
0x4a: {  	_ =	shalt  }
0x4b: {  	_ =	shalt  }
0x4c: {  	_ =	shalt  }
0x4d: {  	_ =	shalt  }
0x4e: {  	_ =	shalt  }
0x4f: {  	_ =	shalt  }
0x50: {  	_ =	shalt  }
0x51: {  	_ =	shalt  }
0x52: {  	_ =	shalt  }
0x53: {  	_ =	shalt  }
0x54: {  	_ =	shalt  }
0x55: {  	_ =	shalt  }
0x56: {  	_ =	shalt  }
0x57: {  	_ =	shalt  }
0x58: {  	_ =	shalt  }
0x59: {  	_ =	shalt  }
0x5a: {  	_ =	shalt  }
0x5b: {  	_ =	shalt  }
0x5c: {  	_ =	shalt  }
0x5d: {  	_ =	shalt  }
0x5e: {  	_ =	shalt  }
0x5f: {  	_ =	shalt  }
0x60: {  	_ =	shalt  }
0x61: {  	_ =	shalt  }
0x62: {  	_ =	shalt  }
0x63: {  	_ =	shalt  }
0x64: {  	_ =	shalt  }
0x65: {  	_ =	shalt  }
0x66: {  	_ =	shalt  }
0x67: {  	_ =	shalt  }
0x68: {  	_ =	shalt  }
0x69: {  	_ =	shalt  }
0x6a: {  	_ =	shalt  }
0x6b: {  	_ =	shalt  }
0x6c: {  	_ =	shalt  }
0x6d: {  	_ =	shalt  }
0x6e: {  	_ =	shalt  }
0x6f: {  	_ =	shalt  }
0x70: {  	_ =	shalt  }
0x71: {  	_ =	shalt  }
0x72: {  	_ =	shalt  }
0x73: {  	_ =	shalt  }
0x74: {  	_ =	shalt  }
0x75: {  	_ =	shalt  }
0x76: {  	_ =	shalt  }
0x77: {  	_ =	shalt  }
0x78: {  	_ =	shalt  }
0x79: {  	_ =	shalt  }
0x7a: {  	_ =	shalt  }
0x7b: {  	_ =	shalt  }
0x7c: {  	_ =	shalt  }
0x7d: {  	_ =	shalt  }
0x7e: {  	_ =	shalt  }
0x7f: {  	_ =	shalt  }
0x80: {  	_ =	shalt  }
0x81: {  	_ =	shalt  }
0x82: {  	_ =	shalt  }
0x83: {  	_ =	shalt  }
0x84: {  	_ =	shalt  }
0x85: {  	_ =	shalt  }
0x86: {  	_ =	shalt  }
0x87: {  	_ =	shalt  }
.Lfunc_end0:
.L_simem_size_0:
called_computation_lowered:
.L_overlay_start_0:
0x88: {  	s2 =	sld [smem:$0x3FD9]  }
0x89: {  	s3 =	sld [smem:$0x3FFE];
	_ =	sdelay $0x1  }
0x8a: {  	s1 =	srdreg.scid  }
0x8b: {  	s0 =	sand.u32 $0x1, s1  }
0x8c: {  	s17 =	sshll.u32 s0, $0xA;
	s2 =	sadd.s32 s3, s2  }
0x8d: {  	s2 =	sadd.s32 s2, s17  }
0x8e: {  	[smem:$0x3FBD] =	sst s2  }
0x8f: {  	_ = 	snop  }
0x90: {  	s2 =	sld [smem:$0x3FD0];
	(tm) =	ssettm $0x1  }
0x91: {  	s18 =	sld [smem:$0x3FFB];
	_ =	sdelay $0x3  }
0x92: {  	_ =	strace s18  }
0x93: {  	s3 =	sld [smem:$0x3FFC];
	_ =	sdelay $0x3  }
0x94: {  	_ =	strace s3  }
0x95: {  	s3 =	sld [smem:$0x3FFD];
	_ =	sdelay $0x3  }
0x96: {  	_ =	strace s3  }
0x97: {  	_ =	strace $0x8FFFFFFF  }
0x98: {  	s19 =	sld [smem:$0x3FDB];
	_ =	sdelay $0x1  }
0x99: {  	s4 =	simm.s32 $_scs_section_size  }
0x9a: {  	s5 =	simm.s32 $_size__tile_overlayer_lowered;
	s6 =	simm.s32 $_tile_overlayer_lowered  }
0x9b: {  	s22 =	simm.s32 $0x1BFF;
	s21 =	sshll.u32 s6, $0x1;
	s3 =	sadd.s32 s4, s19  }
0x9c: {  	s7 =	simm.s32 $0x0;
	s20 =	sshll.u32 s5, $0x1;
	s5 =	sadd.s32 s21, s3  }
0x9d: {  	[timem:s7], [sflag:s22] =	dma.local [hbm:s5], s20  }
0x9e: {  	_ =	swait.ge [sflag:s22], s20  }
0x9f: {  	s4 =	ssub.s32 $0x0, s20;
	[sflag:s22] =	ssyncset.done $0x0  }
0xa0: {  	[sflag:s22] =	ssyncadd.s32 s4;
	_ =	sdelay $0x1  }
0xa1: {  	s23 =	simm.s32 $0x1B8B  }
0xa2: {  	_ =	swait.ge [sflag:s23], $0x1  }
0xa3: {  	[sflag:s23] =	ssyncset.done $0x0  }
0xa4: {  	s25 =	simm.s32 $0x1B8E;
	s24 =	sld [smem:$0x3FFE];
	[sflag:s23] =	ssyncadd.s32 $0xFFFFFFFF  }
0xa5: {  	s26 =	simm.s32 $execute0_lowered;
	[smem:$0x3FD2] =	sst s25  }
0xa6: {  	s5 =	sshll.u32 s26, $0x1;
	_ =	strace $0x80000046;
	[dreg:$0x1] =	wrdreg $0xFFFFFFFF  }
0xa7: {  	s28 =	simm.s32 $_size_execute0_lowered;
	s3 =	sadd.s32 s3, s5;
	[dreg:$0x0] =	wrdreg $0x0  }
0xa8: {  	s5 =	sshll.u32 s28, $0x1;
	[dreg:$0x2] =	wrdreg s3  }
0xa9: {  	[dreg:$0x3] =	wrdreg s5  }
0xaa: {  	[dreg:$0x4] =	wrdreg $0xC0  }
0xab: {  	_ =	task [dreg:s7], $0x5FFFF  }
0xac: {  	[dreg:$0x1] =	wrdreg $0xFFFFFFFF  }
0xad: {  	[dreg:$0x0] =	wrdreg $0x60  }
0xae: {  	[dreg:$0x2] =	wrdreg s24  }
0xaf: {  	[dreg:$0x3] =	wrdreg s2  }
0xb0: {  	[dreg:$0x4] =	wrdreg $0x41800  }
0xb1: {  	[dreg:$0x5] =	wrdreg $0x9  }
0xb2: {  	_ =	task.clear_ibuf [dreg:s7], $0x6FFFF;
	_ =	strace $0x90000046  }
0xb3: {  	s29 =	simm.s32 $0x9;
	_ =	strace $0x80000048  }
0xb4: {  	_ =	swait.ge [sflag:s29], $0x1  }
0xb5: {  	[sflag:s29] =	ssyncadd.s32 $0xFFFFFFFF  }
0xb6: {  	_ =	strace $0x90000048  }
0xb7: {  	_ =	sfence  }
0xb8: {  	s30 =	sld [smem:$0x0];
	_ =	sdelay $0x2  }
0xb9: {  	s31 =	sshll.u32 s1, $0xD;
	s1 =	sshrl.u32 s1, $0x2  }
0xba: {  	s3 =	sand.u32 $0x4000, s31;
	s1 =	sadd.s32 s1, s30  }
0xbb: {  	s0 =	sor.u32 s3, s0;
	s1 =	sshll.u32 s1, $0x11  }
0xbc: {  	s0 =	sor.u32 s1, s0  }
0xbd: {  	s0 =	sadd.s32 $0x8F2B, s0  }
0xbe: {  	[sflag:s0] =	ssyncadd.remote.s32 $0x1  }
0xbf: {  	_ =	sfence.sel $0xFFFF  }
0xc0: {  	[dreg:$0x0] =	wrdreg $0xFFFFFFFF;
	(pc) =	sbr.abs _section_cstart, $3  }
0xc1: {  	[dreg:$0x1] =	wrdreg $0xFFFFFFFF  }
0xc2: {  	_ =	task.clear_ibuf [dreg:s7], $0x2FFFF;
	_ =	strace $0x9FFFFFFF  }
0xc3: {  	(tm) =	ssettm $0x7FFFFFFF  }
tec
execute0_lowered:
.L_overlay_start_1:
0x0: {  	(tag) =	ssettag $0x1  }
0x1: {  	s6 =	rddreg [dreg:$0x0]  }
0x2: {  	s1 =	srdreg.scid;
	s2 =	rddreg [dreg:$0x1]  }
0x3: {  	s0 =	stileid.u32;
	s3 =	rddreg [dreg:$0x2]  }
0x4: {  	s4 =	simm.s32 $0x0;
	s15 =	simm.s32 $0x2;
	s16 =	simm.s32 $0x80  }
0x5: {  	s17 =	simm.s32 $0x180;
	s18 =	simm.s32 $0x1;
	s8 =	smul.u32 $0xC400, s0  }
0x6: {  	s19 =	simm.s32 $0x100;
	s21 =	simm.s32 $0x0;
	s11 =	smul.u32 $0x18800, s0  }
0x7: {  	s7 =	sand.u32 $0x1, s1;
	s1 =	rddreg [dreg:$0x3];
	s24 =	smul.u32 $0x63000, s0  }
0x8: {  	[smem:$0x7FF] =	sst s4;
	s5 =	sadd.s32 $0x32E00, s6;
	s29 =	smul.u32 $0x62000, s0  }
0x9: {  	s30 =	sshll.u32 s0, $0x6;
	s9 =	smul.u32 $0x6200, s7;
	s26 =	ssub.s32 $0x2, s7  }
0xa: {  	s10 =	smul.u32 $0x620000, s7;
	_ =	strace $0x80000047;
	s7 =	sshrl.u32 s26, $0x1  }
0xb: {  	s28 =	sshrl.u32 s24, $0x2;
	s31 =	sshrl.u32 s29, $0x2;
	s8 =	sadd.s32 s9, s8  }
0xc: {  	s23 =	sadd.s32 s11, s10;
	s12 =	ssub.s32 s26, s7;
	s14 =	sadd.s32 s28, s3  }
0xd: {  	s20 =	sadd.s32 s31, s3;
	s8 =	sshrl.u32 s8, $0x3;
	s9 =	sshrl.u32 s23, $0x3  }
0xe: {  	s11 =	smax.u32 s12, $0x1;
	s14 =	sshrl.u32 s14, $0x3;
	s25 =	sadd.s32 s9, s6  }
0xf: {  	s13 =	sadd.s32 s8, s6;
	s6 =	sor.u32 $0x1C02, s30;
	s7 =	sadd.s32 $0xF6E00, s25  }
0x10: {  	s20 =	sshrl.u32 s20, $0x3;
	s8 =	sadd.s32 $0x127E00, s25;
	s9 =	sadd.s32 $0x158E00, s25  }
0x11: {  	s10 =	sadd.s32 $0x189E00, s25;
	s12 =	sadd.s32 $0x1A600, s13;
	s13 =	sadd.s32 $0x1E00, s13  }
.LBB2_1:
0x12: {  	[spmem:s14], [sflag:s6] =	dma.local [hbm:s2], $0x3180  }
0x13: {  	_ =	swait.ge [sflag:s15], $0x3180  }
0x14: {  	[sflag:s15] =	ssyncset.done $0x0  }
0x15: {  	[sflag:s15] =	ssyncadd.s32 $0xFFFFCE80  }
0x16: {  	s22 =	sadd.s32 $0x0, s13;
	[bflag:$0x0] =	sbarrier.arrive $0xFFFF  }
0x17: {  	[tilespmem:s4], [sflag:$0x2] =	stream.linear.gather [hbm4b:s22+s4], $0x80, $0x38;
	[tilespmem:$0x1CD80] =	vst v63  }
0x18: {  	_ =	swait.ge [sflag:s15], $0x80  }
0x19: {  	[sflag:s15] =	ssyncset.done $0x0  }
0x1a: {  	s31 =	sadd.s32 $0x0, s12;
	[sflag:s15] =	ssyncadd.s32 $0xFFFFFF80  }
0x1b: {  	[tilespmem:s16], [sflag:$0x2] =	stream.linear.gather [hbm4b:s31+s4], $0x80, $0x38;
	[tilespmem:$0x1CD80] =	vst v63  }
0x1c: {  	_ =	swait.ge [sflag:s15], $0x80  }
0x1d: {  	[sflag:s15] =	ssyncset.done $0x0  }
0x1e: {  	[sflag:s15] =	ssyncadd.s32 $0xFFFFFF80  }
0x1f: {  	v0 =	vld [tilespmem:$0xF0]  }
0x20: {  	v1 =	vld [tilespmem:$0xB0]  }
0x21: {  	v2 =	vld [tilespmem:$0xD0]  }
0x22: {  	v3 =	vld [tilespmem:$0xE0]  }
0x23: {  	v4 =	vld [tilespmem:$0xA0]  }
0x24: {  	v5 =	vld [tilespmem:$0x90];
	v0 =	vmin.u32 v0, $0x3100  }
0x25: {  	v6 =	vld [tilespmem:$0xC0];
	v1 =	vmin.u32 v1, $0x3100;
	[tilespmem:$0x170] =	vst v0  }
0x26: {  	v58 =	vld [tilespmem:$0x80];
	v59 =	vmin.u32 v2, $0x3100;
	[tilespmem:$0x130] =	vst v1  }
0x27: {  	v60 =	vmin.u32 v3, $0x3100;
	[tilespmem:$0x150] =	vst v59  }
0x28: {  	v61 =	vmin.u32 v4, $0x3100;
	[tilespmem:$0x160] =	vst v60  }
0x29: {  	v62 =	vmin.u32 v5, $0x3100;
	[tilespmem:$0x120] =	vst v61  }
0x2a: {  	v63 =	vmin.u32 v6, $0x3100;
	[tilespmem:$0x110] =	vst v62  }
0x2b: {  	v0 =	vmin.u32 v58, $0x3100;
	[tilespmem:$0x140] =	vst v63  }
0x2c: {  	s22 =	simm.s32 $0x10;
	[tilespmem:$0x100] =	vst v0  }
.LBB2_2:
0x2d: {  	[tilespmem:s17], [sflag:$0x1] =	stream.indirect.gather [hbm4b:s5+s16], $0x80, s4, s16, $0xb8;
	[tilespmem:$0x1CD80] =	vst v63  }
0x2e: {  	s23 =	smov.u32 s22  }
0x2f: {  	p0 =	sne.s32 s22, $0xC30;
	s22 =	sadd.s32 $0x10, s22;
	_ =	swait.ge [sflag:s18], $0x4000  }
0x30: {  	[sflag:s18] =	ssyncset.done $0x0  }
0x31: {  	[sflag:s18] =	ssyncadd.s32 $0xFFFFC000  }
0x32: {  	[spmem:s3] =	stream.indirect.scatter.add.f32 [tilespmem:s17], [sflag:$0x2], $0x80, s19, s16, $0xb8;
	[tilespmem:$0x1CD80] =	vst v63  }
0x33: {  	_ =	swait.ge [sflag:s15], $0x4000  }
0x34: {  	[sflag:s15] =	ssyncset.done $0x0  }
0x35: {  	s24 =	sadd.s32 s23, s13;
	[sflag:s15] =	ssyncadd.s32 $0xFFFFC000  }
0x36: {  	[tilespmem:s4], [sflag:$0x2] =	stream.linear.gather [hbm4b:s24+s4], $0x80, $0x38;
	[tilespmem:$0x1CD80] =	vst v63  }
0x37: {  	_ =	swait.ge [sflag:s15], $0x80  }
0x38: {  	[sflag:s15] =	ssyncset.done $0x0  }
0x39: {  	s23 =	sadd.s32 s23, s12;
	[sflag:s15] =	ssyncadd.s32 $0xFFFFFF80  }
0x3a: {  	[tilespmem:s16], [sflag:$0x2] =	stream.linear.gather [hbm4b:s23+s4], $0x80, $0x38;
	[tilespmem:$0x1CD80] =	vst v63  }
0x3b: {  	_ =	swait.ge [sflag:s15], $0x80  }
0x3c: {  	[sflag:s15] =	ssyncset.done $0x0  }
0x3d: {  	[sflag:s15] =	ssyncadd.s32 $0xFFFFFF80  }
0x3e: {  	v0 =	vld [tilespmem:$0xF0]  }
0x3f: {  	v1 =	vld [tilespmem:$0xB0]  }
0x40: {  	v2 =	vld [tilespmem:$0xD0]  }
0x41: {  	v3 =	vld [tilespmem:$0xE0]  }
0x42: {  	v4 =	vld [tilespmem:$0xA0]  }
0x43: {  	v5 =	vld [tilespmem:$0x90];
	v0 =	vmin.u32 v0, $0x3100  }
0x44: {  	v1 =	vmin.u32 v1, $0x3100;
	v6 =	vld [tilespmem:$0xC0];
	[tilespmem:$0x170] =	vst v0  }
0x45: {  	v0 =	vld [tilespmem:$0x80];
	[tilespmem:$0x130] =	vst v1;
	v1 =	vmin.u32 v2, $0x3100  }
0x46: {  	[tilespmem:$0x150] =	vst v1;
	v1 =	vmin.u32 v3, $0x3100  }
.Ltmp0:
0x47: {  	v2 =	vmin.u32 v4, $0x3100;
	[tilespmem:$0x160] =	vst v1;
	(pc) =	sbr.rel @p0 .LBB2_2-.Ltmp0, $4  }
0x48: {  	v1 =	vmin.u32 v5, $0x3100;
	[tilespmem:$0x120] =	vst v2  }
0x49: {  	[tilespmem:$0x110] =	vst v1;
	v1 =	vmin.u32 v6, $0x3100  }
0x4a: {  	v0 =	vmin.u32 v0, $0x3100;
	[tilespmem:$0x140] =	vst v1  }
0x4b: {  	[tilespmem:$0x100] =	vst v0  }
0x4c: {  	[tilespmem:s17], [sflag:$0x1] =	stream.indirect.gather [hbm4b:s5+s16], $0x80, s4, s16, $0xb8;
	[tilespmem:$0x1CD80] =	vst v63  }
0x4d: {  	_ =	swait.ge [sflag:s18], $0x4000  }
0x4e: {  	[sflag:s18] =	ssyncset.done $0x0  }
0x4f: {  	[sflag:s18] =	ssyncadd.s32 $0xFFFFC000  }
0x50: {  	[spmem:s3] =	stream.indirect.scatter.add.f32 [tilespmem:s17], [sflag:$0x2], $0x80, s19, s16, $0xb8;
	[tilespmem:$0x1CD80] =	vst v63  }
0x51: {  	_ =	swait.ge [sflag:s15], $0x4000  }
0x52: {  	[sflag:s15] =	ssyncset.done $0x0  }
0x53: {  	[sflag:s15] =	ssyncadd.s32 $0xFFFFC000  }
0x54: {  	[bflag:$0x0] =	sbarrier.arrive $0xFFFF  }
0x55: {  	[hbm:s7], [sflag:s6] =	dma.local [spmem:s20], $0x3100  }
0x56: {  	_ =	swait.ge [sflag:s15], $0x3100  }
0x57: {  	[sflag:s15] =	ssyncset.done $0x0  }
0x58: {  	[sflag:s15] =	ssyncadd.s32 $0xFFFFCF00  }
0x59: {  	[bflag:$0x0] =	sbarrier.arrive $0xFFFF  }
0x5a: {  	[spmem:s14], [sflag:s6] =	dma.local [hbm:s2], $0x3180  }
0x5b: {  	_ =	swait.ge [sflag:s15], $0x3180  }
0x5c: {  	[sflag:s15] =	ssyncset.done $0x0  }
0x5d: {  	[sflag:s15] =	ssyncadd.s32 $0xFFFFCE80  }
0x5e: {  	s22 =	sadd.s32 $0x0, s13;
	[bflag:$0x0] =	sbarrier.arrive $0xFFFF  }
0x5f: {  	[tilespmem:s4], [sflag:$0x2] =	stream.linear.gather [hbm4b:s22+s4], $0x80, $0x38;
	[tilespmem:$0x1CD80] =	vst v63  }
0x60: {  	_ =	swait.ge [sflag:s15], $0x80  }
0x61: {  	[sflag:s15] =	ssyncset.done $0x0  }
0x62: {  	s31 =	sadd.s32 $0x0, s12;
	[sflag:s15] =	ssyncadd.s32 $0xFFFFFF80  }
0x63: {  	[tilespmem:s16], [sflag:$0x2] =	stream.linear.gather [hbm4b:s31+s4], $0x80, $0x38;
	[tilespmem:$0x1CD80] =	vst v63  }
0x64: {  	_ =	swait.ge [sflag:s15], $0x80  }
0x65: {  	[sflag:s15] =	ssyncset.done $0x0  }
0x66: {  	[sflag:s15] =	ssyncadd.s32 $0xFFFFFF80  }
0x67: {  	v0 =	vld [tilespmem:$0xD0]  }
0x68: {  	v1 =	vld [tilespmem:$0xB0]  }
0x69: {  	v2 =	vld [tilespmem:$0xA0]  }
0x6a: {  	v3 =	vld [tilespmem:$0x90]  }
0x6b: {  	v4 =	vld [tilespmem:$0xC0]  }
0x6c: {  	v5 =	vld [tilespmem:$0x80];
	v0 =	vadd.s32 $0xFFFFCF00, v0  }
0x6d: {  	v6 =	vld [tilespmem:$0xE0];
	v1 =	vadd.s32 $0xFFFFCF00, v1;
	v0 =	vmin.u32 v0, $0x3100  }
0x6e: {  	v7 =	vld [tilespmem:$0xF0];
	v2 =	vadd.s32 $0xFFFFCF00, v2;
	v1 =	vmin.u32 v1, $0x3100;
	[tilespmem:$0x150] =	vst v0  }
0x6f: {  	v2 =	vmin.u32 v2, $0x3100;
	v0 =	vadd.s32 $0xFFFFCF00, v3;
	[tilespmem:$0x130] =	vst v1  }
0x70: {  	[tilespmem:$0x120] =	vst v2;
	v1 =	vadd.s32 $0xFFFFCF00, v4;
	v0 =	vmin.u32 v0, $0x3100  }
0x71: {  	v2 =	vadd.s32 $0xFFFFCF00, v5;
	[tilespmem:$0x110] =	vst v0;
	v0 =	vmin.u32 v1, $0x3100  }
0x72: {  	v1 =	vmin.u32 v2, $0x3100;
	[tilespmem:$0x140] =	vst v0;
	v0 =	vadd.s32 $0xFFFFCF00, v6  }
0x73: {  	s22 =	simm.s32 $0x10;
	[tilespmem:$0x100] =	vst v1;
	v1 =	vadd.s32 $0xFFFFCF00, v7;
	v0 =	vmin.u32 v0, $0x3100  }
.LBB2_4:
0x74: {  	p0 =	sne.s32 s22, $0xC30;
	[tilespmem:$0x160] =	vst v0;
	v0 =	vmin.u32 v1, $0x3100;
	s23 =	smov.u32 s22;
	s22 =	sadd.s32 $0x10, s22  }
0x75: {  	[tilespmem:$0x170] =	vst v0  }
0x76: {  	[tilespmem:s17], [sflag:$0x1] =	stream.indirect.gather [hbm4b:s5+s16], $0x80, s4, s16, $0xb8;
	[tilespmem:$0x1CD80] =	vst v63  }
0x77: {  	_ =	swait.ge [sflag:s18], $0x4000  }
0x78: {  	[sflag:s18] =	ssyncset.done $0x0  }
0x79: {  	[sflag:s18] =	ssyncadd.s32 $0xFFFFC000  }
0x7a: {  	[spmem:s3] =	stream.indirect.scatter.add.f32 [tilespmem:s17], [sflag:$0x2], $0x80, s19, s16, $0xb8;
	[tilespmem:$0x1CD80] =	vst v63  }
0x7b: {  	s24 =	sadd.s32 s23, s13;
	_ =	swait.ge [sflag:s15], $0x4000  }
0x7c: {  	[sflag:s15] =	ssyncset.done $0x0  }
0x7d: {  	[sflag:s15] =	ssyncadd.s32 $0xFFFFC000  }
0x7e: {  	[tilespmem:s4], [sflag:$0x2] =	stream.linear.gather [hbm4b:s24+s4], $0x80, $0x38;
	[tilespmem:$0x1CD80] =	vst v63  }
0x7f: {  	_ =	swait.ge [sflag:s15], $0x80  }
0x80: {  	[sflag:s15] =	ssyncset.done $0x0  }
0x81: {  	s23 =	sadd.s32 s23, s12;
	[sflag:s15] =	ssyncadd.s32 $0xFFFFFF80  }
0x82: {  	[tilespmem:s16], [sflag:$0x2] =	stream.linear.gather [hbm4b:s23+s4], $0x80, $0x38;
	[tilespmem:$0x1CD80] =	vst v63  }
0x83: {  	_ =	swait.ge [sflag:s15], $0x80  }
0x84: {  	[sflag:s15] =	ssyncset.done $0x0  }
0x85: {  	[sflag:s15] =	ssyncadd.s32 $0xFFFFFF80  }
0x86: {  	v0 =	vld [tilespmem:$0xD0]  }
0x87: {  	v1 =	vld [tilespmem:$0xB0]  }
0x88: {  	v2 =	vld [tilespmem:$0xA0]  }
0x89: {  	v3 =	vld [tilespmem:$0x90]  }
0x8a: {  	v4 =	vld [tilespmem:$0xC0]  }
0x8b: {  	v5 =	vld [tilespmem:$0x80];
	v0 =	vadd.s32 $0xFFFFCF00, v0  }
0x8c: {  	v1 =	vadd.s32 $0xFFFFCF00, v1;
	v0 =	vmin.u32 v0, $0x3100;
	v6 =	vld [tilespmem:$0xE0]  }
0x8d: {  	v2 =	vadd.s32 $0xFFFFCF00, v2;
	v1 =	vmin.u32 v1, $0x3100;
	[tilespmem:$0x150] =	vst v0;
	v7 =	vld [tilespmem:$0xF0]  }
.Ltmp1:
0x8e: {  	v0 =	vadd.s32 $0xFFFFCF00, v3;
	v2 =	vmin.u32 v2, $0x3100;
	[tilespmem:$0x130] =	vst v1;
	(pc) =	sbr.rel @p0 .LBB2_4-.Ltmp1, $4  }
0x8f: {  	v0 =	vmin.u32 v0, $0x3100;
	[tilespmem:$0x120] =	vst v2;
	v1 =	vadd.s32 $0xFFFFCF00, v4  }
0x90: {  	v2 =	vadd.s32 $0xFFFFCF00, v5;
	[tilespmem:$0x110] =	vst v0;
	v0 =	vmin.u32 v1, $0x3100  }
0x91: {  	v1 =	vmin.u32 v2, $0x3100;
	[tilespmem:$0x140] =	vst v0;
	v0 =	vadd.s32 $0xFFFFCF00, v6  }
0x92: {  	[tilespmem:$0x100] =	vst v1;
	v0 =	vmin.u32 v0, $0x3100;
	v1 =	vadd.s32 $0xFFFFCF00, v7  }
0x93: {  	[tilespmem:$0x160] =	vst v0;
	v0 =	vmin.u32 v1, $0x3100  }
0x94: {  	[tilespmem:$0x170] =	vst v0  }
0x95: {  	[tilespmem:s17], [sflag:$0x1] =	stream.indirect.gather [hbm4b:s5+s16], $0x80, s4, s16, $0xb8;
	[tilespmem:$0x1CD80] =	vst v63  }
0x96: {  	_ =	swait.ge [sflag:s18], $0x4000  }
0x97: {  	[sflag:s18] =	ssyncset.done $0x0  }
0x98: {  	[sflag:s18] =	ssyncadd.s32 $0xFFFFC000  }
0x99: {  	[spmem:s3] =	stream.indirect.scatter.add.f32 [tilespmem:s17], [sflag:$0x2], $0x80, s19, s16, $0xb8;
	[tilespmem:$0x1CD80] =	vst v63  }
0x9a: {  	_ =	swait.ge [sflag:s15], $0x4000  }
0x9b: {  	[sflag:s15] =	ssyncset.done $0x0  }
0x9c: {  	[sflag:s15] =	ssyncadd.s32 $0xFFFFC000  }
0x9d: {  	[bflag:$0x0] =	sbarrier.arrive $0xFFFF  }
0x9e: {  	[hbm:s8], [sflag:s6] =	dma.local [spmem:s20], $0x3100  }
0x9f: {  	_ =	swait.ge [sflag:s15], $0x3100  }
0xa0: {  	[sflag:s15] =	ssyncset.done $0x0  }
0xa1: {  	[sflag:s15] =	ssyncadd.s32 $0xFFFFCF00  }
0xa2: {  	[bflag:$0x0] =	sbarrier.arrive $0xFFFF  }
0xa3: {  	[spmem:s14], [sflag:s6] =	dma.local [hbm:s2], $0x3180  }
0xa4: {  	_ =	swait.ge [sflag:s15], $0x3180  }
0xa5: {  	[sflag:s15] =	ssyncset.done $0x0  }
0xa6: {  	[sflag:s15] =	ssyncadd.s32 $0xFFFFCE80  }
0xa7: {  	s22 =	sadd.s32 $0x0, s13;
	[bflag:$0x0] =	sbarrier.arrive $0xFFFF  }
0xa8: {  	[tilespmem:s4], [sflag:$0x2] =	stream.linear.gather [hbm4b:s22+s4], $0x80, $0x38;
	[tilespmem:$0x1CD80] =	vst v63  }
0xa9: {  	_ =	swait.ge [sflag:s15], $0x80  }
0xaa: {  	[sflag:s15] =	ssyncset.done $0x0  }
0xab: {  	s31 =	sadd.s32 $0x0, s12;
	[sflag:s15] =	ssyncadd.s32 $0xFFFFFF80  }
0xac: {  	[tilespmem:s16], [sflag:$0x2] =	stream.linear.gather [hbm4b:s31+s4], $0x80, $0x38;
	[tilespmem:$0x1CD80] =	vst v63  }
0xad: {  	_ =	swait.ge [sflag:s15], $0x80  }
0xae: {  	[sflag:s15] =	ssyncset.done $0x0  }
0xaf: {  	[sflag:s15] =	ssyncadd.s32 $0xFFFFFF80  }
0xb0: {  	v0 =	vld [tilespmem:$0xD0]  }
0xb1: {  	v1 =	vld [tilespmem:$0xB0]  }
0xb2: {  	v2 =	vld [tilespmem:$0xA0]  }
0xb3: {  	v3 =	vld [tilespmem:$0x90]  }
0xb4: {  	v4 =	vld [tilespmem:$0xC0]  }
0xb5: {  	v5 =	vld [tilespmem:$0x80];
	v0 =	vadd.s32 $0xFFFF9E00, v0  }
0xb6: {  	v6 =	vld [tilespmem:$0xE0];
	v1 =	vadd.s32 $0xFFFF9E00, v1;
	v0 =	vmin.u32 v0, $0x3100  }
0xb7: {  	v7 =	vld [tilespmem:$0xF0];
	v2 =	vadd.s32 $0xFFFF9E00, v2;
	v1 =	vmin.u32 v1, $0x3100;
	[tilespmem:$0x150] =	vst v0  }
0xb8: {  	v2 =	vmin.u32 v2, $0x3100;
	v0 =	vadd.s32 $0xFFFF9E00, v3;
	[tilespmem:$0x130] =	vst v1  }
0xb9: {  	[tilespmem:$0x120] =	vst v2;
	v1 =	vadd.s32 $0xFFFF9E00, v4;
	v0 =	vmin.u32 v0, $0x3100  }
0xba: {  	v2 =	vadd.s32 $0xFFFF9E00, v5;
	[tilespmem:$0x110] =	vst v0;
	v0 =	vmin.u32 v1, $0x3100  }
0xbb: {  	v1 =	vmin.u32 v2, $0x3100;
	[tilespmem:$0x140] =	vst v0;
	v0 =	vadd.s32 $0xFFFF9E00, v6  }
0xbc: {  	s22 =	simm.s32 $0x10;
	[tilespmem:$0x100] =	vst v1;
	v1 =	vadd.s32 $0xFFFF9E00, v7;
	v0 =	vmin.u32 v0, $0x3100  }
.LBB2_6:
0xbd: {  	p0 =	sne.s32 s22, $0xC30;
	[tilespmem:$0x160] =	vst v0;
	v0 =	vmin.u32 v1, $0x3100;
	s23 =	smov.u32 s22;
	s22 =	sadd.s32 $0x10, s22  }
0xbe: {  	[tilespmem:$0x170] =	vst v0  }
0xbf: {  	[tilespmem:s17], [sflag:$0x1] =	stream.indirect.gather [hbm4b:s5+s16], $0x80, s4, s16, $0xb8;
	[tilespmem:$0x1CD80] =	vst v63  }
0xc0: {  	_ =	swait.ge [sflag:s18], $0x4000  }
0xc1: {  	[sflag:s18] =	ssyncset.done $0x0  }
0xc2: {  	[sflag:s18] =	ssyncadd.s32 $0xFFFFC000  }
0xc3: {  	[spmem:s3] =	stream.indirect.scatter.add.f32 [tilespmem:s17], [sflag:$0x2], $0x80, s19, s16, $0xb8;
	[tilespmem:$0x1CD80] =	vst v63  }
0xc4: {  	s24 =	sadd.s32 s23, s13;
	_ =	swait.ge [sflag:s15], $0x4000  }
0xc5: {  	[sflag:s15] =	ssyncset.done $0x0  }
0xc6: {  	[sflag:s15] =	ssyncadd.s32 $0xFFFFC000  }
0xc7: {  	[tilespmem:s4], [sflag:$0x2] =	stream.linear.gather [hbm4b:s24+s4], $0x80, $0x38;
	[tilespmem:$0x1CD80] =	vst v63  }
0xc8: {  	_ =	swait.ge [sflag:s15], $0x80  }
0xc9: {  	[sflag:s15] =	ssyncset.done $0x0  }
0xca: {  	s23 =	sadd.s32 s23, s12;
	[sflag:s15] =	ssyncadd.s32 $0xFFFFFF80  }
0xcb: {  	[tilespmem:s16], [sflag:$0x2] =	stream.linear.gather [hbm4b:s23+s4], $0x80, $0x38;
	[tilespmem:$0x1CD80] =	vst v63  }
0xcc: {  	_ =	swait.ge [sflag:s15], $0x80  }
0xcd: {  	[sflag:s15] =	ssyncset.done $0x0  }
0xce: {  	[sflag:s15] =	ssyncadd.s32 $0xFFFFFF80  }
0xcf: {  	v0 =	vld [tilespmem:$0xD0]  }
0xd0: {  	v1 =	vld [tilespmem:$0xB0]  }
0xd1: {  	v2 =	vld [tilespmem:$0xA0]  }
0xd2: {  	v3 =	vld [tilespmem:$0x90]  }
0xd3: {  	v4 =	vld [tilespmem:$0xC0]  }
0xd4: {  	v5 =	vld [tilespmem:$0x80];
	v0 =	vadd.s32 $0xFFFF9E00, v0  }
0xd5: {  	v1 =	vadd.s32 $0xFFFF9E00, v1;
	v0 =	vmin.u32 v0, $0x3100;
	v6 =	vld [tilespmem:$0xE0]  }
0xd6: {  	v2 =	vadd.s32 $0xFFFF9E00, v2;
	v1 =	vmin.u32 v1, $0x3100;
	[tilespmem:$0x150] =	vst v0;
	v7 =	vld [tilespmem:$0xF0]  }
.Ltmp2:
0xd7: {  	v0 =	vadd.s32 $0xFFFF9E00, v3;
	v2 =	vmin.u32 v2, $0x3100;
	[tilespmem:$0x130] =	vst v1;
	(pc) =	sbr.rel @p0 .LBB2_6-.Ltmp2, $4  }
0xd8: {  	v0 =	vmin.u32 v0, $0x3100;
	[tilespmem:$0x120] =	vst v2;
	v1 =	vadd.s32 $0xFFFF9E00, v4  }
0xd9: {  	v2 =	vadd.s32 $0xFFFF9E00, v5;
	[tilespmem:$0x110] =	vst v0;
	v0 =	vmin.u32 v1, $0x3100  }
0xda: {  	v1 =	vmin.u32 v2, $0x3100;
	[tilespmem:$0x140] =	vst v0;
	v0 =	vadd.s32 $0xFFFF9E00, v6  }
0xdb: {  	[tilespmem:$0x100] =	vst v1;
	v0 =	vmin.u32 v0, $0x3100;
	v1 =	vadd.s32 $0xFFFF9E00, v7  }
0xdc: {  	[tilespmem:$0x160] =	vst v0;
	v0 =	vmin.u32 v1, $0x3100  }
0xdd: {  	[tilespmem:$0x170] =	vst v0  }
0xde: {  	[tilespmem:s17], [sflag:$0x1] =	stream.indirect.gather [hbm4b:s5+s16], $0x80, s4, s16, $0xb8;
	[tilespmem:$0x1CD80] =	vst v63  }
0xdf: {  	_ =	swait.ge [sflag:s18], $0x4000  }
0xe0: {  	[sflag:s18] =	ssyncset.done $0x0  }
0xe1: {  	[sflag:s18] =	ssyncadd.s32 $0xFFFFC000  }
0xe2: {  	[spmem:s3] =	stream.indirect.scatter.add.f32 [tilespmem:s17], [sflag:$0x2], $0x80, s19, s16, $0xb8;
	[tilespmem:$0x1CD80] =	vst v63  }
0xe3: {  	_ =	swait.ge [sflag:s15], $0x4000  }
0xe4: {  	[sflag:s15] =	ssyncset.done $0x0  }
0xe5: {  	[sflag:s15] =	ssyncadd.s32 $0xFFFFC000  }
0xe6: {  	[bflag:$0x0] =	sbarrier.arrive $0xFFFF  }
0xe7: {  	[hbm:s9], [sflag:s6] =	dma.local [spmem:s20], $0x3100  }
0xe8: {  	_ =	swait.ge [sflag:s15], $0x3100  }
0xe9: {  	[sflag:s15] =	ssyncset.done $0x0  }
0xea: {  	[sflag:s15] =	ssyncadd.s32 $0xFFFFCF00  }
0xeb: {  	[bflag:$0x0] =	sbarrier.arrive $0xFFFF  }
0xec: {  	[spmem:s14], [sflag:s6] =	dma.local [hbm:s2], $0x3180  }
0xed: {  	_ =	swait.ge [sflag:s15], $0x3180  }
0xee: {  	[sflag:s15] =	ssyncset.done $0x0  }
0xef: {  	[sflag:s15] =	ssyncadd.s32 $0xFFFFCE80  }
0xf0: {  	s22 =	sadd.s32 $0x0, s13;
	[bflag:$0x0] =	sbarrier.arrive $0xFFFF  }
0xf1: {  	[tilespmem:s4], [sflag:$0x2] =	stream.linear.gather [hbm4b:s22+s4], $0x80, $0x38;
	[tilespmem:$0x1CD80] =	vst v63  }
0xf2: {  	_ =	swait.ge [sflag:s15], $0x80  }
0xf3: {  	[sflag:s15] =	ssyncset.done $0x0  }
0xf4: {  	s31 =	sadd.s32 $0x0, s12;
	[sflag:s15] =	ssyncadd.s32 $0xFFFFFF80  }
0xf5: {  	[tilespmem:s16], [sflag:$0x2] =	stream.linear.gather [hbm4b:s31+s4], $0x80, $0x38;
	[tilespmem:$0x1CD80] =	vst v63  }
0xf6: {  	_ =	swait.ge [sflag:s15], $0x80  }
0xf7: {  	[sflag:s15] =	ssyncset.done $0x0  }
0xf8: {  	[sflag:s15] =	ssyncadd.s32 $0xFFFFFF80  }
0xf9: {  	v0 =	vld [tilespmem:$0xD0]  }
0xfa: {  	v1 =	vld [tilespmem:$0xB0]  }
0xfb: {  	v2 =	vld [tilespmem:$0xA0]  }
0xfc: {  	v3 =	vld [tilespmem:$0x90]  }
0xfd: {  	v4 =	vld [tilespmem:$0xC0]  }
0xfe: {  	v5 =	vld [tilespmem:$0x80];
	v0 =	vadd.s32 $0xFFFF6D00, v0  }
0xff: {  	v6 =	vld [tilespmem:$0xE0];
	v1 =	vadd.s32 $0xFFFF6D00, v1;
	v0 =	vmin.u32 v0, $0x3100  }
0x100: {  	v7 =	vld [tilespmem:$0xF0];
	v2 =	vadd.s32 $0xFFFF6D00, v2;
	v1 =	vmin.u32 v1, $0x3100;
	[tilespmem:$0x150] =	vst v0  }
0x101: {  	v2 =	vmin.u32 v2, $0x3100;
	v0 =	vadd.s32 $0xFFFF6D00, v3;
	[tilespmem:$0x130] =	vst v1  }
0x102: {  	[tilespmem:$0x120] =	vst v2;
	v1 =	vadd.s32 $0xFFFF6D00, v4;
	v0 =	vmin.u32 v0, $0x3100  }
0x103: {  	v2 =	vadd.s32 $0xFFFF6D00, v5;
	[tilespmem:$0x110] =	vst v0;
	v0 =	vmin.u32 v1, $0x3100  }
0x104: {  	v1 =	vmin.u32 v2, $0x3100;
	[tilespmem:$0x140] =	vst v0;
	v0 =	vadd.s32 $0xFFFF6D00, v6  }
0x105: {  	s22 =	simm.s32 $0x10;
	[tilespmem:$0x100] =	vst v1;
	v1 =	vadd.s32 $0xFFFF6D00, v7;
	v0 =	vmin.u32 v0, $0x3100  }
.LBB2_8:
0x106: {  	p0 =	sne.s32 s22, $0xC30;
	[tilespmem:$0x160] =	vst v0;
	v0 =	vmin.u32 v1, $0x3100;
	s23 =	smov.u32 s22;
	s22 =	sadd.s32 $0x10, s22  }
0x107: {  	[tilespmem:$0x170] =	vst v0  }
0x108: {  	[tilespmem:s17], [sflag:$0x1] =	stream.indirect.gather [hbm4b:s5+s16], $0x80, s4, s16, $0xb8;
	[tilespmem:$0x1CD80] =	vst v63  }
0x109: {  	_ =	swait.ge [sflag:s18], $0x4000  }
0x10a: {  	[sflag:s18] =	ssyncset.done $0x0  }
0x10b: {  	[sflag:s18] =	ssyncadd.s32 $0xFFFFC000  }
0x10c: {  	[spmem:s3] =	stream.indirect.scatter.add.f32 [tilespmem:s17], [sflag:$0x2], $0x80, s19, s16, $0xb8;
	[tilespmem:$0x1CD80] =	vst v63  }
0x10d: {  	s24 =	sadd.s32 s23, s13;
	_ =	swait.ge [sflag:s15], $0x4000  }
0x10e: {  	[sflag:s15] =	ssyncset.done $0x0  }
0x10f: {  	[sflag:s15] =	ssyncadd.s32 $0xFFFFC000  }
0x110: {  	[tilespmem:s4], [sflag:$0x2] =	stream.linear.gather [hbm4b:s24+s4], $0x80, $0x38;
	[tilespmem:$0x1CD80] =	vst v63  }
0x111: {  	_ =	swait.ge [sflag:s15], $0x80  }
0x112: {  	[sflag:s15] =	ssyncset.done $0x0  }
0x113: {  	s23 =	sadd.s32 s23, s12;
	[sflag:s15] =	ssyncadd.s32 $0xFFFFFF80  }
0x114: {  	[tilespmem:s16], [sflag:$0x2] =	stream.linear.gather [hbm4b:s23+s4], $0x80, $0x38;
	[tilespmem:$0x1CD80] =	vst v63  }
0x115: {  	_ =	swait.ge [sflag:s15], $0x80  }
0x116: {  	[sflag:s15] =	ssyncset.done $0x0  }
0x117: {  	[sflag:s15] =	ssyncadd.s32 $0xFFFFFF80  }
0x118: {  	v0 =	vld [tilespmem:$0xD0]  }
0x119: {  	v1 =	vld [tilespmem:$0xB0]  }
0x11a: {  	v2 =	vld [tilespmem:$0xA0]  }
0x11b: {  	v3 =	vld [tilespmem:$0x90]  }
0x11c: {  	v4 =	vld [tilespmem:$0xC0]  }
0x11d: {  	v5 =	vld [tilespmem:$0x80];
	v0 =	vadd.s32 $0xFFFF6D00, v0  }
0x11e: {  	v1 =	vadd.s32 $0xFFFF6D00, v1;
	v0 =	vmin.u32 v0, $0x3100;
	v6 =	vld [tilespmem:$0xE0]  }
0x11f: {  	v2 =	vadd.s32 $0xFFFF6D00, v2;
	v1 =	vmin.u32 v1, $0x3100;
	[tilespmem:$0x150] =	vst v0;
	v7 =	vld [tilespmem:$0xF0]  }
.Ltmp3:
0x120: {  	v0 =	vadd.s32 $0xFFFF6D00, v3;
	v2 =	vmin.u32 v2, $0x3100;
	[tilespmem:$0x130] =	vst v1;
	(pc) =	sbr.rel @p0 .LBB2_8-.Ltmp3, $4  }
0x121: {  	v0 =	vmin.u32 v0, $0x3100;
	[tilespmem:$0x120] =	vst v2;
	v1 =	vadd.s32 $0xFFFF6D00, v4  }
0x122: {  	v2 =	vadd.s32 $0xFFFF6D00, v5;
	[tilespmem:$0x110] =	vst v0;
	v0 =	vmin.u32 v1, $0x3100  }
0x123: {  	v1 =	vmin.u32 v2, $0x3100;
	[tilespmem:$0x140] =	vst v0;
	v0 =	vadd.s32 $0xFFFF6D00, v6  }
0x124: {  	[tilespmem:$0x100] =	vst v1;
	v0 =	vmin.u32 v0, $0x3100;
	v1 =	vadd.s32 $0xFFFF6D00, v7  }
0x125: {  	[tilespmem:$0x160] =	vst v0;
	v63 =	vmin.u32 v1, $0x3100  }
0x126: {  	[tilespmem:$0x170] =	vst v63  }
0x127: {  	[tilespmem:s17], [sflag:$0x1] =	stream.indirect.gather [hbm4b:s5+s16], $0x80, s4, s16, $0xb8;
	[tilespmem:$0x1CD80] =	vst v63  }
0x128: {  	_ =	swait.ge [sflag:s18], $0x4000  }
0x129: {  	[sflag:s18] =	ssyncset.done $0x0  }
0x12a: {  	[sflag:s18] =	ssyncadd.s32 $0xFFFFC000  }
0x12b: {  	[spmem:s3] =	stream.indirect.scatter.add.f32 [tilespmem:s17], [sflag:$0x2], $0x80, s19, s16, $0xb8;
	[tilespmem:$0x1CD80] =	vst v63  }
0x12c: {  	_ =	swait.ge [sflag:s15], $0x4000  }
0x12d: {  	[sflag:s15] =	ssyncset.done $0x0  }
0x12e: {  	s21 =	sadd.s32 $0x1, s21;
	[sflag:s15] =	ssyncadd.s32 $0xFFFFC000  }
0x12f: {  	p0 =	sne.s32 s21, s11;
	[bflag:$0x0] =	sbarrier.arrive $0xFFFF  }
0x130: {  	[hbm:s10], [sflag:s6] =	dma.local [spmem:s20], $0x3100  }
.Ltmp4:
0x131: {  	_ =	swait.ge [sflag:s15], $0x3100;
	(pc) =	sbr.rel @p0 .LBB2_1-.Ltmp4, $3  }
0x132: {  	[sflag:s15] =	ssyncset.done $0x0  }
0x133: {  	[sflag:s15] =	ssyncadd.s32 $0xFFFFCF00  }
0x134: {  	[bflag:$0x0] =	sbarrier.arrive $0xFFFF;
	_ =	sdelay $0x1  }
0x135: {  	_ =	sfence.sel $0x180000  }
0x136: {  	[bflag:$0x0] =	sbarrier.arrive $0xFFFF  }
0x137: {  	p0 =	sne.s32 s0, $0x0;
	_ =	strace $0x90000047  }
0x138: {  	s0 =	sadd.s32 @!p0 $0x100000, s1;
	[bflag:$0x2] =	sbarrier.arrive $0xFFFF  }
0x139: {  	[sflag:s0] =	ssyncadd.tile.s32 @!p0 $0x1;
	_ =	shalt  }
.Lfunc_end2:
_tile_overlayer_lowered:
.L_overlay_start_2:
0x13a: {  	(tag) =	ssettag $0x2  }
0x13b: {  	s0 =	rddreg [dreg:$0x0];
	s2 =	stileid.u32  }
0x13c: {  	s1 =	rddreg [dreg:$0x1];
	p0 =	sne.s32 s2, $0x0  }
0x13d: {  	s3 =	rddreg [dreg:$0x2];
	[bflag:$0x3] =	sbarrier.arrive $0xFFFF;
	s2 =	simm.s32 @!p0 $0x1C02  }
0x13e: {  	[timem:s3], [sflag:s2] =	dma.local @!p0 [hbm:s0], s1  }
0x13f: {  	s0 =	simm.s32 @!p0 $0x2  }
0x140: {  	_ =	swait.ge @!p0 [sflag:s0], s1  }
0x141: {  	s1 =	ssub.s32 @!p0 $0x0, s1;
	[sflag:s0] =	ssyncset.done @!p0 $0x0  }
0x142: {  	[sflag:s0] =	ssyncadd.s32 @!p0 s1  }
0x143: {  	[bflag:$0x3] =	sbarrier.arrive $0xFFFF  }
0x144: {  	_ =	shalt  }

</sc_bundles>
